<compile_context>
chip_gen: v7x
topology: tpu7x:2x2x1
jax: 0.10.2.dev20260603
libtpu: 0.0.44.dev20260713+nightly
codegen_flags: <defaults>
</compile_context>

<pallas_src>
import functools

import jax
import jax.numpy as jnp
from jax import lax
from jax.experimental import pallas as pl
from jax.experimental.pallas import tpu as pltpu
from jax.experimental.pallas import tpu_sc as plsc

_NUM_NETS = 8
_NUM_PROXIES = 100000
_EMBED_DIM = 16
_B = 26
_LANES = 128
_ROWS = _NUM_PROXIES * _EMBED_DIM // _LANES


def _z_body(scond_ref, perm_ref, t_ref, z_ref):
    z_ref[...] = t_ref[...]


def _z_copy(t3, scond, perm):
    grid_spec = pltpu.PrefetchScalarGridSpec(
        num_scalar_prefetch=2,
        grid=(_B,),
        in_specs=[
            pl.BlockSpec(
                (None, _ROWS, _LANES),
                lambda i, sc, pm: (sc[i], 0, 0),
            ),
        ],
        out_specs=[
            pl.BlockSpec(
                (None, _ROWS, _LANES),
                lambda i, sc, pm: (pm[i], 0, 0),
            ),
        ],
    )
    return pl.pallas_call(
        _z_body,
        grid_spec=grid_spec,
        out_shape=[
            jax.ShapeDtypeStruct((_B, _ROWS, _LANES), jnp.float32),
        ],
        compiler_params=pltpu.CompilerParams(
            dimension_semantics=("arbitrary",),
        ),
    )(scond, perm, t3)[0]


def _x_gather(t128, rowidx, sel):
    mesh = plsc.VectorSubcoreMesh(core_axis_name="c", subcore_axis_name="s")
    chunks = _LANES // _EMBED_DIM

    @functools.partial(
        pl.kernel,
        mesh=mesh,
        out_type=jax.ShapeDtypeStruct((_B, _EMBED_DIM), jnp.float32),
        scratch_types=[
            pltpu.VMEM((_B,), jnp.int32),
            pltpu.VMEM((_B, _EMBED_DIM), jnp.int32),
            pltpu.VMEM((_B, _LANES), jnp.float32),
            pltpu.VMEM((_B, _EMBED_DIM), jnp.float32),
            pltpu.SemaphoreType.DMA,
        ],
    )
    def k(t_hbm, ri_hbm, sel_hbm, out_hbm, ri_v, sel_v, rows_v, out_v, sem):
        wid = lax.axis_index("s") * 2 + lax.axis_index("c")

        @pl.when(wid == 0)
        def _():
            pltpu.sync_copy(ri_hbm, ri_v)
            pltpu.sync_copy(sel_hbm, sel_v)
            pltpu.async_copy(t_hbm.at[ri_v], rows_v, sem).wait()
            for b in range(_B):
                s = sel_v[b, :]
                acc = jnp.zeros((_EMBED_DIM,), jnp.float32)
                for c in range(chunks):
                    chunk = rows_v[b, pl.ds(c * _EMBED_DIM, _EMBED_DIM)]
                    acc = jnp.where(s == c, chunk, acc)
                out_v[b, :] = acc
            pltpu.sync_copy(out_v, out_hbm)

    return k(t128, rowidx, sel)


def kernel(tables, cond, adjs):
    perm = jnp.argsort(cond).astype(jnp.int32)
    scond = cond[perm]

    t3 = tables.reshape(_NUM_NETS, _ROWS, _LANES)
    z = _z_copy(t3, scond, perm).reshape(_B, _NUM_PROXIES, _EMBED_DIM)

    t128 = tables.reshape(_NUM_NETS * _NUM_PROXIES * _EMBED_DIM // _LANES, _LANES)
    g = cond * _NUM_PROXIES + adjs
    rowidx = g // (_LANES // _EMBED_DIM)
    sel = jnp.broadcast_to(
        (g % (_LANES // _EMBED_DIM))[:, None], (_B, _EMBED_DIM)
    ).astype(jnp.int32)
    x = _x_gather(t128, rowidx, sel)
    return (x, z)

# --- scband reference (transcript-rebuilt; emitter-appended) ---
"""Pipeline reference for scband-multi-proxy-net-79731772883627 (READ-ONLY COPY).

The authoritative reference and input builder live on the scoring server;
editing this copy changes nothing except your own understanding.
"""

import jax, jax.numpy as jnp
import numpy as np

NUM_NETS = 8
NUM_PROXIES = 100000
EMBED_DIM = 16
B = 26


def setup_inputs(seed: int = 0) -> dict:
    key = jax.random.key(seed)
    k1, k2, k3 = jax.random.split(key, 3)
    # The torch module wraps a ModuleList of proxy nets; each net holds a
    # learnable proxy table (nn.Embedding-like `proxies.weight`). We materialize
    # all NUM_NETS tables as one stacked parameter tensor.
    tables = jax.random.normal(k1, (NUM_NETS, NUM_PROXIES, EMBED_DIM), dtype=jnp.float32)
    cond = jax.random.randint(k2, (B,), 0, NUM_NETS, dtype=jnp.int32)
    adjs = jax.random.randint(k3, (B,), 0, NUM_PROXIES, dtype=jnp.int32)
    return {"tables": tables, "cond": cond, "adjs": adjs}


def reference(tables, cond, adjs):
    # x = torch.cat([self.embs[c](LongTensor([a])) for c, a in zip(cond, adjs)])
    #   -> per-pair embedding lookup: row `a` of net `c`'s proxy table.
    x = tables[cond, adjs]  # [B, EMBED_DIM]
    # Z = [self.embs[c].proxies.weight for c in cond]
    #   -> full proxy table of each selected net, stacked along batch dim.
    Z = jnp.take(tables, cond, axis=0)  # [B, NUM_PROXIES, EMBED_DIM]
    return (x, Z)

if __name__ == "__main__":
    import jax
    _d = setup_inputs()
    print(jax.jit(kernel)(*tuple(_d.values())))

</pallas_src>

<mosaic_0001>
#map = affine_map<(d0, d1) -> (0, 0)>
#map1 = affine_map<(d0, d1) -> (0)>
module attributes {stable_mosaic.version = 14 : i64} {
  func.func @k(%arg0: i32, %arg1: i32, %arg2: memref<100000x128xf32, #tpu.memory_space<hbm>>, %arg3: memref<26xi32, #tpu.memory_space<hbm>>, %arg4: memref<26x16xi32, #tpu.memory_space<hbm>>, %arg5: memref<26x16xf32, #tpu.memory_space<hbm>>, %arg6: memref<26xi32, #tpu.memory_space<vmem>>, %arg7: memref<26x16xi32, #tpu.memory_space<vmem>>, %arg8: memref<26x128xf32, #tpu.memory_space<vmem>>, %arg9: memref<26x16xf32, #tpu.memory_space<vmem>>, %arg10: memref<!tpu.dma_semaphore, #tpu.memory_space<semaphore_mem>>) attributes {dimension_semantics = [#tpu.dimension_semantics<core_parallel>, #tpu.dimension_semantics<subcore_parallel>], iteration_bounds = array<i64: 2, 16>, scalar_prefetch = 0 : i64, scratch_operands = 5 : i64, tpu.core_type = #tpu.core_type<sc_vector_subcore>, window_params = [{transform_indices = #map}, {transform_indices = #map1}, {transform_indices = #map}, {transform_indices = #map}]} {
    %mul3A = arith.constant 2 : i32
    %mul3A_0 = arith.muli %arg1, %mul3A : i32
    %add3A = arith.addi %mul3A_0, %arg0 : i32
    %eq3A = arith.constant 0 : i32
    %eq3A_1 = arith.cmpi eq, %add3A, %eq3A : i32
    %convert_element_type3A = arith.extui %eq3A_1 : i1 to i32
    %cond3A = arith.constant 0 : i32
    %cond3A_2 = arith.cmpi ne, %convert_element_type3A, %cond3A : i32
    scf.if %cond3A_2 {
      "tpu.region"() ({
        %run_scoped3A = tpu.sem_alloc : memref<!tpu.dma_semaphore, #tpu.memory_space<semaphore_mem>>
        tpu.enqueue_dma source(%arg3 : memref<26xi32, #tpu.memory_space<hbm>>) target(%arg6 : memref<26xi32, #tpu.memory_space<vmem>>) target_semaphore(%run_scoped3A : memref<!tpu.dma_semaphore, #tpu.memory_space<semaphore_mem>>)
        tpu.wait_dma2 semaphore(%run_scoped3A : memref<!tpu.dma_semaphore, #tpu.memory_space<semaphore_mem>>) src(%arg3 : memref<26xi32, #tpu.memory_space<hbm>>) dst(%arg6 : memref<26xi32, #tpu.memory_space<vmem>>)
        tpu.yield
      }) : () -> ()
      "tpu.region"() ({
        %run_scoped3A = tpu.sem_alloc : memref<!tpu.dma_semaphore, #tpu.memory_space<semaphore_mem>>
        tpu.enqueue_dma source(%arg4 : memref<26x16xi32, #tpu.memory_space<hbm>>) target(%arg7 : memref<26x16xi32, #tpu.memory_space<vmem>>) target_semaphore(%run_scoped3A : memref<!tpu.dma_semaphore, #tpu.memory_space<semaphore_mem>>)
        tpu.wait_dma2 semaphore(%run_scoped3A : memref<!tpu.dma_semaphore, #tpu.memory_space<semaphore_mem>>) src(%arg4 : memref<26x16xi32, #tpu.memory_space<hbm>>) dst(%arg7 : memref<26x16xi32, #tpu.memory_space<vmem>>)
        tpu.yield
      }) : () -> ()
      %dma_start3A = arith.constant 0 : i32
      %dma_start3A_3 = arith.constant 0 : i32
      %dma_start3A_4 = tpu.memref_slice %arg2[%dma_start3A, %dma_start3A_3] : memref<100000x128xf32, #tpu.memory_space<hbm>> -> memref<100000x128xf32, #tpu.memory_space<hbm>>
      tpu.enqueue_indirect_dma source(%dma_start3A_4 : memref<100000x128xf32, #tpu.memory_space<hbm>>) target(%arg8 : memref<26x128xf32, #tpu.memory_space<vmem>>) offsets(%arg6 : memref<26xi32, #tpu.memory_space<vmem>>) semaphore(%arg10 : memref<!tpu.dma_semaphore, #tpu.memory_space<semaphore_mem>>)
      %dma_wait3A = arith.constant 0 : i32
      %dma_wait3A_5 = arith.constant 0 : i32
      %dma_wait3A_6 = tpu.memref_slice %arg2[%dma_wait3A, %dma_wait3A_5] : memref<100000x128xf32, #tpu.memory_space<hbm>> -> memref<100000x128xf32, #tpu.memory_space<hbm>>
      tpu.wait_indirect_dma semaphore(%arg10 : memref<!tpu.dma_semaphore, #tpu.memory_space<semaphore_mem>>) src(%dma_wait3A_6 : memref<100000x128xf32, #tpu.memory_space<hbm>>) dst(%arg8 : memref<26x128xf32, #tpu.memory_space<vmem>>)
      %get3A = arith.constant 0 : i32
      %get3A_7 = arith.index_cast %get3A : i32 to index
      %get3A_8 = arith.constant 0 : index
      %get3A_9 = tpu.vector_load %arg7[%get3A_7, %get3A_8] {strides = array<i32>} : memref<26x16xi32, #tpu.memory_space<vmem>>, vector<1x16xi32>,
      %get3A_10 = vector.shape_cast %get3A_9 : vector<1x16xi32> to vector<16xi32>
      %broadcast_in_dim3A = arith.constant 0.000000e+00 : f32
      %broadcast_in_dim3A_11 = vector.broadcast %broadcast_in_dim3A : f32 to vector<16xf32>
      %get3A_12 = arith.constant 0 : i32
      %get3A_13 = arith.index_cast %get3A_12 : i32 to index
      %get3A_14 = arith.constant 0 : index
      %get3A_15 = tpu.vector_load %arg8[%get3A_13, %get3A_14] {strides = array<i32>} : memref<26x128xf32, #tpu.memory_space<vmem>>, vector<1x16xf32>,
      %get3A_16 = vector.shape_cast %get3A_15 : vector<1x16xf32> to vector<16xf32>
      %eq3A_17 = arith.constant 0 : i32
      %eq3A_18 = vector.broadcast %eq3A_17 : i32 to vector<16xi32>
      %eq3A_19 = arith.cmpi eq, %get3A_10, %eq3A_18 : vector<16xi32>
      %select_n3A = arith.select %eq3A_19, %get3A_16, %broadcast_in_dim3A_11 : vector<16xi1>, vector<16xf32>
      %get3A_20 = arith.constant 0 : i32
      %get3A_21 = arith.index_cast %get3A_20 : i32 to index
      %get3A_22 = arith.constant 16 : index
      %get3A_23 = tpu.vector_load %arg8[%get3A_21, %get3A_22] {strides = array<i32>} : memref<26x128xf32, #tpu.memory_space<vmem>>, vector<1x16xf32>,
      %get3A_24 = vector.shape_cast %get3A_23 : vector<1x16xf32> to vector<16xf32>
      %eq3A_25 = arith.constant 1 : i32
      %eq3A_26 = vector.broadcast %eq3A_25 : i32 to vector<16xi32>
      %eq3A_27 = arith.cmpi eq, %get3A_10, %eq3A_26 : vector<16xi32>
      %select_n3A_28 = arith.select %eq3A_27, %get3A_24, %select_n3A : vector<16xi1>, vector<16xf32>
      %get3A_29 = arith.constant 0 : i32
      %get3A_30 = arith.index_cast %get3A_29 : i32 to index
      %get3A_31 = arith.constant 32 : index
      %get3A_32 = tpu.vector_load %arg8[%get3A_30, %get3A_31] {strides = array<i32>} : memref<26x128xf32, #tpu.memory_space<vmem>>, vector<1x16xf32>,
      %get3A_33 = vector.shape_cast %get3A_32 : vector<1x16xf32> to vector<16xf32>
      %eq3A_34 = arith.constant 2 : i32
      %eq3A_35 = vector.broadcast %eq3A_34 : i32 to vector<16xi32>
      %eq3A_36 = arith.cmpi eq, %get3A_10, %eq3A_35 : vector<16xi32>
      %select_n3A_37 = arith.select %eq3A_36, %get3A_33, %select_n3A_28 : vector<16xi1>, vector<16xf32>
      %get3A_38 = arith.constant 0 : i32
      %get3A_39 = arith.index_cast %get3A_38 : i32 to index
      %get3A_40 = arith.constant 48 : index
      %get3A_41 = tpu.vector_load %arg8[%get3A_39, %get3A_40] {strides = array<i32>} : memref<26x128xf32, #tpu.memory_space<vmem>>, vector<1x16xf32>,
      %get3A_42 = vector.shape_cast %get3A_41 : vector<1x16xf32> to vector<16xf32>
      %eq3A_43 = arith.constant 3 : i32
      %eq3A_44 = vector.broadcast %eq3A_43 : i32 to vector<16xi32>
      %eq3A_45 = arith.cmpi eq, %get3A_10, %eq3A_44 : vector<16xi32>
      %select_n3A_46 = arith.select %eq3A_45, %get3A_42, %select_n3A_37 : vector<16xi1>, vector<16xf32>
      %get3A_47 = arith.constant 0 : i32
      %get3A_48 = arith.index_cast %get3A_47 : i32 to index
      %get3A_49 = arith.constant 64 : index
      %get3A_50 = tpu.vector_load %arg8[%get3A_48, %get3A_49] {strides = array<i32>} : memref<26x128xf32, #tpu.memory_space<vmem>>, vector<1x16xf32>,
      %get3A_51 = vector.shape_cast %get3A_50 : vector<1x16xf32> to vector<16xf32>
      %eq3A_52 = arith.constant 4 : i32
      %eq3A_53 = vector.broadcast %eq3A_52 : i32 to vector<16xi32>
      %eq3A_54 = arith.cmpi eq, %get3A_10, %eq3A_53 : vector<16xi32>
      %select_n3A_55 = arith.select %eq3A_54, %get3A_51, %select_n3A_46 : vector<16xi1>, vector<16xf32>
      %get3A_56 = arith.constant 0 : i32
      %get3A_57 = arith.index_cast %get3A_56 : i32 to index
      %get3A_58 = arith.constant 80 : index
      %get3A_59 = tpu.vector_load %arg8[%get3A_57, %get3A_58] {strides = array<i32>} : memref<26x128xf32, #tpu.memory_space<vmem>>, vector<1x16xf32>,
      %get3A_60 = vector.shape_cast %get3A_59 : vector<1x16xf32> to vector<16xf32>
      %eq3A_61 = arith.constant 5 : i32
      %eq3A_62 = vector.broadcast %eq3A_61 : i32 to vector<16xi32>
      %eq3A_63 = arith.cmpi eq, %get3A_10, %eq3A_62 : vector<16xi32>
      %select_n3A_64 = arith.select %eq3A_63, %get3A_60, %select_n3A_55 : vector<16xi1>, vector<16xf32>
      %get3A_65 = arith.constant 0 : i32
      %get3A_66 = arith.index_cast %get3A_65 : i32 to index
      %get3A_67 = arith.constant 96 : index
      %get3A_68 = tpu.vector_load %arg8[%get3A_66, %get3A_67] {strides = array<i32>} : memref<26x128xf32, #tpu.memory_space<vmem>>, vector<1x16xf32>,
      %get3A_69 = vector.shape_cast %get3A_68 : vector<1x16xf32> to vector<16xf32>
      %eq3A_70 = arith.constant 6 : i32
      %eq3A_71 = vector.broadcast %eq3A_70 : i32 to vector<16xi32>
      %eq3A_72 = arith.cmpi eq, %get3A_10, %eq3A_71 : vector<16xi32>
      %select_n3A_73 = arith.select %eq3A_72, %get3A_69, %select_n3A_64 : vector<16xi1>, vector<16xf32>
      %get3A_74 = arith.constant 0 : i32
      %get3A_75 = arith.index_cast %get3A_74 : i32 to index
      %get3A_76 = arith.constant 112 : index
      %get3A_77 = tpu.vector_load %arg8[%get3A_75, %get3A_76] {strides = array<i32>} : memref<26x128xf32, #tpu.memory_space<vmem>>, vector<1x16xf32>,
      %get3A_78 = vector.shape_cast %get3A_77 : vector<1x16xf32> to vector<16xf32>
      %eq3A_79 = arith.constant 7 : i32
      %eq3A_80 = vector.broadcast %eq3A_79 : i32 to vector<16xi32>
      %eq3A_81 = arith.cmpi eq, %get3A_10, %eq3A_80 : vector<16xi32>
      %select_n3A_82 = arith.select %eq3A_81, %get3A_78, %select_n3A_73 : vector<16xi1>, vector<16xf32>
      %swap3A = arith.constant 0 : i32
      %swap3A_83 = arith.index_cast %swap3A : i32 to index
      %swap3A_84 = arith.constant 0 : index
      %swap3A_85 = tpu.vector_load %arg9[%swap3A_83, %swap3A_84] {strides = array<i32>} : memref<26x16xf32, #tpu.memory_space<vmem>>, vector<1x16xf32>,
      %swap3A_86 = vector.shape_cast %swap3A_85 : vector<1x16xf32> to vector<16xf32>
      %swap3A_87 = vector.shape_cast %select_n3A_82 : vector<16xf32> to vector<1x16xf32>
      tpu.vector_store %arg9[%swap3A_83, %swap3A_84], %swap3A_87 {strides = array<i32>} : memref<26x16xf32, #tpu.memory_space<vmem>>, vector<1x16xf32>,
      %get3A_88 = arith.constant 1 : i32
      %get3A_89 = arith.index_cast %get3A_88 : i32 to index
      %get3A_90 = arith.constant 0 : index
      %get3A_91 = tpu.vector_load %arg7[%get3A_89, %get3A_90] {strides = array<i32>} : memref<26x16xi32, #tpu.memory_space<vmem>>, vector<1x16xi32>,
      %get3A_92 = vector.shape_cast %get3A_91 : vector<1x16xi32> to vector<16xi32>
      %broadcast_in_dim3A_93 = arith.constant 0.000000e+00 : f32
      %broadcast_in_dim3A_94 = vector.broadcast %broadcast_in_dim3A_93 : f32 to vector<16xf32>
      %get3A_95 = arith.constant 1 : i32
      %get3A_96 = arith.index_cast %get3A_95 : i32 to index
      %get3A_97 = arith.constant 0 : index
      %get3A_98 = tpu.vector_load %arg8[%get3A_96, %get3A_97] {strides = array<i32>} : memref<26x128xf32, #tpu.memory_space<vmem>>, vector<1x16xf32>,
      %get3A_99 = vector.shape_cast %get3A_98 : vector<1x16xf32> to vector<16xf32>
      %eq3A_100 = arith.constant 0 : i32
      %eq3A_101 = vector.broadcast %eq3A_100 : i32 to vector<16xi32>
      %eq3A_102 = arith.cmpi eq, %get3A_92, %eq3A_101 : vector<16xi32>
      %select_n3A_103 = arith.select %eq3A_102, %get3A_99, %broadcast_in_dim3A_94 : vector<16xi1>, vector<16xf32>
      %get3A_104 = arith.constant 1 : i32
      %get3A_105 = arith.index_cast %get3A_104 : i32 to index
      %get3A_106 = arith.constant 16 : index
      %get3A_107 = tpu.vector_load %arg8[%get3A_105, %get3A_106] {strides = array<i32>} : memref<26x128xf32, #tpu.memory_space<vmem>>, vector<1x16xf32>,
      %get3A_108 = vector.shape_cast %get3A_107 : vector<1x16xf32> to vector<16xf32>
      %eq3A_109 = arith.constant 1 : i32
      %eq3A_110 = vector.broadcast %eq3A_109 : i32 to vector<16xi32>
      %eq3A_111 = arith.cmpi eq, %get3A_92, %eq3A_110 : vector<16xi32>
      %select_n3A_112 = arith.select %eq3A_111, %get3A_108, %select_n3A_103 : vector<16xi1>, vector<16xf32>
      %get3A_113 = arith.constant 1 : i32
      %get3A_114 = arith.index_cast %get3A_113 : i32 to index
      %get3A_115 = arith.constant 32 : index
      %get3A_116 = tpu.vector_load %arg8[%get3A_114, %get3A_115] {strides = array<i32>} : memref<26x128xf32, #tpu.memory_space<vmem>>, vector<1x16xf32>,
      %get3A_117 = vector.shape_cast %get3A_116 : vector<1x16xf32> to vector<16xf32>
      %eq3A_118 = arith.constant 2 : i32
      %eq3A_119 = vector.broadcast %eq3A_118 : i32 to vector<16xi32>
      %eq3A_120 = arith.cmpi eq, %get3A_92, %eq3A_119 : vector<16xi32>
      %select_n3A_121 = arith.select %eq3A_120, %get3A_117, %select_n3A_112 : vector<16xi1>, vector<16xf32>
      %get3A_122 = arith.constant 1 : i32
      %get3A_123 = arith.index_cast %get3A_122 : i32 to index
      %get3A_124 = arith.constant 48 : index
      %get3A_125 = tpu.vector_load %arg8[%get3A_123, %get3A_124] {strides = array<i32>} : memref<26x128xf32, #tpu.memory_space<vmem>>, vector<1x16xf32>,
      %get3A_126 = vector.shape_cast %get3A_125 : vector<1x16xf32> to vector<16xf32>
      %eq3A_127 = arith.constant 3 : i32
      %eq3A_128 = vector.broadcast %eq3A_127 : i32 to vector<16xi32>
      %eq3A_129 = arith.cmpi eq, %get3A_92, %eq3A_128 : vector<16xi32>
      %select_n3A_130 = arith.select %eq3A_129, %get3A_126, %select_n3A_121 : vector<16xi1>, vector<16xf32>
      %get3A_131 = arith.constant 1 : i32
      %get3A_132 = arith.index_cast %get3A_131 : i32 to index
      %get3A_133 = arith.constant 64 : index
      %get3A_134 = tpu.vector_load %arg8[%get3A_132, %get3A_133] {strides = array<i32>} : memref<26x128xf32, #tpu.memory_space<vmem>>, vector<1x16xf32>,
      %get3A_135 = vector.shape_cast %get3A_134 : vector<1x16xf32> to vector<16xf32>
      %eq3A_136 = arith.constant 4 : i32
      %eq3A_137 = vector.broadcast %eq3A_136 : i32 to vector<16xi32>
      %eq3A_138 = arith.cmpi eq, %get3A_92, %eq3A_137 : vector<16xi32>
      %select_n3A_139 = arith.select %eq3A_138, %get3A_135, %select_n3A_130 : vector<16xi1>, vector<16xf32>
      %get3A_140 = arith.constant 1 : i32
      %get3A_141 = arith.index_cast %get3A_140 : i32 to index
      %get3A_142 = arith.constant 80 : index
      %get3A_143 = tpu.vector_load %arg8[%get3A_141, %get3A_142] {strides = array<i32>} : memref<26x128xf32, #tpu.memory_space<vmem>>, vector<1x16xf32>,
      %get3A_144 = vector.shape_cast %get3A_143 : vector<1x16xf32> to vector<16xf32>
      %eq3A_145 = arith.constant 5 : i32
      %eq3A_146 = vector.broadcast %eq3A_145 : i32 to vector<16xi32>
      %eq3A_147 = arith.cmpi eq, %get3A_92, %eq3A_146 : vector<16xi32>
      %select_n3A_148 = arith.select %eq3A_147, %get3A_144, %select_n3A_139 : vector<16xi1>, vector<16xf32>
      %get3A_149 = arith.constant 1 : i32
      %get3A_150 = arith.index_cast %get3A_149 : i32 to index
      %get3A_151 = arith.constant 96 : index
      %get3A_152 = tpu.vector_load %arg8[%get3A_150, %get3A_151] {strides = array<i32>} : memref<26x128xf32, #tpu.memory_space<vmem>>, vector<1x16xf32>,
      %get3A_153 = vector.shape_cast %get3A_152 : vector<1x16xf32> to vector<16xf32>
      %eq3A_154 = arith.constant 6 : i32
      %eq3A_155 = vector.broadcast %eq3A_154 : i32 to vector<16xi32>
      %eq3A_156 = arith.cmpi eq, %get3A_92, %eq3A_155 : vector<16xi32>
      %select_n3A_157 = arith.select %eq3A_156, %get3A_153, %select_n3A_148 : vector<16xi1>, vector<16xf32>
      %get3A_158 = arith.constant 1 : i32
      %get3A_159 = arith.index_cast %get3A_158 : i32 to index
      %get3A_160 = arith.constant 112 : index
      %get3A_161 = tpu.vector_load %arg8[%get3A_159, %get3A_160] {strides = array<i32>} : memref<26x128xf32, #tpu.memory_space<vmem>>, vector<1x16xf32>,
      %get3A_162 = vector.shape_cast %get3A_161 : vector<1x16xf32> to vector<16xf32>
      %eq3A_163 = arith.constant 7 : i32
      %eq3A_164 = vector.broadcast %eq3A_163 : i32 to vector<16xi32>
      %eq3A_165 = arith.cmpi eq, %get3A_92, %eq3A_164 : vector<16xi32>
      %select_n3A_166 = arith.select %eq3A_165, %get3A_162, %select_n3A_157 : vector<16xi1>, vector<16xf32>
      %swap3A_167 = arith.constant 1 : i32
      %swap3A_168 = arith.index_cast %swap3A_167 : i32 to index
      %swap3A_169 = arith.constant 0 : index
      %swap3A_170 = tpu.vector_load %arg9[%swap3A_168, %swap3A_169] {strides = array<i32>} : memref<26x16xf32, #tpu.memory_space<vmem>>, vector<1x16xf32>,
      %swap3A_171 = vector.shape_cast %swap3A_170 : vector<1x16xf32> to vector<16xf32>
      %swap3A_172 = vector.shape_cast %select_n3A_166 : vector<16xf32> to vector<1x16xf32>
      tpu.vector_store %arg9[%swap3A_168, %swap3A_169], %swap3A_172 {strides = array<i32>} : memref<26x16xf32, #tpu.memory_space<vmem>>, vector<1x16xf32>,
      %get3A_173 = arith.constant 2 : i32
      %get3A_174 = arith.index_cast %get3A_173 : i32 to index
      %get3A_175 = arith.constant 0 : index
      %get3A_176 = tpu.vector_load %arg7[%get3A_174, %get3A_175] {strides = array<i32>} : memref<26x16xi32, #tpu.memory_space<vmem>>, vector<1x16xi32>,
      %get3A_177 = vector.shape_cast %get3A_176 : vector<1x16xi32> to vector<16xi32>
      %broadcast_in_dim3A_178 = arith.constant 0.000000e+00 : f32
      %broadcast_in_dim3A_179 = vector.broadcast %broadcast_in_dim3A_178 : f32 to vector<16xf32>
      %get3A_180 = arith.constant 2 : i32
      %get3A_181 = arith.index_cast %get3A_180 : i32 to index
      %get3A_182 = arith.constant 0 : index
      %get3A_183 = tpu.vector_load %arg8[%get3A_181, %get3A_182] {strides = array<i32>} : memref<26x128xf32, #tpu.memory_space<vmem>>, vector<1x16xf32>,
      %get3A_184 = vector.shape_cast %get3A_183 : vector<1x16xf32> to vector<16xf32>
      %eq3A_185 = arith.constant 0 : i32
      %eq3A_186 = vector.broadcast %eq3A_185 : i32 to vector<16xi32>
      %eq3A_187 = arith.cmpi eq, %get3A_177, %eq3A_186 : vector<16xi32>
      %select_n3A_188 = arith.select %eq3A_187, %get3A_184, %broadcast_in_dim3A_179 : vector<16xi1>, vector<16xf32>
      %get3A_189 = arith.constant 2 : i32
      %get3A_190 = arith.index_cast %get3A_189 : i32 to index
      %get3A_191 = arith.constant 16 : index
      %get3A_192 = tpu.vector_load %arg8[%get3A_190, %get3A_191] {strides = array<i32>} : memref<26x128xf32, #tpu.memory_space<vmem>>, vector<1x16xf32>,
      %get3A_193 = vector.shape_cast %get3A_192 : vector<1x16xf32> to vector<16xf32>
      %eq3A_194 = arith.constant 1 : i32
      %eq3A_195 = vector.broadcast %eq3A_194 : i32 to vector<16xi32>
      %eq3A_196 = arith.cmpi eq, %get3A_177, %eq3A_195 : vector<16xi32>
      %select_n3A_197 = arith.select %eq3A_196, %get3A_193, %select_n3A_188 : vector<16xi1>, vector<16xf32>
      %get3A_198 = arith.constant 2 : i32
      %get3A_199 = arith.index_cast %get3A_198 : i32 to index
      %get3A_200 = arith.constant 32 : index
      %get3A_201 = tpu.vector_load %arg8[%get3A_199, %get3A_200] {strides = array<i32>} : memref<26x128xf32, #tpu.memory_space<vmem>>, vector<1x16xf32>,
      %get3A_202 = vector.shape_cast %get3A_201 : vector<1x16xf32> to vector<16xf32>
      %eq3A_203 = arith.constant 2 : i32
      %eq3A_204 = vector.broadcast %eq3A_203 : i32 to vector<16xi32>
      %eq3A_205 = arith.cmpi eq, %get3A_177, %eq3A_204 : vector<16xi32>
      %select_n3A_206 = arith.select %eq3A_205, %get3A_202, %select_n3A_197 : vector<16xi1>, vector<16xf32>
      %get3A_207 = arith.constant 2 : i32
      %get3A_208 = arith.index_cast %get3A_207 : i32 to index
      %get3A_209 = arith.constant 48 : index
      %get3A_210 = tpu.vector_load %arg8[%get3A_208, %get3A_209] {strides = array<i32>} : memref<26x128xf32, #tpu.memory_space<vmem>>, vector<1x16xf32>,
      %get3A_211 = vector.shape_cast %get3A_210 : vector<1x16xf32> to vector<16xf32>
      %eq3A_212 = arith.constant 3 : i32
      %eq3A_213 = vector.broadcast %eq3A_212 : i32 to vector<16xi32>
      %eq3A_214 = arith.cmpi eq, %get3A_177, %eq3A_213 : vector<16xi32>
      %select_n3A_215 = arith.select %eq3A_214, %get3A_211, %select_n3A_206 : vector<16xi1>, vector<16xf32>
      %get3A_216 = arith.constant 2 : i32
      %get3A_217 = arith.index_cast %get3A_216 : i32 to index
      %get3A_218 = arith.constant 64 : index
      %get3A_219 = tpu.vector_load %arg8[%get3A_217, %get3A_218] {strides = array<i32>} : memref<26x128xf32, #tpu.memory_space<vmem>>, vector<1x16xf32>,
      %get3A_220 = vector.shape_cast %get3A_219 : vector<1x16xf32> to vector<16xf32>
      %eq3A_221 = arith.constant 4 : i32
      %eq3A_222 = vector.broadcast %eq3A_221 : i32 to vector<16xi32>
      %eq3A_223 = arith.cmpi eq, %get3A_177, %eq3A_222 : vector<16xi32>
      %select_n3A_224 = arith.select %eq3A_223, %get3A_220, %select_n3A_215 : vector<16xi1>, vector<16xf32>
      %get3A_225 = arith.constant 2 : i32
      %get3A_226 = arith.index_cast %get3A_225 : i32 to index
      %get3A_227 = arith.constant 80 : index
      %get3A_228 = tpu.vector_load %arg8[%get3A_226, %get3A_227] {strides = array<i32>} : memref<26x128xf32, #tpu.memory_space<vmem>>, vector<1x16xf32>,
      %get3A_229 = vector.shape_cast %get3A_228 : vector<1x16xf32> to vector<16xf32>
      %eq3A_230 = arith.constant 5 : i32
      %eq3A_231 = vector.broadcast %eq3A_230 : i32 to vector<16xi32>
      %eq3A_232 = arith.cmpi eq, %get3A_177, %eq3A_231 : vector<16xi32>
      %select_n3A_233 = arith.select %eq3A_232, %get3A_229, %select_n3A_224 : vector<16xi1>, vector<16xf32>
      %get3A_234 = arith.constant 2 : i32
      %get3A_235 = arith.index_cast %get3A_234 : i32 to index
      %get3A_236 = arith.constant 96 : index
      %get3A_237 = tpu.vector_load %arg8[%get3A_235, %get3A_236] {strides = array<i32>} : memref<26x128xf32, #tpu.memory_space<vmem>>, vector<1x16xf32>,
      %get3A_238 = vector.shape_cast %get3A_237 : vector<1x16xf32> to vector<16xf32>
      %eq3A_239 = arith.constant 6 : i32
      %eq3A_240 = vector.broadcast %eq3A_239 : i32 to vector<16xi32>
      %eq3A_241 = arith.cmpi eq, %get3A_177, %eq3A_240 : vector<16xi32>
      %select_n3A_242 = arith.select %eq3A_241, %get3A_238, %select_n3A_233 : vector<16xi1>, vector<16xf32>
      %get3A_243 = arith.constant 2 : i32
      %get3A_244 = arith.index_cast %get3A_243 : i32 to index
      %get3A_245 = arith.constant 112 : index
      %get3A_246 = tpu.vector_load %arg8[%get3A_244, %get3A_245] {strides = array<i32>} : memref<26x128xf32, #tpu.memory_space<vmem>>, vector<1x16xf32>,
      %get3A_247 = vector.shape_cast %get3A_246 : vector<1x16xf32> to vector<16xf32>
      %eq3A_248 = arith.constant 7 : i32
      %eq3A_249 = vector.broadcast %eq3A_248 : i32 to vector<16xi32>
      %eq3A_250 = arith.cmpi eq, %get3A_177, %eq3A_249 : vector<16xi32>
      %select_n3A_251 = arith.select %eq3A_250, %get3A_247, %select_n3A_242 : vector<16xi1>, vector<16xf32>
      %swap3A_252 = arith.constant 2 : i32
      %swap3A_253 = arith.index_cast %swap3A_252 : i32 to index
      %swap3A_254 = arith.constant 0 : index
      %swap3A_255 = tpu.vector_load %arg9[%swap3A_253, %swap3A_254] {strides = array<i32>} : memref<26x16xf32, #tpu.memory_space<vmem>>, vector<1x16xf32>,
      %swap3A_256 = vector.shape_cast %swap3A_255 : vector<1x16xf32> to vector<16xf32>
      %swap3A_257 = vector.shape_cast %select_n3A_251 : vector<16xf32> to vector<1x16xf32>
      tpu.vector_store %arg9[%swap3A_253, %swap3A_254], %swap3A_257 {strides = array<i32>} : memref<26x16xf32, #tpu.memory_space<vmem>>, vector<1x16xf32>,
      %get3A_258 = arith.constant 3 : i32
      %get3A_259 = arith.index_cast %get3A_258 : i32 to index
      %get3A_260 = arith.constant 0 : index
      %get3A_261 = tpu.vector_load %arg7[%get3A_259, %get3A_260] {strides = array<i32>} : memref<26x16xi32, #tpu.memory_space<vmem>>, vector<1x16xi32>,
      %get3A_262 = vector.shape_cast %get3A_261 : vector<1x16xi32> to vector<16xi32>
      %broadcast_in_dim3A_263 = arith.constant 0.000000e+00 : f32
      %broadcast_in_dim3A_264 = vector.broadcast %broadcast_in_dim3A_263 : f32 to vector<16xf32>
      %get3A_265 = arith.constant 3 : i32
      %get3A_266 = arith.index_cast %get3A_265 : i32 to index
      %get3A_267 = arith.constant 0 : index
      %get3A_268 = tpu.vector_load %arg8[%get3A_266, %get3A_267] {strides = array<i32>} : memref<26x128xf32, #tpu.memory_space<vmem>>, vector<1x16xf32>,
      %get3A_269 = vector.shape_cast %get3A_268 : vector<1x16xf32> to vector<16xf32>
      %eq3A_270 = arith.constant 0 : i32
      %eq3A_271 = vector.broadcast %eq3A_270 : i32 to vector<16xi32>
      %eq3A_272 = arith.cmpi eq, %get3A_262, %eq3A_271 : vector<16xi32>
      %select_n3A_273 = arith.select %eq3A_272, %get3A_269, %broadcast_in_dim3A_264 : vector<16xi1>, vector<16xf32>
      %get3A_274 = arith.constant 3 : i32
      %get3A_275 = arith.index_cast %get3A_274 : i32 to index
      %get3A_276 = arith.constant 16 : index
      %get3A_277 = tpu.vector_load %arg8[%get3A_275, %get3A_276] {strides = array<i32>} : memref<26x128xf32, #tpu.memory_space<vmem>>, vector<1x16xf32>,
      %get3A_278 = vector.shape_cast %get3A_277 : vector<1x16xf32> to vector<16xf32>
      %eq3A_279 = arith.constant 1 : i32
      %eq3A_280 = vector.broadcast %eq3A_279 : i32 to vector<16xi32>
      %eq3A_281 = arith.cmpi eq, %get3A_262, %eq3A_280 : vector<16xi32>
      %select_n3A_282 = arith.select %eq3A_281, %get3A_278, %select_n3A_273 : vector<16xi1>, vector<16xf32>
      %get3A_283 = arith.constant 3 : i32
      %get3A_284 = arith.index_cast %get3A_283 : i32 to index
      %get3A_285 = arith.constant 32 : index
      %get3A_286 = tpu.vector_load %arg8[%get3A_284, %get3A_285] {strides = array<i32>} : memref<26x128xf32, #tpu.memory_space<vmem>>, vector<1x16xf32>,
      %get3A_287 = vector.shape_cast %get3A_286 : vector<1x16xf32> to vector<16xf32>
      %eq3A_288 = arith.constant 2 : i32
      %eq3A_289 = vector.broadcast %eq3A_288 : i32 to vector<16xi32>
      %eq3A_290 = arith.cmpi eq, %get3A_262, %eq3A_289 : vector<16xi32>
      %select_n3A_291 = arith.select %eq3A_290, %get3A_287, %select_n3A_282 : vector<16xi1>, vector<16xf32>
      %get3A_292 = arith.constant 3 : i32
      %get3A_293 = arith.index_cast %get3A_292 : i32 to index
      %get3A_294 = arith.constant 48 : index
      %get3A_295 = tpu.vector_load %arg8[%get3A_293, %get3A_294] {strides = array<i32>} : memref<26x128xf32, #tpu.memory_space<vmem>>, vector<1x16xf32>,
      %get3A_296 = vector.shape_cast %get3A_295 : vector<1x16xf32> to vector<16xf32>
      %eq3A_297 = arith.constant 3 : i32
      %eq3A_298 = vector.broadcast %eq3A_297 : i32 to vector<16xi32>
      %eq3A_299 = arith.cmpi eq, %get3A_262, %eq3A_298 : vector<16xi32>
      %select_n3A_300 = arith.select %eq3A_299, %get3A_296, %select_n3A_291 : vector<16xi1>, vector<16xf32>
      %get3A_301 = arith.constant 3 : i32
      %get3A_302 = arith.index_cast %get3A_301 : i32 to index
      %get3A_303 = arith.constant 64 : index
      %get3A_304 = tpu.vector_load %arg8[%get3A_302, %get3A_303] {strides = array<i32>} : memref<26x128xf32, #tpu.memory_space<vmem>>, vector<1x16xf32>,
      %get3A_305 = vector.shape_cast %get3A_304 : vector<1x16xf32> to vector<16xf32>
      %eq3A_306 = arith.constant 4 : i32
      %eq3A_307 = vector.broadcast %eq3A_306 : i32 to vector<16xi32>
      %eq3A_308 = arith.cmpi eq, %get3A_262, %eq3A_307 : vector<16xi32>
      %select_n3A_309 = arith.select %eq3A_308, %get3A_305, %select_n3A_300 : vector<16xi1>, vector<16xf32>
      %get3A_310 = arith.constant 3 : i32
      %get3A_311 = arith.index_cast %get3A_310 : i32 to index
      %get3A_312 = arith.constant 80 : index
      %get3A_313 = tpu.vector_load %arg8[%get3A_311, %get3A_312] {strides = array<i32>} : memref<26x128xf32, #tpu.memory_space<vmem>>, vector<1x16xf32>,
      %get3A_314 = vector.shape_cast %get3A_313 : vector<1x16xf32> to vector<16xf32>
      %eq3A_315 = arith.constant 5 : i32
      %eq3A_316 = vector.broadcast %eq3A_315 : i32 to vector<16xi32>
      %eq3A_317 = arith.cmpi eq, %get3A_262, %eq3A_316 : vector<16xi32>
      %select_n3A_318 = arith.select %eq3A_317, %get3A_314, %select_n3A_309 : vector<16xi1>, vector<16xf32>
      %get3A_319 = arith.constant 3 : i32
      %get3A_320 = arith.index_cast %get3A_319 : i32 to index
      %get3A_321 = arith.constant 96 : index
      %get3A_322 = tpu.vector_load %arg8[%get3A_320, %get3A_321] {strides = array<i32>} : memref<26x128xf32, #tpu.memory_space<vmem>>, vector<1x16xf32>,
      %get3A_323 = vector.shape_cast %get3A_322 : vector<1x16xf32> to vector<16xf32>
      %eq3A_324 = arith.constant 6 : i32
      %eq3A_325 = vector.broadcast %eq3A_324 : i32 to vector<16xi32>
      %eq3A_326 = arith.cmpi eq, %get3A_262, %eq3A_325 : vector<16xi32>
      %select_n3A_327 = arith.select %eq3A_326, %get3A_323, %select_n3A_318 : vector<16xi1>, vector<16xf32>
      %get3A_328 = arith.constant 3 : i32
      %get3A_329 = arith.index_cast %get3A_328 : i32 to index
      %get3A_330 = arith.constant 112 : index
      %get3A_331 = tpu.vector_load %arg8[%get3A_329, %get3A_330] {strides = array<i32>} : memref<26x128xf32, #tpu.memory_space<vmem>>, vector<1x16xf32>,
      %get3A_332 = vector.shape_cast %get3A_331 : vector<1x16xf32> to vector<16xf32>
      %eq3A_333 = arith.constant 7 : i32
      %eq3A_334 = vector.broadcast %eq3A_333 : i32 to vector<16xi32>
      %eq3A_335 = arith.cmpi eq, %get3A_262, %eq3A_334 : vector<16xi32>
      %select_n3A_336 = arith.select %eq3A_335, %get3A_332, %select_n3A_327 : vector<16xi1>, vector<16xf32>
      %swap3A_337 = arith.constant 3 : i32
      %swap3A_338 = arith.index_cast %swap3A_337 : i32 to index
      %swap3A_339 = arith.constant 0 : index
      %swap3A_340 = tpu.vector_load %arg9[%swap3A_338, %swap3A_339] {strides = array<i32>} : memref<26x16xf32, #tpu.memory_space<vmem>>, vector<1x16xf32>,
      %swap3A_341 = vector.shape_cast %swap3A_340 : vector<1x16xf32> to vector<16xf32>
      %swap3A_342 = vector.shape_cast %select_n3A_336 : vector<16xf32> to vector<1x16xf32>
      tpu.vector_store %arg9[%swap3A_338, %swap3A_339], %swap3A_342 {strides = array<i32>} : memref<26x16xf32, #tpu.memory_space<vmem>>, vector<1x16xf32>,
      %get3A_343 = arith.constant 4 : i32
      %get3A_344 = arith.index_cast %get3A_343 : i32 to index
      %get3A_345 = arith.constant 0 : index
      %get3A_346 = tpu.vector_load %arg7[%get3A_344, %get3A_345] {strides = array<i32>} : memref<26x16xi32, #tpu.memory_space<vmem>>, vector<1x16xi32>,
      %get3A_347 = vector.shape_cast %get3A_346 : vector<1x16xi32> to vector<16xi32>
      %broadcast_in_dim3A_348 = arith.constant 0.000000e+00 : f32
      %broadcast_in_dim3A_349 = vector.broadcast %broadcast_in_dim3A_348 : f32 to vector<16xf32>
      %get3A_350 = arith.constant 4 : i32
      %get3A_351 = arith.index_cast %get3A_350 : i32 to index
      %get3A_352 = arith.constant 0 : index
      %get3A_353 = tpu.vector_load %arg8[%get3A_351, %get3A_352] {strides = array<i32>} : memref<26x128xf32, #tpu.memory_space<vmem>>, vector<1x16xf32>,
      %get3A_354 = vector.shape_cast %get3A_353 : vector<1x16xf32> to vector<16xf32>
      %eq3A_355 = arith.constant 0 : i32
      %eq3A_356 = vector.broadcast %eq3A_355 : i32 to vector<16xi32>
      %eq3A_357 = arith.cmpi eq, %get3A_347, %eq3A_356 : vector<16xi32>
      %select_n3A_358 = arith.select %eq3A_357, %get3A_354, %broadcast_in_dim3A_349 : vector<16xi1>, vector<16xf32>
      %get3A_359 = arith.constant 4 : i32
      %get3A_360 = arith.index_cast %get3A_359 : i32 to index
      %get3A_361 = arith.constant 16 : index
      %get3A_362 = tpu.vector_load %arg8[%get3A_360, %get3A_361] {strides = array<i32>} : memref<26x128xf32, #tpu.memory_space<vmem>>, vector<1x16xf32>,
      %get3A_363 = vector.shape_cast %get3A_362 : vector<1x16xf32> to vector<16xf32>
      %eq3A_364 = arith.constant 1 : i32
      %eq3A_365 = vector.broadcast %eq3A_364 : i32 to vector<16xi32>
      %eq3A_366 = arith.cmpi eq, %get3A_347, %eq3A_365 : vector<16xi32>
      %select_n3A_367 = arith.select %eq3A_366, %get3A_363, %select_n3A_358 : vector<16xi1>, vector<16xf32>
      %get3A_368 = arith.constant 4 : i32
      %get3A_369 = arith.index_cast %get3A_368 : i32 to index
      %get3A_370 = arith.constant 32 : index
      %get3A_371 = tpu.vector_load %arg8[%get3A_369, %get3A_370] {strides = array<i32>} : memref<26x128xf32, #tpu.memory_space<vmem>>, vector<1x16xf32>,
      %get3A_372 = vector.shape_cast %get3A_371 : vector<1x16xf32> to vector<16xf32>
      %eq3A_373 = arith.constant 2 : i32
      %eq3A_374 = vector.broadcast %eq3A_373 : i32 to vector<16xi32>
      %eq3A_375 = arith.cmpi eq, %get3A_347, %eq3A_374 : vector<16xi32>
      %select_n3A_376 = arith.select %eq3A_375, %get3A_372, %select_n3A_367 : vector<16xi1>, vector<16xf32>
      %get3A_377 = arith.constant 4 : i32
      %get3A_378 = arith.index_cast %get3A_377 : i32 to index
      %get3A_379 = arith.constant 48 : index
      %get3A_380 = tpu.vector_load %arg8[%get3A_378, %get3A_379] {strides = array<i32>} : memref<26x128xf32, #tpu.memory_space<vmem>>, vector<1x16xf32>,
      %get3A_381 = vector.shape_cast %get3A_380 : vector<1x16xf32> to vector<16xf32>
      %eq3A_382 = arith.constant 3 : i32
      %eq3A_383 = vector.broadcast %eq3A_382 : i32 to vector<16xi32>
      %eq3A_384 = arith.cmpi eq, %get3A_347, %eq3A_383 : vector<16xi32>
      %select_n3A_385 = arith.select %eq3A_384, %get3A_381, %select_n3A_376 : vector<16xi1>, vector<16xf32>
      %get3A_386 = arith.constant 4 : i32
      %get3A_387 = arith.index_cast %get3A_386 : i32 to index
      %get3A_388 = arith.constant 64 : index
      %get3A_389 = tpu.vector_load %arg8[%get3A_387, %get3A_388] {strides = array<i32>} : memref<26x128xf32, #tpu.memory_space<vmem>>, vector<1x16xf32>,
      %get3A_390 = vector.shape_cast %get3A_389 : vector<1x16xf32> to vector<16xf32>
      %eq3A_391 = arith.constant 4 : i32
      %eq3A_392 = vector.broadcast %eq3A_391 : i32 to vector<16xi32>
      %eq3A_393 = arith.cmpi eq, %get3A_347, %eq3A_392 : vector<16xi32>
      %select_n3A_394 = arith.select %eq3A_393, %get3A_390, %select_n3A_385 : vector<16xi1>, vector<16xf32>
      %get3A_395 = arith.constant 4 : i32
      %get3A_396 = arith.index_cast %get3A_395 : i32 to index
      %get3A_397 = arith.constant 80 : index
      %get3A_398 = tpu.vector_load %arg8[%get3A_396, %get3A_397] {strides = array<i32>} : memref<26x128xf32, #tpu.memory_space<vmem>>, vector<1x16xf32>,
      %get3A_399 = vector.shape_cast %get3A_398 : vector<1x16xf32> to vector<16xf32>
      %eq3A_400 = arith.constant 5 : i32
      %eq3A_401 = vector.broadcast %eq3A_400 : i32 to vector<16xi32>
      %eq3A_402 = arith.cmpi eq, %get3A_347, %eq3A_401 : vector<16xi32>
      %select_n3A_403 = arith.select %eq3A_402, %get3A_399, %select_n3A_394 : vector<16xi1>, vector<16xf32>
      %get3A_404 = arith.constant 4 : i32
      %get3A_405 = arith.index_cast %get3A_404 : i32 to index
      %get3A_406 = arith.constant 96 : index
      %get3A_407 = tpu.vector_load %arg8[%get3A_405, %get3A_406] {strides = array<i32>} : memref<26x128xf32, #tpu.memory_space<vmem>>, vector<1x16xf32>,
      %get3A_408 = vector.shape_cast %get3A_407 : vector<1x16xf32> to vector<16xf32>
      %eq3A_409 = arith.constant 6 : i32
      %eq3A_410 = vector.broadcast %eq3A_409 : i32 to vector<16xi32>
      %eq3A_411 = arith.cmpi eq, %get3A_347, %eq3A_410 : vector<16xi32>
      %select_n3A_412 = arith.select %eq3A_411, %get3A_408, %select_n3A_403 : vector<16xi1>, vector<16xf32>
      %get3A_413 = arith.constant 4 : i32
      %get3A_414 = arith.index_cast %get3A_413 : i32 to index
      %get3A_415 = arith.constant 112 : index
      %get3A_416 = tpu.vector_load %arg8[%get3A_414, %get3A_415] {strides = array<i32>} : memref<26x128xf32, #tpu.memory_space<vmem>>, vector<1x16xf32>,
      %get3A_417 = vector.shape_cast %get3A_416 : vector<1x16xf32> to vector<16xf32>
      %eq3A_418 = arith.constant 7 : i32
      %eq3A_419 = vector.broadcast %eq3A_418 : i32 to vector<16xi32>
      %eq3A_420 = arith.cmpi eq, %get3A_347, %eq3A_419 : vector<16xi32>
      %select_n3A_421 = arith.select %eq3A_420, %get3A_417, %select_n3A_412 : vector<16xi1>, vector<16xf32>
      %swap3A_422 = arith.constant 4 : i32
      %swap3A_423 = arith.index_cast %swap3A_422 : i32 to index
      %swap3A_424 = arith.constant 0 : index
      %swap3A_425 = tpu.vector_load %arg9[%swap3A_423, %swap3A_424] {strides = array<i32>} : memref<26x16xf32, #tpu.memory_space<vmem>>, vector<1x16xf32>,
      %swap3A_426 = vector.shape_cast %swap3A_425 : vector<1x16xf32> to vector<16xf32>
      %swap3A_427 = vector.shape_cast %select_n3A_421 : vector<16xf32> to vector<1x16xf32>
      tpu.vector_store %arg9[%swap3A_423, %swap3A_424], %swap3A_427 {strides = array<i32>} : memref<26x16xf32, #tpu.memory_space<vmem>>, vector<1x16xf32>,
      %get3A_428 = arith.constant 5 : i32
      %get3A_429 = arith.index_cast %get3A_428 : i32 to index
      %get3A_430 = arith.constant 0 : index
      %get3A_431 = tpu.vector_load %arg7[%get3A_429, %get3A_430] {strides = array<i32>} : memref<26x16xi32, #tpu.memory_space<vmem>>, vector<1x16xi32>,
      %get3A_432 = vector.shape_cast %get3A_431 : vector<1x16xi32> to vector<16xi32>
      %broadcast_in_dim3A_433 = arith.constant 0.000000e+00 : f32
      %broadcast_in_dim3A_434 = vector.broadcast %broadcast_in_dim3A_433 : f32 to vector<16xf32>
      %get3A_435 = arith.constant 5 : i32
      %get3A_436 = arith.index_cast %get3A_435 : i32 to index
      %get3A_437 = arith.constant 0 : index
      %get3A_438 = tpu.vector_load %arg8[%get3A_436, %get3A_437] {strides = array<i32>} : memref<26x128xf32, #tpu.memory_space<vmem>>, vector<1x16xf32>,
      %get3A_439 = vector.shape_cast %get3A_438 : vector<1x16xf32> to vector<16xf32>
      %eq3A_440 = arith.constant 0 : i32
      %eq3A_441 = vector.broadcast %eq3A_440 : i32 to vector<16xi32>
      %eq3A_442 = arith.cmpi eq, %get3A_432, %eq3A_441 : vector<16xi32>
      %select_n3A_443 = arith.select %eq3A_442, %get3A_439, %broadcast_in_dim3A_434 : vector<16xi1>, vector<16xf32>
      %get3A_444 = arith.constant 5 : i32
      %get3A_445 = arith.index_cast %get3A_444 : i32 to index
      %get3A_446 = arith.constant 16 : index
      %get3A_447 = tpu.vector_load %arg8[%get3A_445, %get3A_446] {strides = array<i32>} : memref<26x128xf32, #tpu.memory_space<vmem>>, vector<1x16xf32>,
      %get3A_448 = vector.shape_cast %get3A_447 : vector<1x16xf32> to vector<16xf32>
      %eq3A_449 = arith.constant 1 : i32
      %eq3A_450 = vector.broadcast %eq3A_449 : i32 to vector<16xi32>
      %eq3A_451 = arith.cmpi eq, %get3A_432, %eq3A_450 : vector<16xi32>
      %select_n3A_452 = arith.select %eq3A_451, %get3A_448, %select_n3A_443 : vector<16xi1>, vector<16xf32>
      %get3A_453 = arith.constant 5 : i32
      %get3A_454 = arith.index_cast %get3A_453 : i32 to index
      %get3A_455 = arith.constant 32 : index
      %get3A_456 = tpu.vector_load %arg8[%get3A_454, %get3A_455] {strides = array<i32>} : memref<26x128xf32, #tpu.memory_space<vmem>>, vector<1x16xf32>,
      %get3A_457 = vector.shape_cast %get3A_456 : vector<1x16xf32> to vector<16xf32>
      %eq3A_458 = arith.constant 2 : i32
      %eq3A_459 = vector.broadcast %eq3A_458 : i32 to vector<16xi32>
      %eq3A_460 = arith.cmpi eq, %get3A_432, %eq3A_459 : vector<16xi32>
      %select_n3A_461 = arith.select %eq3A_460, %get3A_457, %select_n3A_452 : vector<16xi1>, vector<16xf32>
      %get3A_462 = arith.constant 5 : i32
      %get3A_463 = arith.index_cast %get3A_462 : i32 to index
      %get3A_464 = arith.constant 48 : index
      %get3A_465 = tpu.vector_load %arg8[%get3A_463, %get3A_464] {strides = array<i32>} : memref<26x128xf32, #tpu.memory_space<vmem>>, vector<1x16xf32>,
      %get3A_466 = vector.shape_cast %get3A_465 : vector<1x16xf32> to vector<16xf32>
      %eq3A_467 = arith.constant 3 : i32
      %eq3A_468 = vector.broadcast %eq3A_467 : i32 to vector<16xi32>
      %eq3A_469 = arith.cmpi eq, %get3A_432, %eq3A_468 : vector<16xi32>
      %select_n3A_470 = arith.select %eq3A_469, %get3A_466, %select_n3A_461 : vector<16xi1>, vector<16xf32>
      %get3A_471 = arith.constant 5 : i32
      %get3A_472 = arith.index_cast %get3A_471 : i32 to index
      %get3A_473 = arith.constant 64 : index
      %get3A_474 = tpu.vector_load %arg8[%get3A_472, %get3A_473] {strides = array<i32>} : memref<26x128xf32, #tpu.memory_space<vmem>>, vector<1x16xf32>,
      %get3A_475 = vector.shape_cast %get3A_474 : vector<1x16xf32> to vector<16xf32>
      %eq3A_476 = arith.constant 4 : i32
      %eq3A_477 = vector.broadcast %eq3A_476 : i32 to vector<16xi32>
      %eq3A_478 = arith.cmpi eq, %get3A_432, %eq3A_477 : vector<16xi32>
      %select_n3A_479 = arith.select %eq3A_478, %get3A_475, %select_n3A_470 : vector<16xi1>, vector<16xf32>
      %get3A_480 = arith.constant 5 : i32
      %get3A_481 = arith.index_cast %get3A_480 : i32 to index
      %get3A_482 = arith.constant 80 : index
      %get3A_483 = tpu.vector_load %arg8[%get3A_481, %get3A_482] {strides = array<i32>} : memref<26x128xf32, #tpu.memory_space<vmem>>, vector<1x16xf32>,
      %get3A_484 = vector.shape_cast %get3A_483 : vector<1x16xf32> to vector<16xf32>
      %eq3A_485 = arith.constant 5 : i32
      %eq3A_486 = vector.broadcast %eq3A_485 : i32 to vector<16xi32>
      %eq3A_487 = arith.cmpi eq, %get3A_432, %eq3A_486 : vector<16xi32>
      %select_n3A_488 = arith.select %eq3A_487, %get3A_484, %select_n3A_479 : vector<16xi1>, vector<16xf32>
      %get3A_489 = arith.constant 5 : i32
      %get3A_490 = arith.index_cast %get3A_489 : i32 to index
      %get3A_491 = arith.constant 96 : index
      %get3A_492 = tpu.vector_load %arg8[%get3A_490, %get3A_491] {strides = array<i32>} : memref<26x128xf32, #tpu.memory_space<vmem>>, vector<1x16xf32>,
      %get3A_493 = vector.shape_cast %get3A_492 : vector<1x16xf32> to vector<16xf32>
      %eq3A_494 = arith.constant 6 : i32
      %eq3A_495 = vector.broadcast %eq3A_494 : i32 to vector<16xi32>
      %eq3A_496 = arith.cmpi eq, %get3A_432, %eq3A_495 : vector<16xi32>
      %select_n3A_497 = arith.select %eq3A_496, %get3A_493, %select_n3A_488 : vector<16xi1>, vector<16xf32>
      %get3A_498 = arith.constant 5 : i32
      %get3A_499 = arith.index_cast %get3A_498 : i32 to index
      %get3A_500 = arith.constant 112 : index
      %get3A_501 = tpu.vector_load %arg8[%get3A_499, %get3A_500] {strides = array<i32>} : memref<26x128xf32, #tpu.memory_space<vmem>>, vector<1x16xf32>,
      %get3A_502 = vector.shape_cast %get3A_501 : vector<1x16xf32> to vector<16xf32>
      %eq3A_503 = arith.constant 7 : i32
      %eq3A_504 = vector.broadcast %eq3A_503 : i32 to vector<16xi32>
      %eq3A_505 = arith.cmpi eq, %get3A_432, %eq3A_504 : vector<16xi32>
      %select_n3A_506 = arith.select %eq3A_505, %get3A_502, %select_n3A_497 : vector<16xi1>, vector<16xf32>
      %swap3A_507 = arith.constant 5 : i32
      %swap3A_508 = arith.index_cast %swap3A_507 : i32 to index
      %swap3A_509 = arith.constant 0 : index
      %swap3A_510 = tpu.vector_load %arg9[%swap3A_508, %swap3A_509] {strides = array<i32>} : memref<26x16xf32, #tpu.memory_space<vmem>>, vector<1x16xf32>,
      %swap3A_511 = vector.shape_cast %swap3A_510 : vector<1x16xf32> to vector<16xf32>
      %swap3A_512 = vector.shape_cast %select_n3A_506 : vector<16xf32> to vector<1x16xf32>
      tpu.vector_store %arg9[%swap3A_508, %swap3A_509], %swap3A_512 {strides = array<i32>} : memref<26x16xf32, #tpu.memory_space<vmem>>, vector<1x16xf32>,
      %get3A_513 = arith.constant 6 : i32
      %get3A_514 = arith.index_cast %get3A_513 : i32 to index
      %get3A_515 = arith.constant 0 : index
      %get3A_516 = tpu.vector_load %arg7[%get3A_514, %get3A_515] {strides = array<i32>} : memref<26x16xi32, #tpu.memory_space<vmem>>, vector<1x16xi32>,
      %get3A_517 = vector.shape_cast %get3A_516 : vector<1x16xi32> to vector<16xi32>
      %broadcast_in_dim3A_518 = arith.constant 0.000000e+00 : f32
      %broadcast_in_dim3A_519 = vector.broadcast %broadcast_in_dim3A_518 : f32 to vector<16xf32>
      %get3A_520 = arith.constant 6 : i32
      %get3A_521 = arith.index_cast %get3A_520 : i32 to index
      %get3A_522 = arith.constant 0 : index
      %get3A_523 = tpu.vector_load %arg8[%get3A_521, %get3A_522] {strides = array<i32>} : memref<26x128xf32, #tpu.memory_space<vmem>>, vector<1x16xf32>,
      %get3A_524 = vector.shape_cast %get3A_523 : vector<1x16xf32> to vector<16xf32>
      %eq3A_525 = arith.constant 0 : i32
      %eq3A_526 = vector.broadcast %eq3A_525 : i32 to vector<16xi32>
      %eq3A_527 = arith.cmpi eq, %get3A_517, %eq3A_526 : vector<16xi32>
      %select_n3A_528 = arith.select %eq3A_527, %get3A_524, %broadcast_in_dim3A_519 : vector<16xi1>, vector<16xf32>
      %get3A_529 = arith.constant 6 : i32
      %get3A_530 = arith.index_cast %get3A_529 : i32 to index
      %get3A_531 = arith.constant 16 : index
      %get3A_532 = tpu.vector_load %arg8[%get3A_530, %get3A_531] {strides = array<i32>} : memref<26x128xf32, #tpu.memory_space<vmem>>, vector<1x16xf32>,
      %get3A_533 = vector.shape_cast %get3A_532 : vector<1x16xf32> to vector<16xf32>
      %eq3A_534 = arith.constant 1 : i32
      %eq3A_535 = vector.broadcast %eq3A_534 : i32 to vector<16xi32>
      %eq3A_536 = arith.cmpi eq, %get3A_517, %eq3A_535 : vector<16xi32>
      %select_n3A_537 = arith.select %eq3A_536, %get3A_533, %select_n3A_528 : vector<16xi1>, vector<16xf32>
      %get3A_538 = arith.constant 6 : i32
      %get3A_539 = arith.index_cast %get3A_538 : i32 to index
      %get3A_540 = arith.constant 32 : index
      %get3A_541 = tpu.vector_load %arg8[%get3A_539, %get3A_540] {strides = array<i32>} : memref<26x128xf32, #tpu.memory_space<vmem>>, vector<1x16xf32>,
      %get3A_542 = vector.shape_cast %get3A_541 : vector<1x16xf32> to vector<16xf32>
      %eq3A_543 = arith.constant 2 : i32
      %eq3A_544 = vector.broadcast %eq3A_543 : i32 to vector<16xi32>
      %eq3A_545 = arith.cmpi eq, %get3A_517, %eq3A_544 : vector<16xi32>
      %select_n3A_546 = arith.select %eq3A_545, %get3A_542, %select_n3A_537 : vector<16xi1>, vector<16xf32>
      %get3A_547 = arith.constant 6 : i32
      %get3A_548 = arith.index_cast %get3A_547 : i32 to index
      %get3A_549 = arith.constant 48 : index
      %get3A_550 = tpu.vector_load %arg8[%get3A_548, %get3A_549] {strides = array<i32>} : memref<26x128xf32, #tpu.memory_space<vmem>>, vector<1x16xf32>,
      %get3A_551 = vector.shape_cast %get3A_550 : vector<1x16xf32> to vector<16xf32>
      %eq3A_552 = arith.constant 3 : i32
      %eq3A_553 = vector.broadcast %eq3A_552 : i32 to vector<16xi32>
      %eq3A_554 = arith.cmpi eq, %get3A_517, %eq3A_553 : vector<16xi32>
      %select_n3A_555 = arith.select %eq3A_554, %get3A_551, %select_n3A_546 : vector<16xi1>, vector<16xf32>
      %get3A_556 = arith.constant 6 : i32
      %get3A_557 = arith.index_cast %get3A_556 : i32 to index
      %get3A_558 = arith.constant 64 : index
      %get3A_559 = tpu.vector_load %arg8[%get3A_557, %get3A_558] {strides = array<i32>} : memref<26x128xf32, #tpu.memory_space<vmem>>, vector<1x16xf32>,
      %get3A_560 = vector.shape_cast %get3A_559 : vector<1x16xf32> to vector<16xf32>
      %eq3A_561 = arith.constant 4 : i32
      %eq3A_562 = vector.broadcast %eq3A_561 : i32 to vector<16xi32>
      %eq3A_563 = arith.cmpi eq, %get3A_517, %eq3A_562 : vector<16xi32>
      %select_n3A_564 = arith.select %eq3A_563, %get3A_560, %select_n3A_555 : vector<16xi1>, vector<16xf32>
      %get3A_565 = arith.constant 6 : i32
      %get3A_566 = arith.index_cast %get3A_565 : i32 to index
      %get3A_567 = arith.constant 80 : index
      %get3A_568 = tpu.vector_load %arg8[%get3A_566, %get3A_567] {strides = array<i32>} : memref<26x128xf32, #tpu.memory_space<vmem>>, vector<1x16xf32>,
      %get3A_569 = vector.shape_cast %get3A_568 : vector<1x16xf32> to vector<16xf32>
      %eq3A_570 = arith.constant 5 : i32
      %eq3A_571 = vector.broadcast %eq3A_570 : i32 to vector<16xi32>
      %eq3A_572 = arith.cmpi eq, %get3A_517, %eq3A_571 : vector<16xi32>
      %select_n3A_573 = arith.select %eq3A_572, %get3A_569, %select_n3A_564 : vector<16xi1>, vector<16xf32>
      %get3A_574 = arith.constant 6 : i32
      %get3A_575 = arith.index_cast %get3A_574 : i32 to index
      %get3A_576 = arith.constant 96 : index
      %get3A_577 = tpu.vector_load %arg8[%get3A_575, %get3A_576] {strides = array<i32>} : memref<26x128xf32, #tpu.memory_space<vmem>>, vector<1x16xf32>,
      %get3A_578 = vector.shape_cast %get3A_577 : vector<1x16xf32> to vector<16xf32>
      %eq3A_579 = arith.constant 6 : i32
      %eq3A_580 = vector.broadcast %eq3A_579 : i32 to vector<16xi32>
      %eq3A_581 = arith.cmpi eq, %get3A_517, %eq3A_580 : vector<16xi32>
      %select_n3A_582 = arith.select %eq3A_581, %get3A_578, %select_n3A_573 : vector<16xi1>, vector<16xf32>
      %get3A_583 = arith.constant 6 : i32
      %get3A_584 = arith.index_cast %get3A_583 : i32 to index
      %get3A_585 = arith.constant 112 : index
      %get3A_586 = tpu.vector_load %arg8[%get3A_584, %get3A_585] {strides = array<i32>} : memref<26x128xf32, #tpu.memory_space<vmem>>, vector<1x16xf32>,
      %get3A_587 = vector.shape_cast %get3A_586 : vector<1x16xf32> to vector<16xf32>
      %eq3A_588 = arith.constant 7 : i32
      %eq3A_589 = vector.broadcast %eq3A_588 : i32 to vector<16xi32>
      %eq3A_590 = arith.cmpi eq, %get3A_517, %eq3A_589 : vector<16xi32>
      %select_n3A_591 = arith.select %eq3A_590, %get3A_587, %select_n3A_582 : vector<16xi1>, vector<16xf32>
      %swap3A_592 = arith.constant 6 : i32
      %swap3A_593 = arith.index_cast %swap3A_592 : i32 to index
      %swap3A_594 = arith.constant 0 : index
      %swap3A_595 = tpu.vector_load %arg9[%swap3A_593, %swap3A_594] {strides = array<i32>} : memref<26x16xf32, #tpu.memory_space<vmem>>, vector<1x16xf32>,
      %swap3A_596 = vector.shape_cast %swap3A_595 : vector<1x16xf32> to vector<16xf32>
      %swap3A_597 = vector.shape_cast %select_n3A_591 : vector<16xf32> to vector<1x16xf32>
      tpu.vector_store %arg9[%swap3A_593, %swap3A_594], %swap3A_597 {strides = array<i32>} : memref<26x16xf32, #tpu.memory_space<vmem>>, vector<1x16xf32>,
      %get3A_598 = arith.constant 7 : i32
      %get3A_599 = arith.index_cast %get3A_598 : i32 to index
      %get3A_600 = arith.constant 0 : index
      %get3A_601 = tpu.vector_load %arg7[%get3A_599, %get3A_600] {strides = array<i32>} : memref<26x16xi32, #tpu.memory_space<vmem>>, vector<1x16xi32>,
      %get3A_602 = vector.shape_cast %get3A_601 : vector<1x16xi32> to vector<16xi32>
      %broadcast_in_dim3A_603 = arith.constant 0.000000e+00 : f32
      %broadcast_in_dim3A_604 = vector.broadcast %broadcast_in_dim3A_603 : f32 to vector<16xf32>
      %get3A_605 = arith.constant 7 : i32
      %get3A_606 = arith.index_cast %get3A_605 : i32 to index
      %get3A_607 = arith.constant 0 : index
      %get3A_608 = tpu.vector_load %arg8[%get3A_606, %get3A_607] {strides = array<i32>} : memref<26x128xf32, #tpu.memory_space<vmem>>, vector<1x16xf32>,
      %get3A_609 = vector.shape_cast %get3A_608 : vector<1x16xf32> to vector<16xf32>
      %eq3A_610 = arith.constant 0 : i32
      %eq3A_611 = vector.broadcast %eq3A_610 : i32 to vector<16xi32>
      %eq3A_612 = arith.cmpi eq, %get3A_602, %eq3A_611 : vector<16xi32>
      %select_n3A_613 = arith.select %eq3A_612, %get3A_609, %broadcast_in_dim3A_604 : vector<16xi1>, vector<16xf32>
      %get3A_614 = arith.constant 7 : i32
      %get3A_615 = arith.index_cast %get3A_614 : i32 to index
      %get3A_616 = arith.constant 16 : index
      %get3A_617 = tpu.vector_load %arg8[%get3A_615, %get3A_616] {strides = array<i32>} : memref<26x128xf32, #tpu.memory_space<vmem>>, vector<1x16xf32>,
      %get3A_618 = vector.shape_cast %get3A_617 : vector<1x16xf32> to vector<16xf32>
      %eq3A_619 = arith.constant 1 : i32
      %eq3A_620 = vector.broadcast %eq3A_619 : i32 to vector<16xi32>
      %eq3A_621 = arith.cmpi eq, %get3A_602, %eq3A_620 : vector<16xi32>
      %select_n3A_622 = arith.select %eq3A_621, %get3A_618, %select_n3A_613 : vector<16xi1>, vector<16xf32>
      %get3A_623 = arith.constant 7 : i32
      %get3A_624 = arith.index_cast %get3A_623 : i32 to index
      %get3A_625 = arith.constant 32 : index
      %get3A_626 = tpu.vector_load %arg8[%get3A_624, %get3A_625] {strides = array<i32>} : memref<26x128xf32, #tpu.memory_space<vmem>>, vector<1x16xf32>,
      %get3A_627 = vector.shape_cast %get3A_626 : vector<1x16xf32> to vector<16xf32>
      %eq3A_628 = arith.constant 2 : i32
      %eq3A_629 = vector.broadcast %eq3A_628 : i32 to vector<16xi32>
      %eq3A_630 = arith.cmpi eq, %get3A_602, %eq3A_629 : vector<16xi32>
      %select_n3A_631 = arith.select %eq3A_630, %get3A_627, %select_n3A_622 : vector<16xi1>, vector<16xf32>
      %get3A_632 = arith.constant 7 : i32
      %get3A_633 = arith.index_cast %get3A_632 : i32 to index
      %get3A_634 = arith.constant 48 : index
      %get3A_635 = tpu.vector_load %arg8[%get3A_633, %get3A_634] {strides = array<i32>} : memref<26x128xf32, #tpu.memory_space<vmem>>, vector<1x16xf32>,
      %get3A_636 = vector.shape_cast %get3A_635 : vector<1x16xf32> to vector<16xf32>
      %eq3A_637 = arith.constant 3 : i32
      %eq3A_638 = vector.broadcast %eq3A_637 : i32 to vector<16xi32>
      %eq3A_639 = arith.cmpi eq, %get3A_602, %eq3A_638 : vector<16xi32>
      %select_n3A_640 = arith.select %eq3A_639, %get3A_636, %select_n3A_631 : vector<16xi1>, vector<16xf32>
      %get3A_641 = arith.constant 7 : i32
      %get3A_642 = arith.index_cast %get3A_641 : i32 to index
      %get3A_643 = arith.constant 64 : index
      %get3A_644 = tpu.vector_load %arg8[%get3A_642, %get3A_643] {strides = array<i32>} : memref<26x128xf32, #tpu.memory_space<vmem>>, vector<1x16xf32>,
      %get3A_645 = vector.shape_cast %get3A_644 : vector<1x16xf32> to vector<16xf32>
      %eq3A_646 = arith.constant 4 : i32
      %eq3A_647 = vector.broadcast %eq3A_646 : i32 to vector<16xi32>
      %eq3A_648 = arith.cmpi eq, %get3A_602, %eq3A_647 : vector<16xi32>
      %select_n3A_649 = arith.select %eq3A_648, %get3A_645, %select_n3A_640 : vector<16xi1>, vector<16xf32>
      %get3A_650 = arith.constant 7 : i32
      %get3A_651 = arith.index_cast %get3A_650 : i32 to index
      %get3A_652 = arith.constant 80 : index
      %get3A_653 = tpu.vector_load %arg8[%get3A_651, %get3A_652] {strides = array<i32>} : memref<26x128xf32, #tpu.memory_space<vmem>>, vector<1x16xf32>,
      %get3A_654 = vector.shape_cast %get3A_653 : vector<1x16xf32> to vector<16xf32>
      %eq3A_655 = arith.constant 5 : i32
      %eq3A_656 = vector.broadcast %eq3A_655 : i32 to vector<16xi32>
      %eq3A_657 = arith.cmpi eq, %get3A_602, %eq3A_656 : vector<16xi32>
      %select_n3A_658 = arith.select %eq3A_657, %get3A_654, %select_n3A_649 : vector<16xi1>, vector<16xf32>
      %get3A_659 = arith.constant 7 : i32
      %get3A_660 = arith.index_cast %get3A_659 : i32 to index
      %get3A_661 = arith.constant 96 : index
      %get3A_662 = tpu.vector_load %arg8[%get3A_660, %get3A_661] {strides = array<i32>} : memref<26x128xf32, #tpu.memory_space<vmem>>, vector<1x16xf32>,
      %get3A_663 = vector.shape_cast %get3A_662 : vector<1x16xf32> to vector<16xf32>
      %eq3A_664 = arith.constant 6 : i32
      %eq3A_665 = vector.broadcast %eq3A_664 : i32 to vector<16xi32>
      %eq3A_666 = arith.cmpi eq, %get3A_602, %eq3A_665 : vector<16xi32>
      %select_n3A_667 = arith.select %eq3A_666, %get3A_663, %select_n3A_658 : vector<16xi1>, vector<16xf32>
      %get3A_668 = arith.constant 7 : i32
      %get3A_669 = arith.index_cast %get3A_668 : i32 to index
      %get3A_670 = arith.constant 112 : index
      %get3A_671 = tpu.vector_load %arg8[%get3A_669, %get3A_670] {strides = array<i32>} : memref<26x128xf32, #tpu.memory_space<vmem>>, vector<1x16xf32>,
      %get3A_672 = vector.shape_cast %get3A_671 : vector<1x16xf32> to vector<16xf32>
      %eq3A_673 = arith.constant 7 : i32
      %eq3A_674 = vector.broadcast %eq3A_673 : i32 to vector<16xi32>
      %eq3A_675 = arith.cmpi eq, %get3A_602, %eq3A_674 : vector<16xi32>
      %select_n3A_676 = arith.select %eq3A_675, %get3A_672, %select_n3A_667 : vector<16xi1>, vector<16xf32>
      %swap3A_677 = arith.constant 7 : i32
      %swap3A_678 = arith.index_cast %swap3A_677 : i32 to index
      %swap3A_679 = arith.constant 0 : index
      %swap3A_680 = tpu.vector_load %arg9[%swap3A_678, %swap3A_679] {strides = array<i32>} : memref<26x16xf32, #tpu.memory_space<vmem>>, vector<1x16xf32>,
      %swap3A_681 = vector.shape_cast %swap3A_680 : vector<1x16xf32> to vector<16xf32>
      %swap3A_682 = vector.shape_cast %select_n3A_676 : vector<16xf32> to vector<1x16xf32>
      tpu.vector_store %arg9[%swap3A_678, %swap3A_679], %swap3A_682 {strides = array<i32>} : memref<26x16xf32, #tpu.memory_space<vmem>>, vector<1x16xf32>,
      %get3A_683 = arith.constant 8 : i32
      %get3A_684 = arith.index_cast %get3A_683 : i32 to index
      %get3A_685 = arith.constant 0 : index
      %get3A_686 = tpu.vector_load %arg7[%get3A_684, %get3A_685] {strides = array<i32>} : memref<26x16xi32, #tpu.memory_space<vmem>>, vector<1x16xi32>,
      %get3A_687 = vector.shape_cast %get3A_686 : vector<1x16xi32> to vector<16xi32>
      %broadcast_in_dim3A_688 = arith.constant 0.000000e+00 : f32
      %broadcast_in_dim3A_689 = vector.broadcast %broadcast_in_dim3A_688 : f32 to vector<16xf32>
      %get3A_690 = arith.constant 8 : i32
      %get3A_691 = arith.index_cast %get3A_690 : i32 to index
      %get3A_692 = arith.constant 0 : index
      %get3A_693 = tpu.vector_load %arg8[%get3A_691, %get3A_692] {strides = array<i32>} : memref<26x128xf32, #tpu.memory_space<vmem>>, vector<1x16xf32>,
      %get3A_694 = vector.shape_cast %get3A_693 : vector<1x16xf32> to vector<16xf32>
      %eq3A_695 = arith.constant 0 : i32
      %eq3A_696 = vector.broadcast %eq3A_695 : i32 to vector<16xi32>
      %eq3A_697 = arith.cmpi eq, %get3A_687, %eq3A_696 : vector<16xi32>
      %select_n3A_698 = arith.select %eq3A_697, %get3A_694, %broadcast_in_dim3A_689 : vector<16xi1>, vector<16xf32>
      %get3A_699 = arith.constant 8 : i32
      %get3A_700 = arith.index_cast %get3A_699 : i32 to index
      %get3A_701 = arith.constant 16 : index
      %get3A_702 = tpu.vector_load %arg8[%get3A_700, %get3A_701] {strides = array<i32>} : memref<26x128xf32, #tpu.memory_space<vmem>>, vector<1x16xf32>,
      %get3A_703 = vector.shape_cast %get3A_702 : vector<1x16xf32> to vector<16xf32>
      %eq3A_704 = arith.constant 1 : i32
      %eq3A_705 = vector.broadcast %eq3A_704 : i32 to vector<16xi32>
      %eq3A_706 = arith.cmpi eq, %get3A_687, %eq3A_705 : vector<16xi32>
      %select_n3A_707 = arith.select %eq3A_706, %get3A_703, %select_n3A_698 : vector<16xi1>, vector<16xf32>
      %get3A_708 = arith.constant 8 : i32
      %get3A_709 = arith.index_cast %get3A_708 : i32 to index
      %get3A_710 = arith.constant 32 : index
      %get3A_711 = tpu.vector_load %arg8[%get3A_709, %get3A_710] {strides = array<i32>} : memref<26x128xf32, #tpu.memory_space<vmem>>, vector<1x16xf32>,
      %get3A_712 = vector.shape_cast %get3A_711 : vector<1x16xf32> to vector<16xf32>
      %eq3A_713 = arith.constant 2 : i32
      %eq3A_714 = vector.broadcast %eq3A_713 : i32 to vector<16xi32>
      %eq3A_715 = arith.cmpi eq, %get3A_687, %eq3A_714 : vector<16xi32>
      %select_n3A_716 = arith.select %eq3A_715, %get3A_712, %select_n3A_707 : vector<16xi1>, vector<16xf32>
      %get3A_717 = arith.constant 8 : i32
      %get3A_718 = arith.index_cast %get3A_717 : i32 to index
      %get3A_719 = arith.constant 48 : index
      %get3A_720 = tpu.vector_load %arg8[%get3A_718, %get3A_719] {strides = array<i32>} : memref<26x128xf32, #tpu.memory_space<vmem>>, vector<1x16xf32>,
      %get3A_721 = vector.shape_cast %get3A_720 : vector<1x16xf32> to vector<16xf32>
      %eq3A_722 = arith.constant 3 : i32
      %eq3A_723 = vector.broadcast %eq3A_722 : i32 to vector<16xi32>
      %eq3A_724 = arith.cmpi eq, %get3A_687, %eq3A_723 : vector<16xi32>
      %select_n3A_725 = arith.select %eq3A_724, %get3A_721, %select_n3A_716 : vector<16xi1>, vector<16xf32>
      %get3A_726 = arith.constant 8 : i32
      %get3A_727 = arith.index_cast %get3A_726 : i32 to index
      %get3A_728 = arith.constant 64 : index
      %get3A_729 = tpu.vector_load %arg8[%get3A_727, %get3A_728] {strides = array<i32>} : memref<26x128xf32, #tpu.memory_space<vmem>>, vector<1x16xf32>,
      %get3A_730 = vector.shape_cast %get3A_729 : vector<1x16xf32> to vector<16xf32>
      %eq3A_731 = arith.constant 4 : i32
      %eq3A_732 = vector.broadcast %eq3A_731 : i32 to vector<16xi32>
      %eq3A_733 = arith.cmpi eq, %get3A_687, %eq3A_732 : vector<16xi32>
      %select_n3A_734 = arith.select %eq3A_733, %get3A_730, %select_n3A_725 : vector<16xi1>, vector<16xf32>
      %get3A_735 = arith.constant 8 : i32
      %get3A_736 = arith.index_cast %get3A_735 : i32 to index
      %get3A_737 = arith.constant 80 : index
      %get3A_738 = tpu.vector_load %arg8[%get3A_736, %get3A_737] {strides = array<i32>} : memref<26x128xf32, #tpu.memory_space<vmem>>, vector<1x16xf32>,
      %get3A_739 = vector.shape_cast %get3A_738 : vector<1x16xf32> to vector<16xf32>
      %eq3A_740 = arith.constant 5 : i32
      %eq3A_741 = vector.broadcast %eq3A_740 : i32 to vector<16xi32>
      %eq3A_742 = arith.cmpi eq, %get3A_687, %eq3A_741 : vector<16xi32>
      %select_n3A_743 = arith.select %eq3A_742, %get3A_739, %select_n3A_734 : vector<16xi1>, vector<16xf32>
      %get3A_744 = arith.constant 8 : i32
      %get3A_745 = arith.index_cast %get3A_744 : i32 to index
      %get3A_746 = arith.constant 96 : index
      %get3A_747 = tpu.vector_load %arg8[%get3A_745, %get3A_746] {strides = array<i32>} : memref<26x128xf32, #tpu.memory_space<vmem>>, vector<1x16xf32>,
      %get3A_748 = vector.shape_cast %get3A_747 : vector<1x16xf32> to vector<16xf32>
      %eq3A_749 = arith.constant 6 : i32
      %eq3A_750 = vector.broadcast %eq3A_749 : i32 to vector<16xi32>
      %eq3A_751 = arith.cmpi eq, %get3A_687, %eq3A_750 : vector<16xi32>
      %select_n3A_752 = arith.select %eq3A_751, %get3A_748, %select_n3A_743 : vector<16xi1>, vector<16xf32>
      %get3A_753 = arith.constant 8 : i32
      %get3A_754 = arith.index_cast %get3A_753 : i32 to index
      %get3A_755 = arith.constant 112 : index
      %get3A_756 = tpu.vector_load %arg8[%get3A_754, %get3A_755] {strides = array<i32>} : memref<26x128xf32, #tpu.memory_space<vmem>>, vector<1x16xf32>,
      %get3A_757 = vector.shape_cast %get3A_756 : vector<1x16xf32> to vector<16xf32>
      %eq3A_758 = arith.constant 7 : i32
      %eq3A_759 = vector.broadcast %eq3A_758 : i32 to vector<16xi32>
      %eq3A_760 = arith.cmpi eq, %get3A_687, %eq3A_759 : vector<16xi32>
      %select_n3A_761 = arith.select %eq3A_760, %get3A_757, %select_n3A_752 : vector<16xi1>, vector<16xf32>
      %swap3A_762 = arith.constant 8 : i32
      %swap3A_763 = arith.index_cast %swap3A_762 : i32 to index
      %swap3A_764 = arith.constant 0 : index
      %swap3A_765 = tpu.vector_load %arg9[%swap3A_763, %swap3A_764] {strides = array<i32>} : memref<26x16xf32, #tpu.memory_space<vmem>>, vector<1x16xf32>,
      %swap3A_766 = vector.shape_cast %swap3A_765 : vector<1x16xf32> to vector<16xf32>
      %swap3A_767 = vector.shape_cast %select_n3A_761 : vector<16xf32> to vector<1x16xf32>
      tpu.vector_store %arg9[%swap3A_763, %swap3A_764], %swap3A_767 {strides = array<i32>} : memref<26x16xf32, #tpu.memory_space<vmem>>, vector<1x16xf32>,
      %get3A_768 = arith.constant 9 : i32
      %get3A_769 = arith.index_cast %get3A_768 : i32 to index
      %get3A_770 = arith.constant 0 : index
      %get3A_771 = tpu.vector_load %arg7[%get3A_769, %get3A_770] {strides = array<i32>} : memref<26x16xi32, #tpu.memory_space<vmem>>, vector<1x16xi32>,
      %get3A_772 = vector.shape_cast %get3A_771 : vector<1x16xi32> to vector<16xi32>
      %broadcast_in_dim3A_773 = arith.constant 0.000000e+00 : f32
      %broadcast_in_dim3A_774 = vector.broadcast %broadcast_in_dim3A_773 : f32 to vector<16xf32>
      %get3A_775 = arith.constant 9 : i32
      %get3A_776 = arith.index_cast %get3A_775 : i32 to index
      %get3A_777 = arith.constant 0 : index
      %get3A_778 = tpu.vector_load %arg8[%get3A_776, %get3A_777] {strides = array<i32>} : memref<26x128xf32, #tpu.memory_space<vmem>>, vector<1x16xf32>,
      %get3A_779 = vector.shape_cast %get3A_778 : vector<1x16xf32> to vector<16xf32>
      %eq3A_780 = arith.constant 0 : i32
      %eq3A_781 = vector.broadcast %eq3A_780 : i32 to vector<16xi32>
      %eq3A_782 = arith.cmpi eq, %get3A_772, %eq3A_781 : vector<16xi32>
      %select_n3A_783 = arith.select %eq3A_782, %get3A_779, %broadcast_in_dim3A_774 : vector<16xi1>, vector<16xf32>
      %get3A_784 = arith.constant 9 : i32
      %get3A_785 = arith.index_cast %get3A_784 : i32 to index
      %get3A_786 = arith.constant 16 : index
      %get3A_787 = tpu.vector_load %arg8[%get3A_785, %get3A_786] {strides = array<i32>} : memref<26x128xf32, #tpu.memory_space<vmem>>, vector<1x16xf32>,
      %get3A_788 = vector.shape_cast %get3A_787 : vector<1x16xf32> to vector<16xf32>
      %eq3A_789 = arith.constant 1 : i32
      %eq3A_790 = vector.broadcast %eq3A_789 : i32 to vector<16xi32>
      %eq3A_791 = arith.cmpi eq, %get3A_772, %eq3A_790 : vector<16xi32>
      %select_n3A_792 = arith.select %eq3A_791, %get3A_788, %select_n3A_783 : vector<16xi1>, vector<16xf32>
      %get3A_793 = arith.constant 9 : i32
      %get3A_794 = arith.index_cast %get3A_793 : i32 to index
      %get3A_795 = arith.constant 32 : index
      %get3A_796 = tpu.vector_load %arg8[%get3A_794, %get3A_795] {strides = array<i32>} : memref<26x128xf32, #tpu.memory_space<vmem>>, vector<1x16xf32>,
      %get3A_797 = vector.shape_cast %get3A_796 : vector<1x16xf32> to vector<16xf32>
      %eq3A_798 = arith.constant 2 : i32
      %eq3A_799 = vector.broadcast %eq3A_798 : i32 to vector<16xi32>
      %eq3A_800 = arith.cmpi eq, %get3A_772, %eq3A_799 : vector<16xi32>
      %select_n3A_801 = arith.select %eq3A_800, %get3A_797, %select_n3A_792 : vector<16xi1>, vector<16xf32>
      %get3A_802 = arith.constant 9 : i32
      %get3A_803 = arith.index_cast %get3A_802 : i32 to index
      %get3A_804 = arith.constant 48 : index
      %get3A_805 = tpu.vector_load %arg8[%get3A_803, %get3A_804] {strides = array<i32>} : memref<26x128xf32, #tpu.memory_space<vmem>>, vector<1x16xf32>,
      %get3A_806 = vector.shape_cast %get3A_805 : vector<1x16xf32> to vector<16xf32>
      %eq3A_807 = arith.constant 3 : i32
      %eq3A_808 = vector.broadcast %eq3A_807 : i32 to vector<16xi32>
      %eq3A_809 = arith.cmpi eq, %get3A_772, %eq3A_808 : vector<16xi32>
      %select_n3A_810 = arith.select %eq3A_809, %get3A_806, %select_n3A_801 : vector<16xi1>, vector<16xf32>
      %get3A_811 = arith.constant 9 : i32
      %get3A_812 = arith.index_cast %get3A_811 : i32 to index
      %get3A_813 = arith.constant 64 : index
      %get3A_814 = tpu.vector_load %arg8[%get3A_812, %get3A_813] {strides = array<i32>} : memref<26x128xf32, #tpu.memory_space<vmem>>, vector<1x16xf32>,
      %get3A_815 = vector.shape_cast %get3A_814 : vector<1x16xf32> to vector<16xf32>
      %eq3A_816 = arith.constant 4 : i32
      %eq3A_817 = vector.broadcast %eq3A_816 : i32 to vector<16xi32>
      %eq3A_818 = arith.cmpi eq, %get3A_772, %eq3A_817 : vector<16xi32>
      %select_n3A_819 = arith.select %eq3A_818, %get3A_815, %select_n3A_810 : vector<16xi1>, vector<16xf32>
      %get3A_820 = arith.constant 9 : i32
      %get3A_821 = arith.index_cast %get3A_820 : i32 to index
      %get3A_822 = arith.constant 80 : index
      %get3A_823 = tpu.vector_load %arg8[%get3A_821, %get3A_822] {strides = array<i32>} : memref<26x128xf32, #tpu.memory_space<vmem>>, vector<1x16xf32>,
      %get3A_824 = vector.shape_cast %get3A_823 : vector<1x16xf32> to vector<16xf32>
      %eq3A_825 = arith.constant 5 : i32
      %eq3A_826 = vector.broadcast %eq3A_825 : i32 to vector<16xi32>
      %eq3A_827 = arith.cmpi eq, %get3A_772, %eq3A_826 : vector<16xi32>
      %select_n3A_828 = arith.select %eq3A_827, %get3A_824, %select_n3A_819 : vector<16xi1>, vector<16xf32>
      %get3A_829 = arith.constant 9 : i32
      %get3A_830 = arith.index_cast %get3A_829 : i32 to index
      %get3A_831 = arith.constant 96 : index
      %get3A_832 = tpu.vector_load %arg8[%get3A_830, %get3A_831] {strides = array<i32>} : memref<26x128xf32, #tpu.memory_space<vmem>>, vector<1x16xf32>,
      %get3A_833 = vector.shape_cast %get3A_832 : vector<1x16xf32> to vector<16xf32>
      %eq3A_834 = arith.constant 6 : i32
      %eq3A_835 = vector.broadcast %eq3A_834 : i32 to vector<16xi32>
      %eq3A_836 = arith.cmpi eq, %get3A_772, %eq3A_835 : vector<16xi32>
      %select_n3A_837 = arith.select %eq3A_836, %get3A_833, %select_n3A_828 : vector<16xi1>, vector<16xf32>
      %get3A_838 = arith.constant 9 : i32
      %get3A_839 = arith.index_cast %get3A_838 : i32 to index
      %get3A_840 = arith.constant 112 : index
      %get3A_841 = tpu.vector_load %arg8[%get3A_839, %get3A_840] {strides = array<i32>} : memref<26x128xf32, #tpu.memory_space<vmem>>, vector<1x16xf32>,
      %get3A_842 = vector.shape_cast %get3A_841 : vector<1x16xf32> to vector<16xf32>
      %eq3A_843 = arith.constant 7 : i32
      %eq3A_844 = vector.broadcast %eq3A_843 : i32 to vector<16xi32>
      %eq3A_845 = arith.cmpi eq, %get3A_772, %eq3A_844 : vector<16xi32>
      %select_n3A_846 = arith.select %eq3A_845, %get3A_842, %select_n3A_837 : vector<16xi1>, vector<16xf32>
      %swap3A_847 = arith.constant 9 : i32
      %swap3A_848 = arith.index_cast %swap3A_847 : i32 to index
      %swap3A_849 = arith.constant 0 : index
      %swap3A_850 = tpu.vector_load %arg9[%swap3A_848, %swap3A_849] {strides = array<i32>} : memref<26x16xf32, #tpu.memory_space<vmem>>, vector<1x16xf32>,
      %swap3A_851 = vector.shape_cast %swap3A_850 : vector<1x16xf32> to vector<16xf32>
      %swap3A_852 = vector.shape_cast %select_n3A_846 : vector<16xf32> to vector<1x16xf32>
      tpu.vector_store %arg9[%swap3A_848, %swap3A_849], %swap3A_852 {strides = array<i32>} : memref<26x16xf32, #tpu.memory_space<vmem>>, vector<1x16xf32>,
      %get3A_853 = arith.constant 10 : i32
      %get3A_854 = arith.index_cast %get3A_853 : i32 to index
      %get3A_855 = arith.constant 0 : index
      %get3A_856 = tpu.vector_load %arg7[%get3A_854, %get3A_855] {strides = array<i32>} : memref<26x16xi32, #tpu.memory_space<vmem>>, vector<1x16xi32>,
      %get3A_857 = vector.shape_cast %get3A_856 : vector<1x16xi32> to vector<16xi32>
      %broadcast_in_dim3A_858 = arith.constant 0.000000e+00 : f32
      %broadcast_in_dim3A_859 = vector.broadcast %broadcast_in_dim3A_858 : f32 to vector<16xf32>
      %get3A_860 = arith.constant 10 : i32
      %get3A_861 = arith.index_cast %get3A_860 : i32 to index
      %get3A_862 = arith.constant 0 : index
      %get3A_863 = tpu.vector_load %arg8[%get3A_861, %get3A_862] {strides = array<i32>} : memref<26x128xf32, #tpu.memory_space<vmem>>, vector<1x16xf32>,
      %get3A_864 = vector.shape_cast %get3A_863 : vector<1x16xf32> to vector<16xf32>
      %eq3A_865 = arith.constant 0 : i32
      %eq3A_866 = vector.broadcast %eq3A_865 : i32 to vector<16xi32>
      %eq3A_867 = arith.cmpi eq, %get3A_857, %eq3A_866 : vector<16xi32>
      %select_n3A_868 = arith.select %eq3A_867, %get3A_864, %broadcast_in_dim3A_859 : vector<16xi1>, vector<16xf32>
      %get3A_869 = arith.constant 10 : i32
      %get3A_870 = arith.index_cast %get3A_869 : i32 to index
      %get3A_871 = arith.constant 16 : index
      %get3A_872 = tpu.vector_load %arg8[%get3A_870, %get3A_871] {strides = array<i32>} : memref<26x128xf32, #tpu.memory_space<vmem>>, vector<1x16xf32>,
      %get3A_873 = vector.shape_cast %get3A_872 : vector<1x16xf32> to vector<16xf32>
      %eq3A_874 = arith.constant 1 : i32
      %eq3A_875 = vector.broadcast %eq3A_874 : i32 to vector<16xi32>
      %eq3A_876 = arith.cmpi eq, %get3A_857, %eq3A_875 : vector<16xi32>
      %select_n3A_877 = arith.select %eq3A_876, %get3A_873, %select_n3A_868 : vector<16xi1>, vector<16xf32>
      %get3A_878 = arith.constant 10 : i32
      %get3A_879 = arith.index_cast %get3A_878 : i32 to index
      %get3A_880 = arith.constant 32 : index
      %get3A_881 = tpu.vector_load %arg8[%get3A_879, %get3A_880] {strides = array<i32>} : memref<26x128xf32, #tpu.memory_space<vmem>>, vector<1x16xf32>,
      %get3A_882 = vector.shape_cast %get3A_881 : vector<1x16xf32> to vector<16xf32>
      %eq3A_883 = arith.constant 2 : i32
      %eq3A_884 = vector.broadcast %eq3A_883 : i32 to vector<16xi32>
      %eq3A_885 = arith.cmpi eq, %get3A_857, %eq3A_884 : vector<16xi32>
      %select_n3A_886 = arith.select %eq3A_885, %get3A_882, %select_n3A_877 : vector<16xi1>, vector<16xf32>
      %get3A_887 = arith.constant 10 : i32
      %get3A_888 = arith.index_cast %get3A_887 : i32 to index
      %get3A_889 = arith.constant 48 : index
      %get3A_890 = tpu.vector_load %arg8[%get3A_888, %get3A_889] {strides = array<i32>} : memref<26x128xf32, #tpu.memory_space<vmem>>, vector<1x16xf32>,
      %get3A_891 = vector.shape_cast %get3A_890 : vector<1x16xf32> to vector<16xf32>
      %eq3A_892 = arith.constant 3 : i32
      %eq3A_893 = vector.broadcast %eq3A_892 : i32 to vector<16xi32>
      %eq3A_894 = arith.cmpi eq, %get3A_857, %eq3A_893 : vector<16xi32>
      %select_n3A_895 = arith.select %eq3A_894, %get3A_891, %select_n3A_886 : vector<16xi1>, vector<16xf32>
      %get3A_896 = arith.constant 10 : i32
      %get3A_897 = arith.index_cast %get3A_896 : i32 to index
      %get3A_898 = arith.constant 64 : index
      %get3A_899 = tpu.vector_load %arg8[%get3A_897, %get3A_898] {strides = array<i32>} : memref<26x128xf32, #tpu.memory_space<vmem>>, vector<1x16xf32>,
      %get3A_900 = vector.shape_cast %get3A_899 : vector<1x16xf32> to vector<16xf32>
      %eq3A_901 = arith.constant 4 : i32
      %eq3A_902 = vector.broadcast %eq3A_901 : i32 to vector<16xi32>
      %eq3A_903 = arith.cmpi eq, %get3A_857, %eq3A_902 : vector<16xi32>
      %select_n3A_904 = arith.select %eq3A_903, %get3A_900, %select_n3A_895 : vector<16xi1>, vector<16xf32>
      %get3A_905 = arith.constant 10 : i32
      %get3A_906 = arith.index_cast %get3A_905 : i32 to index
      %get3A_907 = arith.constant 80 : index
      %get3A_908 = tpu.vector_load %arg8[%get3A_906, %get3A_907] {strides = array<i32>} : memref<26x128xf32, #tpu.memory_space<vmem>>, vector<1x16xf32>,
      %get3A_909 = vector.shape_cast %get3A_908 : vector<1x16xf32> to vector<16xf32>
      %eq3A_910 = arith.constant 5 : i32
      %eq3A_911 = vector.broadcast %eq3A_910 : i32 to vector<16xi32>
      %eq3A_912 = arith.cmpi eq, %get3A_857, %eq3A_911 : vector<16xi32>
      %select_n3A_913 = arith.select %eq3A_912, %get3A_909, %select_n3A_904 : vector<16xi1>, vector<16xf32>
      %get3A_914 = arith.constant 10 : i32
      %get3A_915 = arith.index_cast %get3A_914 : i32 to index
      %get3A_916 = arith.constant 96 : index
      %get3A_917 = tpu.vector_load %arg8[%get3A_915, %get3A_916] {strides = array<i32>} : memref<26x128xf32, #tpu.memory_space<vmem>>, vector<1x16xf32>,
      %get3A_918 = vector.shape_cast %get3A_917 : vector<1x16xf32> to vector<16xf32>
      %eq3A_919 = arith.constant 6 : i32
      %eq3A_920 = vector.broadcast %eq3A_919 : i32 to vector<16xi32>
      %eq3A_921 = arith.cmpi eq, %get3A_857, %eq3A_920 : vector<16xi32>
      %select_n3A_922 = arith.select %eq3A_921, %get3A_918, %select_n3A_913 : vector<16xi1>, vector<16xf32>
      %get3A_923 = arith.constant 10 : i32
      %get3A_924 = arith.index_cast %get3A_923 : i32 to index
      %get3A_925 = arith.constant 112 : index
      %get3A_926 = tpu.vector_load %arg8[%get3A_924, %get3A_925] {strides = array<i32>} : memref<26x128xf32, #tpu.memory_space<vmem>>, vector<1x16xf32>,
      %get3A_927 = vector.shape_cast %get3A_926 : vector<1x16xf32> to vector<16xf32>
      %eq3A_928 = arith.constant 7 : i32
      %eq3A_929 = vector.broadcast %eq3A_928 : i32 to vector<16xi32>
      %eq3A_930 = arith.cmpi eq, %get3A_857, %eq3A_929 : vector<16xi32>
      %select_n3A_931 = arith.select %eq3A_930, %get3A_927, %select_n3A_922 : vector<16xi1>, vector<16xf32>
      %swap3A_932 = arith.constant 10 : i32
      %swap3A_933 = arith.index_cast %swap3A_932 : i32 to index
      %swap3A_934 = arith.constant 0 : index
      %swap3A_935 = tpu.vector_load %arg9[%swap3A_933, %swap3A_934] {strides = array<i32>} : memref<26x16xf32, #tpu.memory_space<vmem>>, vector<1x16xf32>,
      %swap3A_936 = vector.shape_cast %swap3A_935 : vector<1x16xf32> to vector<16xf32>
      %swap3A_937 = vector.shape_cast %select_n3A_931 : vector<16xf32> to vector<1x16xf32>
      tpu.vector_store %arg9[%swap3A_933, %swap3A_934], %swap3A_937 {strides = array<i32>} : memref<26x16xf32, #tpu.memory_space<vmem>>, vector<1x16xf32>,
      %get3A_938 = arith.constant 11 : i32
      %get3A_939 = arith.index_cast %get3A_938 : i32 to index
      %get3A_940 = arith.constant 0 : index
      %get3A_941 = tpu.vector_load %arg7[%get3A_939, %get3A_940] {strides = array<i32>} : memref<26x16xi32, #tpu.memory_space<vmem>>, vector<1x16xi32>,
      %get3A_942 = vector.shape_cast %get3A_941 : vector<1x16xi32> to vector<16xi32>
      %broadcast_in_dim3A_943 = arith.constant 0.000000e+00 : f32
      %broadcast_in_dim3A_944 = vector.broadcast %broadcast_in_dim3A_943 : f32 to vector<16xf32>
      %get3A_945 = arith.constant 11 : i32
      %get3A_946 = arith.index_cast %get3A_945 : i32 to index
      %get3A_947 = arith.constant 0 : index
      %get3A_948 = tpu.vector_load %arg8[%get3A_946, %get3A_947] {strides = array<i32>} : memref<26x128xf32, #tpu.memory_space<vmem>>, vector<1x16xf32>,
      %get3A_949 = vector.shape_cast %get3A_948 : vector<1x16xf32> to vector<16xf32>
      %eq3A_950 = arith.constant 0 : i32
      %eq3A_951 = vector.broadcast %eq3A_950 : i32 to vector<16xi32>
      %eq3A_952 = arith.cmpi eq, %get3A_942, %eq3A_951 : vector<16xi32>
      %select_n3A_953 = arith.select %eq3A_952, %get3A_949, %broadcast_in_dim3A_944 : vector<16xi1>, vector<16xf32>
      %get3A_954 = arith.constant 11 : i32
      %get3A_955 = arith.index_cast %get3A_954 : i32 to index
      %get3A_956 = arith.constant 16 : index
      %get3A_957 = tpu.vector_load %arg8[%get3A_955, %get3A_956] {strides = array<i32>} : memref<26x128xf32, #tpu.memory_space<vmem>>, vector<1x16xf32>,
      %get3A_958 = vector.shape_cast %get3A_957 : vector<1x16xf32> to vector<16xf32>
      %eq3A_959 = arith.constant 1 : i32
      %eq3A_960 = vector.broadcast %eq3A_959 : i32 to vector<16xi32>
      %eq3A_961 = arith.cmpi eq, %get3A_942, %eq3A_960 : vector<16xi32>
      %select_n3A_962 = arith.select %eq3A_961, %get3A_958, %select_n3A_953 : vector<16xi1>, vector<16xf32>
      %get3A_963 = arith.constant 11 : i32
      %get3A_964 = arith.index_cast %get3A_963 : i32 to index
      %get3A_965 = arith.constant 32 : index
      %get3A_966 = tpu.vector_load %arg8[%get3A_964, %get3A_965] {strides = array<i32>} : memref<26x128xf32, #tpu.memory_space<vmem>>, vector<1x16xf32>,
      %get3A_967 = vector.shape_cast %get3A_966 : vector<1x16xf32> to vector<16xf32>
      %eq3A_968 = arith.constant 2 : i32
      %eq3A_969 = vector.broadcast %eq3A_968 : i32 to vector<16xi32>
      %eq3A_970 = arith.cmpi eq, %get3A_942, %eq3A_969 : vector<16xi32>
      %select_n3A_971 = arith.select %eq3A_970, %get3A_967, %select_n3A_962 : vector<16xi1>, vector<16xf32>
      %get3A_972 = arith.constant 11 : i32
      %get3A_973 = arith.index_cast %get3A_972 : i32 to index
      %get3A_974 = arith.constant 48 : index
      %get3A_975 = tpu.vector_load %arg8[%get3A_973, %get3A_974] {strides = array<i32>} : memref<26x128xf32, #tpu.memory_space<vmem>>, vector<1x16xf32>,
      %get3A_976 = vector.shape_cast %get3A_975 : vector<1x16xf32> to vector<16xf32>
      %eq3A_977 = arith.constant 3 : i32
      %eq3A_978 = vector.broadcast %eq3A_977 : i32 to vector<16xi32>
      %eq3A_979 = arith.cmpi eq, %get3A_942, %eq3A_978 : vector<16xi32>
      %select_n3A_980 = arith.select %eq3A_979, %get3A_976, %select_n3A_971 : vector<16xi1>, vector<16xf32>
      %get3A_981 = arith.constant 11 : i32
      %get3A_982 = arith.index_cast %get3A_981 : i32 to index
      %get3A_983 = arith.constant 64 : index
      %get3A_984 = tpu.vector_load %arg8[%get3A_982, %get3A_983] {strides = array<i32>} : memref<26x128xf32, #tpu.memory_space<vmem>>, vector<1x16xf32>,
      %get3A_985 = vector.shape_cast %get3A_984 : vector<1x16xf32> to vector<16xf32>
      %eq3A_986 = arith.constant 4 : i32
      %eq3A_987 = vector.broadcast %eq3A_986 : i32 to vector<16xi32>
      %eq3A_988 = arith.cmpi eq, %get3A_942, %eq3A_987 : vector<16xi32>
      %select_n3A_989 = arith.select %eq3A_988, %get3A_985, %select_n3A_980 : vector<16xi1>, vector<16xf32>
      %get3A_990 = arith.constant 11 : i32
      %get3A_991 = arith.index_cast %get3A_990 : i32 to index
      %get3A_992 = arith.constant 80 : index
      %get3A_993 = tpu.vector_load %arg8[%get3A_991, %get3A_992] {strides = array<i32>} : memref<26x128xf32, #tpu.memory_space<vmem>>, vector<1x16xf32>,
      %get3A_994 = vector.shape_cast %get3A_993 : vector<1x16xf32> to vector<16xf32>
      %eq3A_995 = arith.constant 5 : i32
      %eq3A_996 = vector.broadcast %eq3A_995 : i32 to vector<16xi32>
      %eq3A_997 = arith.cmpi eq, %get3A_942, %eq3A_996 : vector<16xi32>
      %select_n3A_998 = arith.select %eq3A_997, %get3A_994, %select_n3A_989 : vector<16xi1>, vector<16xf32>
      %get3A_999 = arith.constant 11 : i32
      %get3A_1000 = arith.index_cast %get3A_999 : i32 to index
      %get3A_1001 = arith.constant 96 : index
      %get3A_1002 = tpu.vector_load %arg8[%get3A_1000, %get3A_1001] {strides = array<i32>} : memref<26x128xf32, #tpu.memory_space<vmem>>, vector<1x16xf32>,
      %get3A_1003 = vector.shape_cast %get3A_1002 : vector<1x16xf32> to vector<16xf32>
      %eq3A_1004 = arith.constant 6 : i32
      %eq3A_1005 = vector.broadcast %eq3A_1004 : i32 to vector<16xi32>
      %eq3A_1006 = arith.cmpi eq, %get3A_942, %eq3A_1005 : vector<16xi32>
      %select_n3A_1007 = arith.select %eq3A_1006, %get3A_1003, %select_n3A_998 : vector<16xi1>, vector<16xf32>
      %get3A_1008 = arith.constant 11 : i32
      %get3A_1009 = arith.index_cast %get3A_1008 : i32 to index
      %get3A_1010 = arith.constant 112 : index
      %get3A_1011 = tpu.vector_load %arg8[%get3A_1009, %get3A_1010] {strides = array<i32>} : memref<26x128xf32, #tpu.memory_space<vmem>>, vector<1x16xf32>,
      %get3A_1012 = vector.shape_cast %get3A_1011 : vector<1x16xf32> to vector<16xf32>
      %eq3A_1013 = arith.constant 7 : i32
      %eq3A_1014 = vector.broadcast %eq3A_1013 : i32 to vector<16xi32>
      %eq3A_1015 = arith.cmpi eq, %get3A_942, %eq3A_1014 : vector<16xi32>
      %select_n3A_1016 = arith.select %eq3A_1015, %get3A_1012, %select_n3A_1007 : vector<16xi1>, vector<16xf32>
      %swap3A_1017 = arith.constant 11 : i32
      %swap3A_1018 = arith.index_cast %swap3A_1017 : i32 to index
      %swap3A_1019 = arith.constant 0 : index
      %swap3A_1020 = tpu.vector_load %arg9[%swap3A_1018, %swap3A_1019] {strides = array<i32>} : memref<26x16xf32, #tpu.memory_space<vmem>>, vector<1x16xf32>,
      %swap3A_1021 = vector.shape_cast %swap3A_1020 : vector<1x16xf32> to vector<16xf32>
      %swap3A_1022 = vector.shape_cast %select_n3A_1016 : vector<16xf32> to vector<1x16xf32>
      tpu.vector_store %arg9[%swap3A_1018, %swap3A_1019], %swap3A_1022 {strides = array<i32>} : memref<26x16xf32, #tpu.memory_space<vmem>>, vector<1x16xf32>,
      %get3A_1023 = arith.constant 12 : i32
      %get3A_1024 = arith.index_cast %get3A_1023 : i32 to index
      %get3A_1025 = arith.constant 0 : index
      %get3A_1026 = tpu.vector_load %arg7[%get3A_1024, %get3A_1025] {strides = array<i32>} : memref<26x16xi32, #tpu.memory_space<vmem>>, vector<1x16xi32>,
      %get3A_1027 = vector.shape_cast %get3A_1026 : vector<1x16xi32> to vector<16xi32>
      %broadcast_in_dim3A_1028 = arith.constant 0.000000e+00 : f32
      %broadcast_in_dim3A_1029 = vector.broadcast %broadcast_in_dim3A_1028 : f32 to vector<16xf32>
      %get3A_1030 = arith.constant 12 : i32
      %get3A_1031 = arith.index_cast %get3A_1030 : i32 to index
      %get3A_1032 = arith.constant 0 : index
      %get3A_1033 = tpu.vector_load %arg8[%get3A_1031, %get3A_1032] {strides = array<i32>} : memref<26x128xf32, #tpu.memory_space<vmem>>, vector<1x16xf32>,
      %get3A_1034 = vector.shape_cast %get3A_1033 : vector<1x16xf32> to vector<16xf32>
      %eq3A_1035 = arith.constant 0 : i32
      %eq3A_1036 = vector.broadcast %eq3A_1035 : i32 to vector<16xi32>
      %eq3A_1037 = arith.cmpi eq, %get3A_1027, %eq3A_1036 : vector<16xi32>
      %select_n3A_1038 = arith.select %eq3A_1037, %get3A_1034, %broadcast_in_dim3A_1029 : vector<16xi1>, vector<16xf32>
      %get3A_1039 = arith.constant 12 : i32
      %get3A_1040 = arith.index_cast %get3A_1039 : i32 to index
      %get3A_1041 = arith.constant 16 : index
      %get3A_1042 = tpu.vector_load %arg8[%get3A_1040, %get3A_1041] {strides = array<i32>} : memref<26x128xf32, #tpu.memory_space<vmem>>, vector<1x16xf32>,
      %get3A_1043 = vector.shape_cast %get3A_1042 : vector<1x16xf32> to vector<16xf32>
      %eq3A_1044 = arith.constant 1 : i32
      %eq3A_1045 = vector.broadcast %eq3A_1044 : i32 to vector<16xi32>
      %eq3A_1046 = arith.cmpi eq, %get3A_1027, %eq3A_1045 : vector<16xi32>
      %select_n3A_1047 = arith.select %eq3A_1046, %get3A_1043, %select_n3A_1038 : vector<16xi1>, vector<16xf32>
      %get3A_1048 = arith.constant 12 : i32
      %get3A_1049 = arith.index_cast %get3A_1048 : i32 to index
      %get3A_1050 = arith.constant 32 : index
      %get3A_1051 = tpu.vector_load %arg8[%get3A_1049, %get3A_1050] {strides = array<i32>} : memref<26x128xf32, #tpu.memory_space<vmem>>, vector<1x16xf32>,
      %get3A_1052 = vector.shape_cast %get3A_1051 : vector<1x16xf32> to vector<16xf32>
      %eq3A_1053 = arith.constant 2 : i32
      %eq3A_1054 = vector.broadcast %eq3A_1053 : i32 to vector<16xi32>
      %eq3A_1055 = arith.cmpi eq, %get3A_1027, %eq3A_1054 : vector<16xi32>
      %select_n3A_1056 = arith.select %eq3A_1055, %get3A_1052, %select_n3A_1047 : vector<16xi1>, vector<16xf32>
      %get3A_1057 = arith.constant 12 : i32
      %get3A_1058 = arith.index_cast %get3A_1057 : i32 to index
      %get3A_1059 = arith.constant 48 : index
      %get3A_1060 = tpu.vector_load %arg8[%get3A_1058, %get3A_1059] {strides = array<i32>} : memref<26x128xf32, #tpu.memory_space<vmem>>, vector<1x16xf32>,
      %get3A_1061 = vector.shape_cast %get3A_1060 : vector<1x16xf32> to vector<16xf32>
      %eq3A_1062 = arith.constant 3 : i32
      %eq3A_1063 = vector.broadcast %eq3A_1062 : i32 to vector<16xi32>
      %eq3A_1064 = arith.cmpi eq, %get3A_1027, %eq3A_1063 : vector<16xi32>
      %select_n3A_1065 = arith.select %eq3A_1064, %get3A_1061, %select_n3A_1056 : vector<16xi1>, vector<16xf32>
      %get3A_1066 = arith.constant 12 : i32
      %get3A_1067 = arith.index_cast %get3A_1066 : i32 to index
      %get3A_1068 = arith.constant 64 : index
      %get3A_1069 = tpu.vector_load %arg8[%get3A_1067, %get3A_1068] {strides = array<i32>} : memref<26x128xf32, #tpu.memory_space<vmem>>, vector<1x16xf32>,
      %get3A_1070 = vector.shape_cast %get3A_1069 : vector<1x16xf32> to vector<16xf32>
      %eq3A_1071 = arith.constant 4 : i32
      %eq3A_1072 = vector.broadcast %eq3A_1071 : i32 to vector<16xi32>
      %eq3A_1073 = arith.cmpi eq, %get3A_1027, %eq3A_1072 : vector<16xi32>
      %select_n3A_1074 = arith.select %eq3A_1073, %get3A_1070, %select_n3A_1065 : vector<16xi1>, vector<16xf32>
      %get3A_1075 = arith.constant 12 : i32
      %get3A_1076 = arith.index_cast %get3A_1075 : i32 to index
      %get3A_1077 = arith.constant 80 : index
      %get3A_1078 = tpu.vector_load %arg8[%get3A_1076, %get3A_1077] {strides = array<i32>} : memref<26x128xf32, #tpu.memory_space<vmem>>, vector<1x16xf32>,
      %get3A_1079 = vector.shape_cast %get3A_1078 : vector<1x16xf32> to vector<16xf32>
      %eq3A_1080 = arith.constant 5 : i32
      %eq3A_1081 = vector.broadcast %eq3A_1080 : i32 to vector<16xi32>
      %eq3A_1082 = arith.cmpi eq, %get3A_1027, %eq3A_1081 : vector<16xi32>
      %select_n3A_1083 = arith.select %eq3A_1082, %get3A_1079, %select_n3A_1074 : vector<16xi1>, vector<16xf32>
      %get3A_1084 = arith.constant 12 : i32
      %get3A_1085 = arith.index_cast %get3A_1084 : i32 to index
      %get3A_1086 = arith.constant 96 : index
      %get3A_1087 = tpu.vector_load %arg8[%get3A_1085, %get3A_1086] {strides = array<i32>} : memref<26x128xf32, #tpu.memory_space<vmem>>, vector<1x16xf32>,
      %get3A_1088 = vector.shape_cast %get3A_1087 : vector<1x16xf32> to vector<16xf32>
      %eq3A_1089 = arith.constant 6 : i32
      %eq3A_1090 = vector.broadcast %eq3A_1089 : i32 to vector<16xi32>
      %eq3A_1091 = arith.cmpi eq, %get3A_1027, %eq3A_1090 : vector<16xi32>
      %select_n3A_1092 = arith.select %eq3A_1091, %get3A_1088, %select_n3A_1083 : vector<16xi1>, vector<16xf32>
      %get3A_1093 = arith.constant 12 : i32
      %get3A_1094 = arith.index_cast %get3A_1093 : i32 to index
      %get3A_1095 = arith.constant 112 : index
      %get3A_1096 = tpu.vector_load %arg8[%get3A_1094, %get3A_1095] {strides = array<i32>} : memref<26x128xf32, #tpu.memory_space<vmem>>, vector<1x16xf32>,
      %get3A_1097 = vector.shape_cast %get3A_1096 : vector<1x16xf32> to vector<16xf32>
      %eq3A_1098 = arith.constant 7 : i32
      %eq3A_1099 = vector.broadcast %eq3A_1098 : i32 to vector<16xi32>
      %eq3A_1100 = arith.cmpi eq, %get3A_1027, %eq3A_1099 : vector<16xi32>
      %select_n3A_1101 = arith.select %eq3A_1100, %get3A_1097, %select_n3A_1092 : vector<16xi1>, vector<16xf32>
      %swap3A_1102 = arith.constant 12 : i32
      %swap3A_1103 = arith.index_cast %swap3A_1102 : i32 to index
      %swap3A_1104 = arith.constant 0 : index
      %swap3A_1105 = tpu.vector_load %arg9[%swap3A_1103, %swap3A_1104] {strides = array<i32>} : memref<26x16xf32, #tpu.memory_space<vmem>>, vector<1x16xf32>,
      %swap3A_1106 = vector.shape_cast %swap3A_1105 : vector<1x16xf32> to vector<16xf32>
      %swap3A_1107 = vector.shape_cast %select_n3A_1101 : vector<16xf32> to vector<1x16xf32>
      tpu.vector_store %arg9[%swap3A_1103, %swap3A_1104], %swap3A_1107 {strides = array<i32>} : memref<26x16xf32, #tpu.memory_space<vmem>>, vector<1x16xf32>,
      %get3A_1108 = arith.constant 13 : i32
      %get3A_1109 = arith.index_cast %get3A_1108 : i32 to index
      %get3A_1110 = arith.constant 0 : index
      %get3A_1111 = tpu.vector_load %arg7[%get3A_1109, %get3A_1110] {strides = array<i32>} : memref<26x16xi32, #tpu.memory_space<vmem>>, vector<1x16xi32>,
      %get3A_1112 = vector.shape_cast %get3A_1111 : vector<1x16xi32> to vector<16xi32>
      %broadcast_in_dim3A_1113 = arith.constant 0.000000e+00 : f32
      %broadcast_in_dim3A_1114 = vector.broadcast %broadcast_in_dim3A_1113 : f32 to vector<16xf32>
      %get3A_1115 = arith.constant 13 : i32
      %get3A_1116 = arith.index_cast %get3A_1115 : i32 to index
      %get3A_1117 = arith.constant 0 : index
      %get3A_1118 = tpu.vector_load %arg8[%get3A_1116, %get3A_1117] {strides = array<i32>} : memref<26x128xf32, #tpu.memory_space<vmem>>, vector<1x16xf32>,
      %get3A_1119 = vector.shape_cast %get3A_1118 : vector<1x16xf32> to vector<16xf32>
      %eq3A_1120 = arith.constant 0 : i32
      %eq3A_1121 = vector.broadcast %eq3A_1120 : i32 to vector<16xi32>
      %eq3A_1122 = arith.cmpi eq, %get3A_1112, %eq3A_1121 : vector<16xi32>
      %select_n3A_1123 = arith.select %eq3A_1122, %get3A_1119, %broadcast_in_dim3A_1114 : vector<16xi1>, vector<16xf32>
      %get3A_1124 = arith.constant 13 : i32
      %get3A_1125 = arith.index_cast %get3A_1124 : i32 to index
      %get3A_1126 = arith.constant 16 : index
      %get3A_1127 = tpu.vector_load %arg8[%get3A_1125, %get3A_1126] {strides = array<i32>} : memref<26x128xf32, #tpu.memory_space<vmem>>, vector<1x16xf32>,
      %get3A_1128 = vector.shape_cast %get3A_1127 : vector<1x16xf32> to vector<16xf32>
      %eq3A_1129 = arith.constant 1 : i32
      %eq3A_1130 = vector.broadcast %eq3A_1129 : i32 to vector<16xi32>
      %eq3A_1131 = arith.cmpi eq, %get3A_1112, %eq3A_1130 : vector<16xi32>
      %select_n3A_1132 = arith.select %eq3A_1131, %get3A_1128, %select_n3A_1123 : vector<16xi1>, vector<16xf32>
      %get3A_1133 = arith.constant 13 : i32
      %get3A_1134 = arith.index_cast %get3A_1133 : i32 to index
      %get3A_1135 = arith.constant 32 : index
      %get3A_1136 = tpu.vector_load %arg8[%get3A_1134, %get3A_1135] {strides = array<i32>} : memref<26x128xf32, #tpu.memory_space<vmem>>, vector<1x16xf32>,
      %get3A_1137 = vector.shape_cast %get3A_1136 : vector<1x16xf32> to vector<16xf32>
      %eq3A_1138 = arith.constant 2 : i32
      %eq3A_1139 = vector.broadcast %eq3A_1138 : i32 to vector<16xi32>
      %eq3A_1140 = arith.cmpi eq, %get3A_1112, %eq3A_1139 : vector<16xi32>
      %select_n3A_1141 = arith.select %eq3A_1140, %get3A_1137, %select_n3A_1132 : vector<16xi1>, vector<16xf32>
      %get3A_1142 = arith.constant 13 : i32
      %get3A_1143 = arith.index_cast %get3A_1142 : i32 to index
      %get3A_1144 = arith.constant 48 : index
      %get3A_1145 = tpu.vector_load %arg8[%get3A_1143, %get3A_1144] {strides = array<i32>} : memref<26x128xf32, #tpu.memory_space<vmem>>, vector<1x16xf32>,
      %get3A_1146 = vector.shape_cast %get3A_1145 : vector<1x16xf32> to vector<16xf32>
      %eq3A_1147 = arith.constant 3 : i32
      %eq3A_1148 = vector.broadcast %eq3A_1147 : i32 to vector<16xi32>
      %eq3A_1149 = arith.cmpi eq, %get3A_1112, %eq3A_1148 : vector<16xi32>
      %select_n3A_1150 = arith.select %eq3A_1149, %get3A_1146, %select_n3A_1141 : vector<16xi1>, vector<16xf32>
      %get3A_1151 = arith.constant 13 : i32
      %get3A_1152 = arith.index_cast %get3A_1151 : i32 to index
      %get3A_1153 = arith.constant 64 : index
      %get3A_1154 = tpu.vector_load %arg8[%get3A_1152, %get3A_1153] {strides = array<i32>} : memref<26x128xf32, #tpu.memory_space<vmem>>, vector<1x16xf32>,
      %get3A_1155 = vector.shape_cast %get3A_1154 : vector<1x16xf32> to vector<16xf32>
      %eq3A_1156 = arith.constant 4 : i32
      %eq3A_1157 = vector.broadcast %eq3A_1156 : i32 to vector<16xi32>
      %eq3A_1158 = arith.cmpi eq, %get3A_1112, %eq3A_1157 : vector<16xi32>
      %select_n3A_1159 = arith.select %eq3A_1158, %get3A_1155, %select_n3A_1150 : vector<16xi1>, vector<16xf32>
      %get3A_1160 = arith.constant 13 : i32
      %get3A_1161 = arith.index_cast %get3A_1160 : i32 to index
      %get3A_1162 = arith.constant 80 : index
      %get3A_1163 = tpu.vector_load %arg8[%get3A_1161, %get3A_1162] {strides = array<i32>} : memref<26x128xf32, #tpu.memory_space<vmem>>, vector<1x16xf32>,
      %get3A_1164 = vector.shape_cast %get3A_1163 : vector<1x16xf32> to vector<16xf32>
      %eq3A_1165 = arith.constant 5 : i32
      %eq3A_1166 = vector.broadcast %eq3A_1165 : i32 to vector<16xi32>
      %eq3A_1167 = arith.cmpi eq, %get3A_1112, %eq3A_1166 : vector<16xi32>
      %select_n3A_1168 = arith.select %eq3A_1167, %get3A_1164, %select_n3A_1159 : vector<16xi1>, vector<16xf32>
      %get3A_1169 = arith.constant 13 : i32
      %get3A_1170 = arith.index_cast %get3A_1169 : i32 to index
      %get3A_1171 = arith.constant 96 : index
      %get3A_1172 = tpu.vector_load %arg8[%get3A_1170, %get3A_1171] {strides = array<i32>} : memref<26x128xf32, #tpu.memory_space<vmem>>, vector<1x16xf32>,
      %get3A_1173 = vector.shape_cast %get3A_1172 : vector<1x16xf32> to vector<16xf32>
      %eq3A_1174 = arith.constant 6 : i32
      %eq3A_1175 = vector.broadcast %eq3A_1174 : i32 to vector<16xi32>
      %eq3A_1176 = arith.cmpi eq, %get3A_1112, %eq3A_1175 : vector<16xi32>
      %select_n3A_1177 = arith.select %eq3A_1176, %get3A_1173, %select_n3A_1168 : vector<16xi1>, vector<16xf32>
      %get3A_1178 = arith.constant 13 : i32
      %get3A_1179 = arith.index_cast %get3A_1178 : i32 to index
      %get3A_1180 = arith.constant 112 : index
      %get3A_1181 = tpu.vector_load %arg8[%get3A_1179, %get3A_1180] {strides = array<i32>} : memref<26x128xf32, #tpu.memory_space<vmem>>, vector<1x16xf32>,
      %get3A_1182 = vector.shape_cast %get3A_1181 : vector<1x16xf32> to vector<16xf32>
      %eq3A_1183 = arith.constant 7 : i32
      %eq3A_1184 = vector.broadcast %eq3A_1183 : i32 to vector<16xi32>
      %eq3A_1185 = arith.cmpi eq, %get3A_1112, %eq3A_1184 : vector<16xi32>
      %select_n3A_1186 = arith.select %eq3A_1185, %get3A_1182, %select_n3A_1177 : vector<16xi1>, vector<16xf32>
      %swap3A_1187 = arith.constant 13 : i32
      %swap3A_1188 = arith.index_cast %swap3A_1187 : i32 to index
      %swap3A_1189 = arith.constant 0 : index
      %swap3A_1190 = tpu.vector_load %arg9[%swap3A_1188, %swap3A_1189] {strides = array<i32>} : memref<26x16xf32, #tpu.memory_space<vmem>>, vector<1x16xf32>,
      %swap3A_1191 = vector.shape_cast %swap3A_1190 : vector<1x16xf32> to vector<16xf32>
      %swap3A_1192 = vector.shape_cast %select_n3A_1186 : vector<16xf32> to vector<1x16xf32>
      tpu.vector_store %arg9[%swap3A_1188, %swap3A_1189], %swap3A_1192 {strides = array<i32>} : memref<26x16xf32, #tpu.memory_space<vmem>>, vector<1x16xf32>,
      %get3A_1193 = arith.constant 14 : i32
      %get3A_1194 = arith.index_cast %get3A_1193 : i32 to index
      %get3A_1195 = arith.constant 0 : index
      %get3A_1196 = tpu.vector_load %arg7[%get3A_1194, %get3A_1195] {strides = array<i32>} : memref<26x16xi32, #tpu.memory_space<vmem>>, vector<1x16xi32>,
      %get3A_1197 = vector.shape_cast %get3A_1196 : vector<1x16xi32> to vector<16xi32>
      %broadcast_in_dim3A_1198 = arith.constant 0.000000e+00 : f32
      %broadcast_in_dim3A_1199 = vector.broadcast %broadcast_in_dim3A_1198 : f32 to vector<16xf32>
      %get3A_1200 = arith.constant 14 : i32
      %get3A_1201 = arith.index_cast %get3A_1200 : i32 to index
      %get3A_1202 = arith.constant 0 : index
      %get3A_1203 = tpu.vector_load %arg8[%get3A_1201, %get3A_1202] {strides = array<i32>} : memref<26x128xf32, #tpu.memory_space<vmem>>, vector<1x16xf32>,
      %get3A_1204 = vector.shape_cast %get3A_1203 : vector<1x16xf32> to vector<16xf32>
      %eq3A_1205 = arith.constant 0 : i32
      %eq3A_1206 = vector.broadcast %eq3A_1205 : i32 to vector<16xi32>
      %eq3A_1207 = arith.cmpi eq, %get3A_1197, %eq3A_1206 : vector<16xi32>
      %select_n3A_1208 = arith.select %eq3A_1207, %get3A_1204, %broadcast_in_dim3A_1199 : vector<16xi1>, vector<16xf32>
      %get3A_1209 = arith.constant 14 : i32
      %get3A_1210 = arith.index_cast %get3A_1209 : i32 to index
      %get3A_1211 = arith.constant 16 : index
      %get3A_1212 = tpu.vector_load %arg8[%get3A_1210, %get3A_1211] {strides = array<i32>} : memref<26x128xf32, #tpu.memory_space<vmem>>, vector<1x16xf32>,
      %get3A_1213 = vector.shape_cast %get3A_1212 : vector<1x16xf32> to vector<16xf32>
      %eq3A_1214 = arith.constant 1 : i32
      %eq3A_1215 = vector.broadcast %eq3A_1214 : i32 to vector<16xi32>
      %eq3A_1216 = arith.cmpi eq, %get3A_1197, %eq3A_1215 : vector<16xi32>
      %select_n3A_1217 = arith.select %eq3A_1216, %get3A_1213, %select_n3A_1208 : vector<16xi1>, vector<16xf32>
      %get3A_1218 = arith.constant 14 : i32
      %get3A_1219 = arith.index_cast %get3A_1218 : i32 to index
      %get3A_1220 = arith.constant 32 : index
      %get3A_1221 = tpu.vector_load %arg8[%get3A_1219, %get3A_1220] {strides = array<i32>} : memref<26x128xf32, #tpu.memory_space<vmem>>, vector<1x16xf32>,
      %get3A_1222 = vector.shape_cast %get3A_1221 : vector<1x16xf32> to vector<16xf32>
      %eq3A_1223 = arith.constant 2 : i32
      %eq3A_1224 = vector.broadcast %eq3A_1223 : i32 to vector<16xi32>
      %eq3A_1225 = arith.cmpi eq, %get3A_1197, %eq3A_1224 : vector<16xi32>
      %select_n3A_1226 = arith.select %eq3A_1225, %get3A_1222, %select_n3A_1217 : vector<16xi1>, vector<16xf32>
      %get3A_1227 = arith.constant 14 : i32
      %get3A_1228 = arith.index_cast %get3A_1227 : i32 to index
      %get3A_1229 = arith.constant 48 : index
      %get3A_1230 = tpu.vector_load %arg8[%get3A_1228, %get3A_1229] {strides = array<i32>} : memref<26x128xf32, #tpu.memory_space<vmem>>, vector<1x16xf32>,
      %get3A_1231 = vector.shape_cast %get3A_1230 : vector<1x16xf32> to vector<16xf32>
      %eq3A_1232 = arith.constant 3 : i32
      %eq3A_1233 = vector.broadcast %eq3A_1232 : i32 to vector<16xi32>
      %eq3A_1234 = arith.cmpi eq, %get3A_1197, %eq3A_1233 : vector<16xi32>
      %select_n3A_1235 = arith.select %eq3A_1234, %get3A_1231, %select_n3A_1226 : vector<16xi1>, vector<16xf32>
      %get3A_1236 = arith.constant 14 : i32
      %get3A_1237 = arith.index_cast %get3A_1236 : i32 to index
      %get3A_1238 = arith.constant 64 : index
      %get3A_1239 = tpu.vector_load %arg8[%get3A_1237, %get3A_1238] {strides = array<i32>} : memref<26x128xf32, #tpu.memory_space<vmem>>, vector<1x16xf32>,
      %get3A_1240 = vector.shape_cast %get3A_1239 : vector<1x16xf32> to vector<16xf32>
      %eq3A_1241 = arith.constant 4 : i32
      %eq3A_1242 = vector.broadcast %eq3A_1241 : i32 to vector<16xi32>
      %eq3A_1243 = arith.cmpi eq, %get3A_1197, %eq3A_1242 : vector<16xi32>
      %select_n3A_1244 = arith.select %eq3A_1243, %get3A_1240, %select_n3A_1235 : vector<16xi1>, vector<16xf32>
      %get3A_1245 = arith.constant 14 : i32
      %get3A_1246 = arith.index_cast %get3A_1245 : i32 to index
      %get3A_1247 = arith.constant 80 : index
      %get3A_1248 = tpu.vector_load %arg8[%get3A_1246, %get3A_1247] {strides = array<i32>} : memref<26x128xf32, #tpu.memory_space<vmem>>, vector<1x16xf32>,
      %get3A_1249 = vector.shape_cast %get3A_1248 : vector<1x16xf32> to vector<16xf32>
      %eq3A_1250 = arith.constant 5 : i32
      %eq3A_1251 = vector.broadcast %eq3A_1250 : i32 to vector<16xi32>
      %eq3A_1252 = arith.cmpi eq, %get3A_1197, %eq3A_1251 : vector<16xi32>
      %select_n3A_1253 = arith.select %eq3A_1252, %get3A_1249, %select_n3A_1244 : vector<16xi1>, vector<16xf32>
      %get3A_1254 = arith.constant 14 : i32
      %get3A_1255 = arith.index_cast %get3A_1254 : i32 to index
      %get3A_1256 = arith.constant 96 : index
      %get3A_1257 = tpu.vector_load %arg8[%get3A_1255, %get3A_1256] {strides = array<i32>} : memref<26x128xf32, #tpu.memory_space<vmem>>, vector<1x16xf32>,
      %get3A_1258 = vector.shape_cast %get3A_1257 : vector<1x16xf32> to vector<16xf32>
      %eq3A_1259 = arith.constant 6 : i32
      %eq3A_1260 = vector.broadcast %eq3A_1259 : i32 to vector<16xi32>
      %eq3A_1261 = arith.cmpi eq, %get3A_1197, %eq3A_1260 : vector<16xi32>
      %select_n3A_1262 = arith.select %eq3A_1261, %get3A_1258, %select_n3A_1253 : vector<16xi1>, vector<16xf32>
      %get3A_1263 = arith.constant 14 : i32
      %get3A_1264 = arith.index_cast %get3A_1263 : i32 to index
      %get3A_1265 = arith.constant 112 : index
      %get3A_1266 = tpu.vector_load %arg8[%get3A_1264, %get3A_1265] {strides = array<i32>} : memref<26x128xf32, #tpu.memory_space<vmem>>, vector<1x16xf32>,
      %get3A_1267 = vector.shape_cast %get3A_1266 : vector<1x16xf32> to vector<16xf32>
      %eq3A_1268 = arith.constant 7 : i32
      %eq3A_1269 = vector.broadcast %eq3A_1268 : i32 to vector<16xi32>
      %eq3A_1270 = arith.cmpi eq, %get3A_1197, %eq3A_1269 : vector<16xi32>
      %select_n3A_1271 = arith.select %eq3A_1270, %get3A_1267, %select_n3A_1262 : vector<16xi1>, vector<16xf32>
      %swap3A_1272 = arith.constant 14 : i32
      %swap3A_1273 = arith.index_cast %swap3A_1272 : i32 to index
      %swap3A_1274 = arith.constant 0 : index
      %swap3A_1275 = tpu.vector_load %arg9[%swap3A_1273, %swap3A_1274] {strides = array<i32>} : memref<26x16xf32, #tpu.memory_space<vmem>>, vector<1x16xf32>,
      %swap3A_1276 = vector.shape_cast %swap3A_1275 : vector<1x16xf32> to vector<16xf32>
      %swap3A_1277 = vector.shape_cast %select_n3A_1271 : vector<16xf32> to vector<1x16xf32>
      tpu.vector_store %arg9[%swap3A_1273, %swap3A_1274], %swap3A_1277 {strides = array<i32>} : memref<26x16xf32, #tpu.memory_space<vmem>>, vector<1x16xf32>,
      %get3A_1278 = arith.constant 15 : i32
      %get3A_1279 = arith.index_cast %get3A_1278 : i32 to index
      %get3A_1280 = arith.constant 0 : index
      %get3A_1281 = tpu.vector_load %arg7[%get3A_1279, %get3A_1280] {strides = array<i32>} : memref<26x16xi32, #tpu.memory_space<vmem>>, vector<1x16xi32>,
      %get3A_1282 = vector.shape_cast %get3A_1281 : vector<1x16xi32> to vector<16xi32>
      %broadcast_in_dim3A_1283 = arith.constant 0.000000e+00 : f32
      %broadcast_in_dim3A_1284 = vector.broadcast %broadcast_in_dim3A_1283 : f32 to vector<16xf32>
      %get3A_1285 = arith.constant 15 : i32
      %get3A_1286 = arith.index_cast %get3A_1285 : i32 to index
      %get3A_1287 = arith.constant 0 : index
      %get3A_1288 = tpu.vector_load %arg8[%get3A_1286, %get3A_1287] {strides = array<i32>} : memref<26x128xf32, #tpu.memory_space<vmem>>, vector<1x16xf32>,
      %get3A_1289 = vector.shape_cast %get3A_1288 : vector<1x16xf32> to vector<16xf32>
      %eq3A_1290 = arith.constant 0 : i32
      %eq3A_1291 = vector.broadcast %eq3A_1290 : i32 to vector<16xi32>
      %eq3A_1292 = arith.cmpi eq, %get3A_1282, %eq3A_1291 : vector<16xi32>
      %select_n3A_1293 = arith.select %eq3A_1292, %get3A_1289, %broadcast_in_dim3A_1284 : vector<16xi1>, vector<16xf32>
      %get3A_1294 = arith.constant 15 : i32
      %get3A_1295 = arith.index_cast %get3A_1294 : i32 to index
      %get3A_1296 = arith.constant 16 : index
      %get3A_1297 = tpu.vector_load %arg8[%get3A_1295, %get3A_1296] {strides = array<i32>} : memref<26x128xf32, #tpu.memory_space<vmem>>, vector<1x16xf32>,
      %get3A_1298 = vector.shape_cast %get3A_1297 : vector<1x16xf32> to vector<16xf32>
      %eq3A_1299 = arith.constant 1 : i32
      %eq3A_1300 = vector.broadcast %eq3A_1299 : i32 to vector<16xi32>
      %eq3A_1301 = arith.cmpi eq, %get3A_1282, %eq3A_1300 : vector<16xi32>
      %select_n3A_1302 = arith.select %eq3A_1301, %get3A_1298, %select_n3A_1293 : vector<16xi1>, vector<16xf32>
      %get3A_1303 = arith.constant 15 : i32
      %get3A_1304 = arith.index_cast %get3A_1303 : i32 to index
      %get3A_1305 = arith.constant 32 : index
      %get3A_1306 = tpu.vector_load %arg8[%get3A_1304, %get3A_1305] {strides = array<i32>} : memref<26x128xf32, #tpu.memory_space<vmem>>, vector<1x16xf32>,
      %get3A_1307 = vector.shape_cast %get3A_1306 : vector<1x16xf32> to vector<16xf32>
      %eq3A_1308 = arith.constant 2 : i32
      %eq3A_1309 = vector.broadcast %eq3A_1308 : i32 to vector<16xi32>
      %eq3A_1310 = arith.cmpi eq, %get3A_1282, %eq3A_1309 : vector<16xi32>
      %select_n3A_1311 = arith.select %eq3A_1310, %get3A_1307, %select_n3A_1302 : vector<16xi1>, vector<16xf32>
      %get3A_1312 = arith.constant 15 : i32
      %get3A_1313 = arith.index_cast %get3A_1312 : i32 to index
      %get3A_1314 = arith.constant 48 : index
      %get3A_1315 = tpu.vector_load %arg8[%get3A_1313, %get3A_1314] {strides = array<i32>} : memref<26x128xf32, #tpu.memory_space<vmem>>, vector<1x16xf32>,
      %get3A_1316 = vector.shape_cast %get3A_1315 : vector<1x16xf32> to vector<16xf32>
      %eq3A_1317 = arith.constant 3 : i32
      %eq3A_1318 = vector.broadcast %eq3A_1317 : i32 to vector<16xi32>
      %eq3A_1319 = arith.cmpi eq, %get3A_1282, %eq3A_1318 : vector<16xi32>
      %select_n3A_1320 = arith.select %eq3A_1319, %get3A_1316, %select_n3A_1311 : vector<16xi1>, vector<16xf32>
      %get3A_1321 = arith.constant 15 : i32
      %get3A_1322 = arith.index_cast %get3A_1321 : i32 to index
      %get3A_1323 = arith.constant 64 : index
      %get3A_1324 = tpu.vector_load %arg8[%get3A_1322, %get3A_1323] {strides = array<i32>} : memref<26x128xf32, #tpu.memory_space<vmem>>, vector<1x16xf32>,
      %get3A_1325 = vector.shape_cast %get3A_1324 : vector<1x16xf32> to vector<16xf32>
      %eq3A_1326 = arith.constant 4 : i32
      %eq3A_1327 = vector.broadcast %eq3A_1326 : i32 to vector<16xi32>
      %eq3A_1328 = arith.cmpi eq, %get3A_1282, %eq3A_1327 : vector<16xi32>
      %select_n3A_1329 = arith.select %eq3A_1328, %get3A_1325, %select_n3A_1320 : vector<16xi1>, vector<16xf32>
      %get3A_1330 = arith.constant 15 : i32
      %get3A_1331 = arith.index_cast %get3A_1330 : i32 to index
      %get3A_1332 = arith.constant 80 : index
      %get3A_1333 = tpu.vector_load %arg8[%get3A_1331, %get3A_1332] {strides = array<i32>} : memref<26x128xf32, #tpu.memory_space<vmem>>, vector<1x16xf32>,
      %get3A_1334 = vector.shape_cast %get3A_1333 : vector<1x16xf32> to vector<16xf32>
      %eq3A_1335 = arith.constant 5 : i32
      %eq3A_1336 = vector.broadcast %eq3A_1335 : i32 to vector<16xi32>
      %eq3A_1337 = arith.cmpi eq, %get3A_1282, %eq3A_1336 : vector<16xi32>
      %select_n3A_1338 = arith.select %eq3A_1337, %get3A_1334, %select_n3A_1329 : vector<16xi1>, vector<16xf32>
      %get3A_1339 = arith.constant 15 : i32
      %get3A_1340 = arith.index_cast %get3A_1339 : i32 to index
      %get3A_1341 = arith.constant 96 : index
      %get3A_1342 = tpu.vector_load %arg8[%get3A_1340, %get3A_1341] {strides = array<i32>} : memref<26x128xf32, #tpu.memory_space<vmem>>, vector<1x16xf32>,
      %get3A_1343 = vector.shape_cast %get3A_1342 : vector<1x16xf32> to vector<16xf32>
      %eq3A_1344 = arith.constant 6 : i32
      %eq3A_1345 = vector.broadcast %eq3A_1344 : i32 to vector<16xi32>
      %eq3A_1346 = arith.cmpi eq, %get3A_1282, %eq3A_1345 : vector<16xi32>
      %select_n3A_1347 = arith.select %eq3A_1346, %get3A_1343, %select_n3A_1338 : vector<16xi1>, vector<16xf32>
      %get3A_1348 = arith.constant 15 : i32
      %get3A_1349 = arith.index_cast %get3A_1348 : i32 to index
      %get3A_1350 = arith.constant 112 : index
      %get3A_1351 = tpu.vector_load %arg8[%get3A_1349, %get3A_1350] {strides = array<i32>} : memref<26x128xf32, #tpu.memory_space<vmem>>, vector<1x16xf32>,
      %get3A_1352 = vector.shape_cast %get3A_1351 : vector<1x16xf32> to vector<16xf32>
      %eq3A_1353 = arith.constant 7 : i32
      %eq3A_1354 = vector.broadcast %eq3A_1353 : i32 to vector<16xi32>
      %eq3A_1355 = arith.cmpi eq, %get3A_1282, %eq3A_1354 : vector<16xi32>
      %select_n3A_1356 = arith.select %eq3A_1355, %get3A_1352, %select_n3A_1347 : vector<16xi1>, vector<16xf32>
      %swap3A_1357 = arith.constant 15 : i32
      %swap3A_1358 = arith.index_cast %swap3A_1357 : i32 to index
      %swap3A_1359 = arith.constant 0 : index
      %swap3A_1360 = tpu.vector_load %arg9[%swap3A_1358, %swap3A_1359] {strides = array<i32>} : memref<26x16xf32, #tpu.memory_space<vmem>>, vector<1x16xf32>,
      %swap3A_1361 = vector.shape_cast %swap3A_1360 : vector<1x16xf32> to vector<16xf32>
      %swap3A_1362 = vector.shape_cast %select_n3A_1356 : vector<16xf32> to vector<1x16xf32>
      tpu.vector_store %arg9[%swap3A_1358, %swap3A_1359], %swap3A_1362 {strides = array<i32>} : memref<26x16xf32, #tpu.memory_space<vmem>>, vector<1x16xf32>,
      %get3A_1363 = arith.constant 16 : i32
      %get3A_1364 = arith.index_cast %get3A_1363 : i32 to index
      %get3A_1365 = arith.constant 0 : index
      %get3A_1366 = tpu.vector_load %arg7[%get3A_1364, %get3A_1365] {strides = array<i32>} : memref<26x16xi32, #tpu.memory_space<vmem>>, vector<1x16xi32>,
      %get3A_1367 = vector.shape_cast %get3A_1366 : vector<1x16xi32> to vector<16xi32>
      %broadcast_in_dim3A_1368 = arith.constant 0.000000e+00 : f32
      %broadcast_in_dim3A_1369 = vector.broadcast %broadcast_in_dim3A_1368 : f32 to vector<16xf32>
      %get3A_1370 = arith.constant 16 : i32
      %get3A_1371 = arith.index_cast %get3A_1370 : i32 to index
      %get3A_1372 = arith.constant 0 : index
      %get3A_1373 = tpu.vector_load %arg8[%get3A_1371, %get3A_1372] {strides = array<i32>} : memref<26x128xf32, #tpu.memory_space<vmem>>, vector<1x16xf32>,
      %get3A_1374 = vector.shape_cast %get3A_1373 : vector<1x16xf32> to vector<16xf32>
      %eq3A_1375 = arith.constant 0 : i32
      %eq3A_1376 = vector.broadcast %eq3A_1375 : i32 to vector<16xi32>
      %eq3A_1377 = arith.cmpi eq, %get3A_1367, %eq3A_1376 : vector<16xi32>
      %select_n3A_1378 = arith.select %eq3A_1377, %get3A_1374, %broadcast_in_dim3A_1369 : vector<16xi1>, vector<16xf32>
      %get3A_1379 = arith.constant 16 : i32
      %get3A_1380 = arith.index_cast %get3A_1379 : i32 to index
      %get3A_1381 = arith.constant 16 : index
      %get3A_1382 = tpu.vector_load %arg8[%get3A_1380, %get3A_1381] {strides = array<i32>} : memref<26x128xf32, #tpu.memory_space<vmem>>, vector<1x16xf32>,
      %get3A_1383 = vector.shape_cast %get3A_1382 : vector<1x16xf32> to vector<16xf32>
      %eq3A_1384 = arith.constant 1 : i32
      %eq3A_1385 = vector.broadcast %eq3A_1384 : i32 to vector<16xi32>
      %eq3A_1386 = arith.cmpi eq, %get3A_1367, %eq3A_1385 : vector<16xi32>
      %select_n3A_1387 = arith.select %eq3A_1386, %get3A_1383, %select_n3A_1378 : vector<16xi1>, vector<16xf32>
      %get3A_1388 = arith.constant 16 : i32
      %get3A_1389 = arith.index_cast %get3A_1388 : i32 to index
      %get3A_1390 = arith.constant 32 : index
      %get3A_1391 = tpu.vector_load %arg8[%get3A_1389, %get3A_1390] {strides = array<i32>} : memref<26x128xf32, #tpu.memory_space<vmem>>, vector<1x16xf32>,
      %get3A_1392 = vector.shape_cast %get3A_1391 : vector<1x16xf32> to vector<16xf32>
      %eq3A_1393 = arith.constant 2 : i32
      %eq3A_1394 = vector.broadcast %eq3A_1393 : i32 to vector<16xi32>
      %eq3A_1395 = arith.cmpi eq, %get3A_1367, %eq3A_1394 : vector<16xi32>
      %select_n3A_1396 = arith.select %eq3A_1395, %get3A_1392, %select_n3A_1387 : vector<16xi1>, vector<16xf32>
      %get3A_1397 = arith.constant 16 : i32
      %get3A_1398 = arith.index_cast %get3A_1397 : i32 to index
      %get3A_1399 = arith.constant 48 : index
      %get3A_1400 = tpu.vector_load %arg8[%get3A_1398, %get3A_1399] {strides = array<i32>} : memref<26x128xf32, #tpu.memory_space<vmem>>, vector<1x16xf32>,
      %get3A_1401 = vector.shape_cast %get3A_1400 : vector<1x16xf32> to vector<16xf32>
      %eq3A_1402 = arith.constant 3 : i32
      %eq3A_1403 = vector.broadcast %eq3A_1402 : i32 to vector<16xi32>
      %eq3A_1404 = arith.cmpi eq, %get3A_1367, %eq3A_1403 : vector<16xi32>
      %select_n3A_1405 = arith.select %eq3A_1404, %get3A_1401, %select_n3A_1396 : vector<16xi1>, vector<16xf32>
      %get3A_1406 = arith.constant 16 : i32
      %get3A_1407 = arith.index_cast %get3A_1406 : i32 to index
      %get3A_1408 = arith.constant 64 : index
      %get3A_1409 = tpu.vector_load %arg8[%get3A_1407, %get3A_1408] {strides = array<i32>} : memref<26x128xf32, #tpu.memory_space<vmem>>, vector<1x16xf32>,
      %get3A_1410 = vector.shape_cast %get3A_1409 : vector<1x16xf32> to vector<16xf32>
      %eq3A_1411 = arith.constant 4 : i32
      %eq3A_1412 = vector.broadcast %eq3A_1411 : i32 to vector<16xi32>
      %eq3A_1413 = arith.cmpi eq, %get3A_1367, %eq3A_1412 : vector<16xi32>
      %select_n3A_1414 = arith.select %eq3A_1413, %get3A_1410, %select_n3A_1405 : vector<16xi1>, vector<16xf32>
      %get3A_1415 = arith.constant 16 : i32
      %get3A_1416 = arith.index_cast %get3A_1415 : i32 to index
      %get3A_1417 = arith.constant 80 : index
      %get3A_1418 = tpu.vector_load %arg8[%get3A_1416, %get3A_1417] {strides = array<i32>} : memref<26x128xf32, #tpu.memory_space<vmem>>, vector<1x16xf32>,
      %get3A_1419 = vector.shape_cast %get3A_1418 : vector<1x16xf32> to vector<16xf32>
      %eq3A_1420 = arith.constant 5 : i32
      %eq3A_1421 = vector.broadcast %eq3A_1420 : i32 to vector<16xi32>
      %eq3A_1422 = arith.cmpi eq, %get3A_1367, %eq3A_1421 : vector<16xi32>
      %select_n3A_1423 = arith.select %eq3A_1422, %get3A_1419, %select_n3A_1414 : vector<16xi1>, vector<16xf32>
      %get3A_1424 = arith.constant 16 : i32
      %get3A_1425 = arith.index_cast %get3A_1424 : i32 to index
      %get3A_1426 = arith.constant 96 : index
      %get3A_1427 = tpu.vector_load %arg8[%get3A_1425, %get3A_1426] {strides = array<i32>} : memref<26x128xf32, #tpu.memory_space<vmem>>, vector<1x16xf32>,
      %get3A_1428 = vector.shape_cast %get3A_1427 : vector<1x16xf32> to vector<16xf32>
      %eq3A_1429 = arith.constant 6 : i32
      %eq3A_1430 = vector.broadcast %eq3A_1429 : i32 to vector<16xi32>
      %eq3A_1431 = arith.cmpi eq, %get3A_1367, %eq3A_1430 : vector<16xi32>
      %select_n3A_1432 = arith.select %eq3A_1431, %get3A_1428, %select_n3A_1423 : vector<16xi1>, vector<16xf32>
      %get3A_1433 = arith.constant 16 : i32
      %get3A_1434 = arith.index_cast %get3A_1433 : i32 to index
      %get3A_1435 = arith.constant 112 : index
      %get3A_1436 = tpu.vector_load %arg8[%get3A_1434, %get3A_1435] {strides = array<i32>} : memref<26x128xf32, #tpu.memory_space<vmem>>, vector<1x16xf32>,
      %get3A_1437 = vector.shape_cast %get3A_1436 : vector<1x16xf32> to vector<16xf32>
      %eq3A_1438 = arith.constant 7 : i32
      %eq3A_1439 = vector.broadcast %eq3A_1438 : i32 to vector<16xi32>
      %eq3A_1440 = arith.cmpi eq, %get3A_1367, %eq3A_1439 : vector<16xi32>
      %select_n3A_1441 = arith.select %eq3A_1440, %get3A_1437, %select_n3A_1432 : vector<16xi1>, vector<16xf32>
      %swap3A_1442 = arith.constant 16 : i32
      %swap3A_1443 = arith.index_cast %swap3A_1442 : i32 to index
      %swap3A_1444 = arith.constant 0 : index
      %swap3A_1445 = tpu.vector_load %arg9[%swap3A_1443, %swap3A_1444] {strides = array<i32>} : memref<26x16xf32, #tpu.memory_space<vmem>>, vector<1x16xf32>,
      %swap3A_1446 = vector.shape_cast %swap3A_1445 : vector<1x16xf32> to vector<16xf32>
      %swap3A_1447 = vector.shape_cast %select_n3A_1441 : vector<16xf32> to vector<1x16xf32>
      tpu.vector_store %arg9[%swap3A_1443, %swap3A_1444], %swap3A_1447 {strides = array<i32>} : memref<26x16xf32, #tpu.memory_space<vmem>>, vector<1x16xf32>,
      %get3A_1448 = arith.constant 17 : i32
      %get3A_1449 = arith.index_cast %get3A_1448 : i32 to index
      %get3A_1450 = arith.constant 0 : index
      %get3A_1451 = tpu.vector_load %arg7[%get3A_1449, %get3A_1450] {strides = array<i32>} : memref<26x16xi32, #tpu.memory_space<vmem>>, vector<1x16xi32>,
      %get3A_1452 = vector.shape_cast %get3A_1451 : vector<1x16xi32> to vector<16xi32>
      %broadcast_in_dim3A_1453 = arith.constant 0.000000e+00 : f32
      %broadcast_in_dim3A_1454 = vector.broadcast %broadcast_in_dim3A_1453 : f32 to vector<16xf32>
      %get3A_1455 = arith.constant 17 : i32
      %get3A_1456 = arith.index_cast %get3A_1455 : i32 to index
      %get3A_1457 = arith.constant 0 : index
      %get3A_1458 = tpu.vector_load %arg8[%get3A_1456, %get3A_1457] {strides = array<i32>} : memref<26x128xf32, #tpu.memory_space<vmem>>, vector<1x16xf32>,
      %get3A_1459 = vector.shape_cast %get3A_1458 : vector<1x16xf32> to vector<16xf32>
      %eq3A_1460 = arith.constant 0 : i32
      %eq3A_1461 = vector.broadcast %eq3A_1460 : i32 to vector<16xi32>
      %eq3A_1462 = arith.cmpi eq, %get3A_1452, %eq3A_1461 : vector<16xi32>
      %select_n3A_1463 = arith.select %eq3A_1462, %get3A_1459, %broadcast_in_dim3A_1454 : vector<16xi1>, vector<16xf32>
      %get3A_1464 = arith.constant 17 : i32
      %get3A_1465 = arith.index_cast %get3A_1464 : i32 to index
      %get3A_1466 = arith.constant 16 : index
      %get3A_1467 = tpu.vector_load %arg8[%get3A_1465, %get3A_1466] {strides = array<i32>} : memref<26x128xf32, #tpu.memory_space<vmem>>, vector<1x16xf32>,
      %get3A_1468 = vector.shape_cast %get3A_1467 : vector<1x16xf32> to vector<16xf32>
      %eq3A_1469 = arith.constant 1 : i32
      %eq3A_1470 = vector.broadcast %eq3A_1469 : i32 to vector<16xi32>
      %eq3A_1471 = arith.cmpi eq, %get3A_1452, %eq3A_1470 : vector<16xi32>
      %select_n3A_1472 = arith.select %eq3A_1471, %get3A_1468, %select_n3A_1463 : vector<16xi1>, vector<16xf32>
      %get3A_1473 = arith.constant 17 : i32
      %get3A_1474 = arith.index_cast %get3A_1473 : i32 to index
      %get3A_1475 = arith.constant 32 : index
      %get3A_1476 = tpu.vector_load %arg8[%get3A_1474, %get3A_1475] {strides = array<i32>} : memref<26x128xf32, #tpu.memory_space<vmem>>, vector<1x16xf32>,
      %get3A_1477 = vector.shape_cast %get3A_1476 : vector<1x16xf32> to vector<16xf32>
      %eq3A_1478 = arith.constant 2 : i32
      %eq3A_1479 = vector.broadcast %eq3A_1478 : i32 to vector<16xi32>
      %eq3A_1480 = arith.cmpi eq, %get3A_1452, %eq3A_1479 : vector<16xi32>
      %select_n3A_1481 = arith.select %eq3A_1480, %get3A_1477, %select_n3A_1472 : vector<16xi1>, vector<16xf32>
      %get3A_1482 = arith.constant 17 : i32
      %get3A_1483 = arith.index_cast %get3A_1482 : i32 to index
      %get3A_1484 = arith.constant 48 : index
      %get3A_1485 = tpu.vector_load %arg8[%get3A_1483, %get3A_1484] {strides = array<i32>} : memref<26x128xf32, #tpu.memory_space<vmem>>, vector<1x16xf32>,
      %get3A_1486 = vector.shape_cast %get3A_1485 : vector<1x16xf32> to vector<16xf32>
      %eq3A_1487 = arith.constant 3 : i32
      %eq3A_1488 = vector.broadcast %eq3A_1487 : i32 to vector<16xi32>
      %eq3A_1489 = arith.cmpi eq, %get3A_1452, %eq3A_1488 : vector<16xi32>
      %select_n3A_1490 = arith.select %eq3A_1489, %get3A_1486, %select_n3A_1481 : vector<16xi1>, vector<16xf32>
      %get3A_1491 = arith.constant 17 : i32
      %get3A_1492 = arith.index_cast %get3A_1491 : i32 to index
      %get3A_1493 = arith.constant 64 : index
      %get3A_1494 = tpu.vector_load %arg8[%get3A_1492, %get3A_1493] {strides = array<i32>} : memref<26x128xf32, #tpu.memory_space<vmem>>, vector<1x16xf32>,
      %get3A_1495 = vector.shape_cast %get3A_1494 : vector<1x16xf32> to vector<16xf32>
      %eq3A_1496 = arith.constant 4 : i32
      %eq3A_1497 = vector.broadcast %eq3A_1496 : i32 to vector<16xi32>
      %eq3A_1498 = arith.cmpi eq, %get3A_1452, %eq3A_1497 : vector<16xi32>
      %select_n3A_1499 = arith.select %eq3A_1498, %get3A_1495, %select_n3A_1490 : vector<16xi1>, vector<16xf32>
      %get3A_1500 = arith.constant 17 : i32
      %get3A_1501 = arith.index_cast %get3A_1500 : i32 to index
      %get3A_1502 = arith.constant 80 : index
      %get3A_1503 = tpu.vector_load %arg8[%get3A_1501, %get3A_1502] {strides = array<i32>} : memref<26x128xf32, #tpu.memory_space<vmem>>, vector<1x16xf32>,
      %get3A_1504 = vector.shape_cast %get3A_1503 : vector<1x16xf32> to vector<16xf32>
      %eq3A_1505 = arith.constant 5 : i32
      %eq3A_1506 = vector.broadcast %eq3A_1505 : i32 to vector<16xi32>
      %eq3A_1507 = arith.cmpi eq, %get3A_1452, %eq3A_1506 : vector<16xi32>
      %select_n3A_1508 = arith.select %eq3A_1507, %get3A_1504, %select_n3A_1499 : vector<16xi1>, vector<16xf32>
      %get3A_1509 = arith.constant 17 : i32
      %get3A_1510 = arith.index_cast %get3A_1509 : i32 to index
      %get3A_1511 = arith.constant 96 : index
      %get3A_1512 = tpu.vector_load %arg8[%get3A_1510, %get3A_1511] {strides = array<i32>} : memref<26x128xf32, #tpu.memory_space<vmem>>, vector<1x16xf32>,
      %get3A_1513 = vector.shape_cast %get3A_1512 : vector<1x16xf32> to vector<16xf32>
      %eq3A_1514 = arith.constant 6 : i32
      %eq3A_1515 = vector.broadcast %eq3A_1514 : i32 to vector<16xi32>
      %eq3A_1516 = arith.cmpi eq, %get3A_1452, %eq3A_1515 : vector<16xi32>
      %select_n3A_1517 = arith.select %eq3A_1516, %get3A_1513, %select_n3A_1508 : vector<16xi1>, vector<16xf32>
      %get3A_1518 = arith.constant 17 : i32
      %get3A_1519 = arith.index_cast %get3A_1518 : i32 to index
      %get3A_1520 = arith.constant 112 : index
      %get3A_1521 = tpu.vector_load %arg8[%get3A_1519, %get3A_1520] {strides = array<i32>} : memref<26x128xf32, #tpu.memory_space<vmem>>, vector<1x16xf32>,
      %get3A_1522 = vector.shape_cast %get3A_1521 : vector<1x16xf32> to vector<16xf32>
      %eq3A_1523 = arith.constant 7 : i32
      %eq3A_1524 = vector.broadcast %eq3A_1523 : i32 to vector<16xi32>
      %eq3A_1525 = arith.cmpi eq, %get3A_1452, %eq3A_1524 : vector<16xi32>
      %select_n3A_1526 = arith.select %eq3A_1525, %get3A_1522, %select_n3A_1517 : vector<16xi1>, vector<16xf32>
      %swap3A_1527 = arith.constant 17 : i32
      %swap3A_1528 = arith.index_cast %swap3A_1527 : i32 to index
      %swap3A_1529 = arith.constant 0 : index
      %swap3A_1530 = tpu.vector_load %arg9[%swap3A_1528, %swap3A_1529] {strides = array<i32>} : memref<26x16xf32, #tpu.memory_space<vmem>>, vector<1x16xf32>,
      %swap3A_1531 = vector.shape_cast %swap3A_1530 : vector<1x16xf32> to vector<16xf32>
      %swap3A_1532 = vector.shape_cast %select_n3A_1526 : vector<16xf32> to vector<1x16xf32>
      tpu.vector_store %arg9[%swap3A_1528, %swap3A_1529], %swap3A_1532 {strides = array<i32>} : memref<26x16xf32, #tpu.memory_space<vmem>>, vector<1x16xf32>,
      %get3A_1533 = arith.constant 18 : i32
      %get3A_1534 = arith.index_cast %get3A_1533 : i32 to index
      %get3A_1535 = arith.constant 0 : index
      %get3A_1536 = tpu.vector_load %arg7[%get3A_1534, %get3A_1535] {strides = array<i32>} : memref<26x16xi32, #tpu.memory_space<vmem>>, vector<1x16xi32>,
      %get3A_1537 = vector.shape_cast %get3A_1536 : vector<1x16xi32> to vector<16xi32>
      %broadcast_in_dim3A_1538 = arith.constant 0.000000e+00 : f32
      %broadcast_in_dim3A_1539 = vector.broadcast %broadcast_in_dim3A_1538 : f32 to vector<16xf32>
      %get3A_1540 = arith.constant 18 : i32
      %get3A_1541 = arith.index_cast %get3A_1540 : i32 to index
      %get3A_1542 = arith.constant 0 : index
      %get3A_1543 = tpu.vector_load %arg8[%get3A_1541, %get3A_1542] {strides = array<i32>} : memref<26x128xf32, #tpu.memory_space<vmem>>, vector<1x16xf32>,
      %get3A_1544 = vector.shape_cast %get3A_1543 : vector<1x16xf32> to vector<16xf32>
      %eq3A_1545 = arith.constant 0 : i32
      %eq3A_1546 = vector.broadcast %eq3A_1545 : i32 to vector<16xi32>
      %eq3A_1547 = arith.cmpi eq, %get3A_1537, %eq3A_1546 : vector<16xi32>
      %select_n3A_1548 = arith.select %eq3A_1547, %get3A_1544, %broadcast_in_dim3A_1539 : vector<16xi1>, vector<16xf32>
      %get3A_1549 = arith.constant 18 : i32
      %get3A_1550 = arith.index_cast %get3A_1549 : i32 to index
      %get3A_1551 = arith.constant 16 : index
      %get3A_1552 = tpu.vector_load %arg8[%get3A_1550, %get3A_1551] {strides = array<i32>} : memref<26x128xf32, #tpu.memory_space<vmem>>, vector<1x16xf32>,
      %get3A_1553 = vector.shape_cast %get3A_1552 : vector<1x16xf32> to vector<16xf32>
      %eq3A_1554 = arith.constant 1 : i32
      %eq3A_1555 = vector.broadcast %eq3A_1554 : i32 to vector<16xi32>
      %eq3A_1556 = arith.cmpi eq, %get3A_1537, %eq3A_1555 : vector<16xi32>
      %select_n3A_1557 = arith.select %eq3A_1556, %get3A_1553, %select_n3A_1548 : vector<16xi1>, vector<16xf32>
      %get3A_1558 = arith.constant 18 : i32
      %get3A_1559 = arith.index_cast %get3A_1558 : i32 to index
      %get3A_1560 = arith.constant 32 : index
      %get3A_1561 = tpu.vector_load %arg8[%get3A_1559, %get3A_1560] {strides = array<i32>} : memref<26x128xf32, #tpu.memory_space<vmem>>, vector<1x16xf32>,
      %get3A_1562 = vector.shape_cast %get3A_1561 : vector<1x16xf32> to vector<16xf32>
      %eq3A_1563 = arith.constant 2 : i32
      %eq3A_1564 = vector.broadcast %eq3A_1563 : i32 to vector<16xi32>
      %eq3A_1565 = arith.cmpi eq, %get3A_1537, %eq3A_1564 : vector<16xi32>
      %select_n3A_1566 = arith.select %eq3A_1565, %get3A_1562, %select_n3A_1557 : vector<16xi1>, vector<16xf32>
      %get3A_1567 = arith.constant 18 : i32
      %get3A_1568 = arith.index_cast %get3A_1567 : i32 to index
      %get3A_1569 = arith.constant 48 : index
      %get3A_1570 = tpu.vector_load %arg8[%get3A_1568, %get3A_1569] {strides = array<i32>} : memref<26x128xf32, #tpu.memory_space<vmem>>, vector<1x16xf32>,
      %get3A_1571 = vector.shape_cast %get3A_1570 : vector<1x16xf32> to vector<16xf32>
      %eq3A_1572 = arith.constant 3 : i32
      %eq3A_1573 = vector.broadcast %eq3A_1572 : i32 to vector<16xi32>
      %eq3A_1574 = arith.cmpi eq, %get3A_1537, %eq3A_1573 : vector<16xi32>
      %select_n3A_1575 = arith.select %eq3A_1574, %get3A_1571, %select_n3A_1566 : vector<16xi1>, vector<16xf32>
      %get3A_1576 = arith.constant 18 : i32
      %get3A_1577 = arith.index_cast %get3A_1576 : i32 to index
      %get3A_1578 = arith.constant 64 : index
      %get3A_1579 = tpu.vector_load %arg8[%get3A_1577, %get3A_1578] {strides = array<i32>} : memref<26x128xf32, #tpu.memory_space<vmem>>, vector<1x16xf32>,
      %get3A_1580 = vector.shape_cast %get3A_1579 : vector<1x16xf32> to vector<16xf32>
      %eq3A_1581 = arith.constant 4 : i32
      %eq3A_1582 = vector.broadcast %eq3A_1581 : i32 to vector<16xi32>
      %eq3A_1583 = arith.cmpi eq, %get3A_1537, %eq3A_1582 : vector<16xi32>
      %select_n3A_1584 = arith.select %eq3A_1583, %get3A_1580, %select_n3A_1575 : vector<16xi1>, vector<16xf32>
      %get3A_1585 = arith.constant 18 : i32
      %get3A_1586 = arith.index_cast %get3A_1585 : i32 to index
      %get3A_1587 = arith.constant 80 : index
      %get3A_1588 = tpu.vector_load %arg8[%get3A_1586, %get3A_1587] {strides = array<i32>} : memref<26x128xf32, #tpu.memory_space<vmem>>, vector<1x16xf32>,
      %get3A_1589 = vector.shape_cast %get3A_1588 : vector<1x16xf32> to vector<16xf32>
      %eq3A_1590 = arith.constant 5 : i32
      %eq3A_1591 = vector.broadcast %eq3A_1590 : i32 to vector<16xi32>
      %eq3A_1592 = arith.cmpi eq, %get3A_1537, %eq3A_1591 : vector<16xi32>
      %select_n3A_1593 = arith.select %eq3A_1592, %get3A_1589, %select_n3A_1584 : vector<16xi1>, vector<16xf32>
      %get3A_1594 = arith.constant 18 : i32
      %get3A_1595 = arith.index_cast %get3A_1594 : i32 to index
      %get3A_1596 = arith.constant 96 : index
      %get3A_1597 = tpu.vector_load %arg8[%get3A_1595, %get3A_1596] {strides = array<i32>} : memref<26x128xf32, #tpu.memory_space<vmem>>, vector<1x16xf32>,
      %get3A_1598 = vector.shape_cast %get3A_1597 : vector<1x16xf32> to vector<16xf32>
      %eq3A_1599 = arith.constant 6 : i32
      %eq3A_1600 = vector.broadcast %eq3A_1599 : i32 to vector<16xi32>
      %eq3A_1601 = arith.cmpi eq, %get3A_1537, %eq3A_1600 : vector<16xi32>
      %select_n3A_1602 = arith.select %eq3A_1601, %get3A_1598, %select_n3A_1593 : vector<16xi1>, vector<16xf32>
      %get3A_1603 = arith.constant 18 : i32
      %get3A_1604 = arith.index_cast %get3A_1603 : i32 to index
      %get3A_1605 = arith.constant 112 : index
      %get3A_1606 = tpu.vector_load %arg8[%get3A_1604, %get3A_1605] {strides = array<i32>} : memref<26x128xf32, #tpu.memory_space<vmem>>, vector<1x16xf32>,
      %get3A_1607 = vector.shape_cast %get3A_1606 : vector<1x16xf32> to vector<16xf32>
      %eq3A_1608 = arith.constant 7 : i32
      %eq3A_1609 = vector.broadcast %eq3A_1608 : i32 to vector<16xi32>
      %eq3A_1610 = arith.cmpi eq, %get3A_1537, %eq3A_1609 : vector<16xi32>
      %select_n3A_1611 = arith.select %eq3A_1610, %get3A_1607, %select_n3A_1602 : vector<16xi1>, vector<16xf32>
      %swap3A_1612 = arith.constant 18 : i32
      %swap3A_1613 = arith.index_cast %swap3A_1612 : i32 to index
      %swap3A_1614 = arith.constant 0 : index
      %swap3A_1615 = tpu.vector_load %arg9[%swap3A_1613, %swap3A_1614] {strides = array<i32>} : memref<26x16xf32, #tpu.memory_space<vmem>>, vector<1x16xf32>,
      %swap3A_1616 = vector.shape_cast %swap3A_1615 : vector<1x16xf32> to vector<16xf32>
      %swap3A_1617 = vector.shape_cast %select_n3A_1611 : vector<16xf32> to vector<1x16xf32>
      tpu.vector_store %arg9[%swap3A_1613, %swap3A_1614], %swap3A_1617 {strides = array<i32>} : memref<26x16xf32, #tpu.memory_space<vmem>>, vector<1x16xf32>,
      %get3A_1618 = arith.constant 19 : i32
      %get3A_1619 = arith.index_cast %get3A_1618 : i32 to index
      %get3A_1620 = arith.constant 0 : index
      %get3A_1621 = tpu.vector_load %arg7[%get3A_1619, %get3A_1620] {strides = array<i32>} : memref<26x16xi32, #tpu.memory_space<vmem>>, vector<1x16xi32>,
      %get3A_1622 = vector.shape_cast %get3A_1621 : vector<1x16xi32> to vector<16xi32>
      %broadcast_in_dim3A_1623 = arith.constant 0.000000e+00 : f32
      %broadcast_in_dim3A_1624 = vector.broadcast %broadcast_in_dim3A_1623 : f32 to vector<16xf32>
      %get3A_1625 = arith.constant 19 : i32
      %get3A_1626 = arith.index_cast %get3A_1625 : i32 to index
      %get3A_1627 = arith.constant 0 : index
      %get3A_1628 = tpu.vector_load %arg8[%get3A_1626, %get3A_1627] {strides = array<i32>} : memref<26x128xf32, #tpu.memory_space<vmem>>, vector<1x16xf32>,
      %get3A_1629 = vector.shape_cast %get3A_1628 : vector<1x16xf32> to vector<16xf32>
      %eq3A_1630 = arith.constant 0 : i32
      %eq3A_1631 = vector.broadcast %eq3A_1630 : i32 to vector<16xi32>
      %eq3A_1632 = arith.cmpi eq, %get3A_1622, %eq3A_1631 : vector<16xi32>
      %select_n3A_1633 = arith.select %eq3A_1632, %get3A_1629, %broadcast_in_dim3A_1624 : vector<16xi1>, vector<16xf32>
      %get3A_1634 = arith.constant 19 : i32
      %get3A_1635 = arith.index_cast %get3A_1634 : i32 to index
      %get3A_1636 = arith.constant 16 : index
      %get3A_1637 = tpu.vector_load %arg8[%get3A_1635, %get3A_1636] {strides = array<i32>} : memref<26x128xf32, #tpu.memory_space<vmem>>, vector<1x16xf32>,
      %get3A_1638 = vector.shape_cast %get3A_1637 : vector<1x16xf32> to vector<16xf32>
      %eq3A_1639 = arith.constant 1 : i32
      %eq3A_1640 = vector.broadcast %eq3A_1639 : i32 to vector<16xi32>
      %eq3A_1641 = arith.cmpi eq, %get3A_1622, %eq3A_1640 : vector<16xi32>
      %select_n3A_1642 = arith.select %eq3A_1641, %get3A_1638, %select_n3A_1633 : vector<16xi1>, vector<16xf32>
      %get3A_1643 = arith.constant 19 : i32
      %get3A_1644 = arith.index_cast %get3A_1643 : i32 to index
      %get3A_1645 = arith.constant 32 : index
      %get3A_1646 = tpu.vector_load %arg8[%get3A_1644, %get3A_1645] {strides = array<i32>} : memref<26x128xf32, #tpu.memory_space<vmem>>, vector<1x16xf32>,
      %get3A_1647 = vector.shape_cast %get3A_1646 : vector<1x16xf32> to vector<16xf32>
      %eq3A_1648 = arith.constant 2 : i32
      %eq3A_1649 = vector.broadcast %eq3A_1648 : i32 to vector<16xi32>
      %eq3A_1650 = arith.cmpi eq, %get3A_1622, %eq3A_1649 : vector<16xi32>
      %select_n3A_1651 = arith.select %eq3A_1650, %get3A_1647, %select_n3A_1642 : vector<16xi1>, vector<16xf32>
      %get3A_1652 = arith.constant 19 : i32
      %get3A_1653 = arith.index_cast %get3A_1652 : i32 to index
      %get3A_1654 = arith.constant 48 : index
      %get3A_1655 = tpu.vector_load %arg8[%get3A_1653, %get3A_1654] {strides = array<i32>} : memref<26x128xf32, #tpu.memory_space<vmem>>, vector<1x16xf32>,
      %get3A_1656 = vector.shape_cast %get3A_1655 : vector<1x16xf32> to vector<16xf32>
      %eq3A_1657 = arith.constant 3 : i32
      %eq3A_1658 = vector.broadcast %eq3A_1657 : i32 to vector<16xi32>
      %eq3A_1659 = arith.cmpi eq, %get3A_1622, %eq3A_1658 : vector<16xi32>
      %select_n3A_1660 = arith.select %eq3A_1659, %get3A_1656, %select_n3A_1651 : vector<16xi1>, vector<16xf32>
      %get3A_1661 = arith.constant 19 : i32
      %get3A_1662 = arith.index_cast %get3A_1661 : i32 to index
      %get3A_1663 = arith.constant 64 : index
      %get3A_1664 = tpu.vector_load %arg8[%get3A_1662, %get3A_1663] {strides = array<i32>} : memref<26x128xf32, #tpu.memory_space<vmem>>, vector<1x16xf32>,
      %get3A_1665 = vector.shape_cast %get3A_1664 : vector<1x16xf32> to vector<16xf32>
      %eq3A_1666 = arith.constant 4 : i32
      %eq3A_1667 = vector.broadcast %eq3A_1666 : i32 to vector<16xi32>
      %eq3A_1668 = arith.cmpi eq, %get3A_1622, %eq3A_1667 : vector<16xi32>
      %select_n3A_1669 = arith.select %eq3A_1668, %get3A_1665, %select_n3A_1660 : vector<16xi1>, vector<16xf32>
      %get3A_1670 = arith.constant 19 : i32
      %get3A_1671 = arith.index_cast %get3A_1670 : i32 to index
      %get3A_1672 = arith.constant 80 : index
      %get3A_1673 = tpu.vector_load %arg8[%get3A_1671, %get3A_1672] {strides = array<i32>} : memref<26x128xf32, #tpu.memory_space<vmem>>, vector<1x16xf32>,
      %get3A_1674 = vector.shape_cast %get3A_1673 : vector<1x16xf32> to vector<16xf32>
      %eq3A_1675 = arith.constant 5 : i32
      %eq3A_1676 = vector.broadcast %eq3A_1675 : i32 to vector<16xi32>
      %eq3A_1677 = arith.cmpi eq, %get3A_1622, %eq3A_1676 : vector<16xi32>
      %select_n3A_1678 = arith.select %eq3A_1677, %get3A_1674, %select_n3A_1669 : vector<16xi1>, vector<16xf32>
      %get3A_1679 = arith.constant 19 : i32
      %get3A_1680 = arith.index_cast %get3A_1679 : i32 to index
      %get3A_1681 = arith.constant 96 : index
      %get3A_1682 = tpu.vector_load %arg8[%get3A_1680, %get3A_1681] {strides = array<i32>} : memref<26x128xf32, #tpu.memory_space<vmem>>, vector<1x16xf32>,
      %get3A_1683 = vector.shape_cast %get3A_1682 : vector<1x16xf32> to vector<16xf32>
      %eq3A_1684 = arith.constant 6 : i32
      %eq3A_1685 = vector.broadcast %eq3A_1684 : i32 to vector<16xi32>
      %eq3A_1686 = arith.cmpi eq, %get3A_1622, %eq3A_1685 : vector<16xi32>
      %select_n3A_1687 = arith.select %eq3A_1686, %get3A_1683, %select_n3A_1678 : vector<16xi1>, vector<16xf32>
      %get3A_1688 = arith.constant 19 : i32
      %get3A_1689 = arith.index_cast %get3A_1688 : i32 to index
      %get3A_1690 = arith.constant 112 : index
      %get3A_1691 = tpu.vector_load %arg8[%get3A_1689, %get3A_1690] {strides = array<i32>} : memref<26x128xf32, #tpu.memory_space<vmem>>, vector<1x16xf32>,
      %get3A_1692 = vector.shape_cast %get3A_1691 : vector<1x16xf32> to vector<16xf32>
      %eq3A_1693 = arith.constant 7 : i32
      %eq3A_1694 = vector.broadcast %eq3A_1693 : i32 to vector<16xi32>
      %eq3A_1695 = arith.cmpi eq, %get3A_1622, %eq3A_1694 : vector<16xi32>
      %select_n3A_1696 = arith.select %eq3A_1695, %get3A_1692, %select_n3A_1687 : vector<16xi1>, vector<16xf32>
      %swap3A_1697 = arith.constant 19 : i32
      %swap3A_1698 = arith.index_cast %swap3A_1697 : i32 to index
      %swap3A_1699 = arith.constant 0 : index
      %swap3A_1700 = tpu.vector_load %arg9[%swap3A_1698, %swap3A_1699] {strides = array<i32>} : memref<26x16xf32, #tpu.memory_space<vmem>>, vector<1x16xf32>,
      %swap3A_1701 = vector.shape_cast %swap3A_1700 : vector<1x16xf32> to vector<16xf32>
      %swap3A_1702 = vector.shape_cast %select_n3A_1696 : vector<16xf32> to vector<1x16xf32>
      tpu.vector_store %arg9[%swap3A_1698, %swap3A_1699], %swap3A_1702 {strides = array<i32>} : memref<26x16xf32, #tpu.memory_space<vmem>>, vector<1x16xf32>,
      %get3A_1703 = arith.constant 20 : i32
      %get3A_1704 = arith.index_cast %get3A_1703 : i32 to index
      %get3A_1705 = arith.constant 0 : index
      %get3A_1706 = tpu.vector_load %arg7[%get3A_1704, %get3A_1705] {strides = array<i32>} : memref<26x16xi32, #tpu.memory_space<vmem>>, vector<1x16xi32>,
      %get3A_1707 = vector.shape_cast %get3A_1706 : vector<1x16xi32> to vector<16xi32>
      %broadcast_in_dim3A_1708 = arith.constant 0.000000e+00 : f32
      %broadcast_in_dim3A_1709 = vector.broadcast %broadcast_in_dim3A_1708 : f32 to vector<16xf32>
      %get3A_1710 = arith.constant 20 : i32
      %get3A_1711 = arith.index_cast %get3A_1710 : i32 to index
      %get3A_1712 = arith.constant 0 : index
      %get3A_1713 = tpu.vector_load %arg8[%get3A_1711, %get3A_1712] {strides = array<i32>} : memref<26x128xf32, #tpu.memory_space<vmem>>, vector<1x16xf32>,
      %get3A_1714 = vector.shape_cast %get3A_1713 : vector<1x16xf32> to vector<16xf32>
      %eq3A_1715 = arith.constant 0 : i32
      %eq3A_1716 = vector.broadcast %eq3A_1715 : i32 to vector<16xi32>
      %eq3A_1717 = arith.cmpi eq, %get3A_1707, %eq3A_1716 : vector<16xi32>
      %select_n3A_1718 = arith.select %eq3A_1717, %get3A_1714, %broadcast_in_dim3A_1709 : vector<16xi1>, vector<16xf32>
      %get3A_1719 = arith.constant 20 : i32
      %get3A_1720 = arith.index_cast %get3A_1719 : i32 to index
      %get3A_1721 = arith.constant 16 : index
      %get3A_1722 = tpu.vector_load %arg8[%get3A_1720, %get3A_1721] {strides = array<i32>} : memref<26x128xf32, #tpu.memory_space<vmem>>, vector<1x16xf32>,
      %get3A_1723 = vector.shape_cast %get3A_1722 : vector<1x16xf32> to vector<16xf32>
      %eq3A_1724 = arith.constant 1 : i32
      %eq3A_1725 = vector.broadcast %eq3A_1724 : i32 to vector<16xi32>
      %eq3A_1726 = arith.cmpi eq, %get3A_1707, %eq3A_1725 : vector<16xi32>
      %select_n3A_1727 = arith.select %eq3A_1726, %get3A_1723, %select_n3A_1718 : vector<16xi1>, vector<16xf32>
      %get3A_1728 = arith.constant 20 : i32
      %get3A_1729 = arith.index_cast %get3A_1728 : i32 to index
      %get3A_1730 = arith.constant 32 : index
      %get3A_1731 = tpu.vector_load %arg8[%get3A_1729, %get3A_1730] {strides = array<i32>} : memref<26x128xf32, #tpu.memory_space<vmem>>, vector<1x16xf32>,
      %get3A_1732 = vector.shape_cast %get3A_1731 : vector<1x16xf32> to vector<16xf32>
      %eq3A_1733 = arith.constant 2 : i32
      %eq3A_1734 = vector.broadcast %eq3A_1733 : i32 to vector<16xi32>
      %eq3A_1735 = arith.cmpi eq, %get3A_1707, %eq3A_1734 : vector<16xi32>
      %select_n3A_1736 = arith.select %eq3A_1735, %get3A_1732, %select_n3A_1727 : vector<16xi1>, vector<16xf32>
      %get3A_1737 = arith.constant 20 : i32
      %get3A_1738 = arith.index_cast %get3A_1737 : i32 to index
      %get3A_1739 = arith.constant 48 : index
      %get3A_1740 = tpu.vector_load %arg8[%get3A_1738, %get3A_1739] {strides = array<i32>} : memref<26x128xf32, #tpu.memory_space<vmem>>, vector<1x16xf32>,
      %get3A_1741 = vector.shape_cast %get3A_1740 : vector<1x16xf32> to vector<16xf32>
      %eq3A_1742 = arith.constant 3 : i32
      %eq3A_1743 = vector.broadcast %eq3A_1742 : i32 to vector<16xi32>
      %eq3A_1744 = arith.cmpi eq, %get3A_1707, %eq3A_1743 : vector<16xi32>
      %select_n3A_1745 = arith.select %eq3A_1744, %get3A_1741, %select_n3A_1736 : vector<16xi1>, vector<16xf32>
      %get3A_1746 = arith.constant 20 : i32
      %get3A_1747 = arith.index_cast %get3A_1746 : i32 to index
      %get3A_1748 = arith.constant 64 : index
      %get3A_1749 = tpu.vector_load %arg8[%get3A_1747, %get3A_1748] {strides = array<i32>} : memref<26x128xf32, #tpu.memory_space<vmem>>, vector<1x16xf32>,
      %get3A_1750 = vector.shape_cast %get3A_1749 : vector<1x16xf32> to vector<16xf32>
      %eq3A_1751 = arith.constant 4 : i32
      %eq3A_1752 = vector.broadcast %eq3A_1751 : i32 to vector<16xi32>
      %eq3A_1753 = arith.cmpi eq, %get3A_1707, %eq3A_1752 : vector<16xi32>
      %select_n3A_1754 = arith.select %eq3A_1753, %get3A_1750, %select_n3A_1745 : vector<16xi1>, vector<16xf32>
      %get3A_1755 = arith.constant 20 : i32
      %get3A_1756 = arith.index_cast %get3A_1755 : i32 to index
      %get3A_1757 = arith.constant 80 : index
      %get3A_1758 = tpu.vector_load %arg8[%get3A_1756, %get3A_1757] {strides = array<i32>} : memref<26x128xf32, #tpu.memory_space<vmem>>, vector<1x16xf32>,
      %get3A_1759 = vector.shape_cast %get3A_1758 : vector<1x16xf32> to vector<16xf32>
      %eq3A_1760 = arith.constant 5 : i32
      %eq3A_1761 = vector.broadcast %eq3A_1760 : i32 to vector<16xi32>
      %eq3A_1762 = arith.cmpi eq, %get3A_1707, %eq3A_1761 : vector<16xi32>
      %select_n3A_1763 = arith.select %eq3A_1762, %get3A_1759, %select_n3A_1754 : vector<16xi1>, vector<16xf32>
      %get3A_1764 = arith.constant 20 : i32
      %get3A_1765 = arith.index_cast %get3A_1764 : i32 to index
      %get3A_1766 = arith.constant 96 : index
      %get3A_1767 = tpu.vector_load %arg8[%get3A_1765, %get3A_1766] {strides = array<i32>} : memref<26x128xf32, #tpu.memory_space<vmem>>, vector<1x16xf32>,
      %get3A_1768 = vector.shape_cast %get3A_1767 : vector<1x16xf32> to vector<16xf32>
      %eq3A_1769 = arith.constant 6 : i32
      %eq3A_1770 = vector.broadcast %eq3A_1769 : i32 to vector<16xi32>
      %eq3A_1771 = arith.cmpi eq, %get3A_1707, %eq3A_1770 : vector<16xi32>
      %select_n3A_1772 = arith.select %eq3A_1771, %get3A_1768, %select_n3A_1763 : vector<16xi1>, vector<16xf32>
      %get3A_1773 = arith.constant 20 : i32
      %get3A_1774 = arith.index_cast %get3A_1773 : i32 to index
      %get3A_1775 = arith.constant 112 : index
      %get3A_1776 = tpu.vector_load %arg8[%get3A_1774, %get3A_1775] {strides = array<i32>} : memref<26x128xf32, #tpu.memory_space<vmem>>, vector<1x16xf32>,
      %get3A_1777 = vector.shape_cast %get3A_1776 : vector<1x16xf32> to vector<16xf32>
      %eq3A_1778 = arith.constant 7 : i32
      %eq3A_1779 = vector.broadcast %eq3A_1778 : i32 to vector<16xi32>
      %eq3A_1780 = arith.cmpi eq, %get3A_1707, %eq3A_1779 : vector<16xi32>
      %select_n3A_1781 = arith.select %eq3A_1780, %get3A_1777, %select_n3A_1772 : vector<16xi1>, vector<16xf32>
      %swap3A_1782 = arith.constant 20 : i32
      %swap3A_1783 = arith.index_cast %swap3A_1782 : i32 to index
      %swap3A_1784 = arith.constant 0 : index
      %swap3A_1785 = tpu.vector_load %arg9[%swap3A_1783, %swap3A_1784] {strides = array<i32>} : memref<26x16xf32, #tpu.memory_space<vmem>>, vector<1x16xf32>,
      %swap3A_1786 = vector.shape_cast %swap3A_1785 : vector<1x16xf32> to vector<16xf32>
      %swap3A_1787 = vector.shape_cast %select_n3A_1781 : vector<16xf32> to vector<1x16xf32>
      tpu.vector_store %arg9[%swap3A_1783, %swap3A_1784], %swap3A_1787 {strides = array<i32>} : memref<26x16xf32, #tpu.memory_space<vmem>>, vector<1x16xf32>,
      %get3A_1788 = arith.constant 21 : i32
      %get3A_1789 = arith.index_cast %get3A_1788 : i32 to index
      %get3A_1790 = arith.constant 0 : index
      %get3A_1791 = tpu.vector_load %arg7[%get3A_1789, %get3A_1790] {strides = array<i32>} : memref<26x16xi32, #tpu.memory_space<vmem>>, vector<1x16xi32>,
      %get3A_1792 = vector.shape_cast %get3A_1791 : vector<1x16xi32> to vector<16xi32>
      %broadcast_in_dim3A_1793 = arith.constant 0.000000e+00 : f32
      %broadcast_in_dim3A_1794 = vector.broadcast %broadcast_in_dim3A_1793 : f32 to vector<16xf32>
      %get3A_1795 = arith.constant 21 : i32
      %get3A_1796 = arith.index_cast %get3A_1795 : i32 to index
      %get3A_1797 = arith.constant 0 : index
      %get3A_1798 = tpu.vector_load %arg8[%get3A_1796, %get3A_1797] {strides = array<i32>} : memref<26x128xf32, #tpu.memory_space<vmem>>, vector<1x16xf32>,
      %get3A_1799 = vector.shape_cast %get3A_1798 : vector<1x16xf32> to vector<16xf32>
      %eq3A_1800 = arith.constant 0 : i32
      %eq3A_1801 = vector.broadcast %eq3A_1800 : i32 to vector<16xi32>
      %eq3A_1802 = arith.cmpi eq, %get3A_1792, %eq3A_1801 : vector<16xi32>
      %select_n3A_1803 = arith.select %eq3A_1802, %get3A_1799, %broadcast_in_dim3A_1794 : vector<16xi1>, vector<16xf32>
      %get3A_1804 = arith.constant 21 : i32
      %get3A_1805 = arith.index_cast %get3A_1804 : i32 to index
      %get3A_1806 = arith.constant 16 : index
      %get3A_1807 = tpu.vector_load %arg8[%get3A_1805, %get3A_1806] {strides = array<i32>} : memref<26x128xf32, #tpu.memory_space<vmem>>, vector<1x16xf32>,
      %get3A_1808 = vector.shape_cast %get3A_1807 : vector<1x16xf32> to vector<16xf32>
      %eq3A_1809 = arith.constant 1 : i32
      %eq3A_1810 = vector.broadcast %eq3A_1809 : i32 to vector<16xi32>
      %eq3A_1811 = arith.cmpi eq, %get3A_1792, %eq3A_1810 : vector<16xi32>
      %select_n3A_1812 = arith.select %eq3A_1811, %get3A_1808, %select_n3A_1803 : vector<16xi1>, vector<16xf32>
      %get3A_1813 = arith.constant 21 : i32
      %get3A_1814 = arith.index_cast %get3A_1813 : i32 to index
      %get3A_1815 = arith.constant 32 : index
      %get3A_1816 = tpu.vector_load %arg8[%get3A_1814, %get3A_1815] {strides = array<i32>} : memref<26x128xf32, #tpu.memory_space<vmem>>, vector<1x16xf32>,
      %get3A_1817 = vector.shape_cast %get3A_1816 : vector<1x16xf32> to vector<16xf32>
      %eq3A_1818 = arith.constant 2 : i32
      %eq3A_1819 = vector.broadcast %eq3A_1818 : i32 to vector<16xi32>
      %eq3A_1820 = arith.cmpi eq, %get3A_1792, %eq3A_1819 : vector<16xi32>
      %select_n3A_1821 = arith.select %eq3A_1820, %get3A_1817, %select_n3A_1812 : vector<16xi1>, vector<16xf32>
      %get3A_1822 = arith.constant 21 : i32
      %get3A_1823 = arith.index_cast %get3A_1822 : i32 to index
      %get3A_1824 = arith.constant 48 : index
      %get3A_1825 = tpu.vector_load %arg8[%get3A_1823, %get3A_1824] {strides = array<i32>} : memref<26x128xf32, #tpu.memory_space<vmem>>, vector<1x16xf32>,
      %get3A_1826 = vector.shape_cast %get3A_1825 : vector<1x16xf32> to vector<16xf32>
      %eq3A_1827 = arith.constant 3 : i32
      %eq3A_1828 = vector.broadcast %eq3A_1827 : i32 to vector<16xi32>
      %eq3A_1829 = arith.cmpi eq, %get3A_1792, %eq3A_1828 : vector<16xi32>
      %select_n3A_1830 = arith.select %eq3A_1829, %get3A_1826, %select_n3A_1821 : vector<16xi1>, vector<16xf32>
      %get3A_1831 = arith.constant 21 : i32
      %get3A_1832 = arith.index_cast %get3A_1831 : i32 to index
      %get3A_1833 = arith.constant 64 : index
      %get3A_1834 = tpu.vector_load %arg8[%get3A_1832, %get3A_1833] {strides = array<i32>} : memref<26x128xf32, #tpu.memory_space<vmem>>, vector<1x16xf32>,
      %get3A_1835 = vector.shape_cast %get3A_1834 : vector<1x16xf32> to vector<16xf32>
      %eq3A_1836 = arith.constant 4 : i32
      %eq3A_1837 = vector.broadcast %eq3A_1836 : i32 to vector<16xi32>
      %eq3A_1838 = arith.cmpi eq, %get3A_1792, %eq3A_1837 : vector<16xi32>
      %select_n3A_1839 = arith.select %eq3A_1838, %get3A_1835, %select_n3A_1830 : vector<16xi1>, vector<16xf32>
      %get3A_1840 = arith.constant 21 : i32
      %get3A_1841 = arith.index_cast %get3A_1840 : i32 to index
      %get3A_1842 = arith.constant 80 : index
      %get3A_1843 = tpu.vector_load %arg8[%get3A_1841, %get3A_1842] {strides = array<i32>} : memref<26x128xf32, #tpu.memory_space<vmem>>, vector<1x16xf32>,
      %get3A_1844 = vector.shape_cast %get3A_1843 : vector<1x16xf32> to vector<16xf32>
      %eq3A_1845 = arith.constant 5 : i32
      %eq3A_1846 = vector.broadcast %eq3A_1845 : i32 to vector<16xi32>
      %eq3A_1847 = arith.cmpi eq, %get3A_1792, %eq3A_1846 : vector<16xi32>
      %select_n3A_1848 = arith.select %eq3A_1847, %get3A_1844, %select_n3A_1839 : vector<16xi1>, vector<16xf32>
      %get3A_1849 = arith.constant 21 : i32
      %get3A_1850 = arith.index_cast %get3A_1849 : i32 to index
      %get3A_1851 = arith.constant 96 : index
      %get3A_1852 = tpu.vector_load %arg8[%get3A_1850, %get3A_1851] {strides = array<i32>} : memref<26x128xf32, #tpu.memory_space<vmem>>, vector<1x16xf32>,
      %get3A_1853 = vector.shape_cast %get3A_1852 : vector<1x16xf32> to vector<16xf32>
      %eq3A_1854 = arith.constant 6 : i32
      %eq3A_1855 = vector.broadcast %eq3A_1854 : i32 to vector<16xi32>
      %eq3A_1856 = arith.cmpi eq, %get3A_1792, %eq3A_1855 : vector<16xi32>
      %select_n3A_1857 = arith.select %eq3A_1856, %get3A_1853, %select_n3A_1848 : vector<16xi1>, vector<16xf32>
      %get3A_1858 = arith.constant 21 : i32
      %get3A_1859 = arith.index_cast %get3A_1858 : i32 to index
      %get3A_1860 = arith.constant 112 : index
      %get3A_1861 = tpu.vector_load %arg8[%get3A_1859, %get3A_1860] {strides = array<i32>} : memref<26x128xf32, #tpu.memory_space<vmem>>, vector<1x16xf32>,
      %get3A_1862 = vector.shape_cast %get3A_1861 : vector<1x16xf32> to vector<16xf32>
      %eq3A_1863 = arith.constant 7 : i32
      %eq3A_1864 = vector.broadcast %eq3A_1863 : i32 to vector<16xi32>
      %eq3A_1865 = arith.cmpi eq, %get3A_1792, %eq3A_1864 : vector<16xi32>
      %select_n3A_1866 = arith.select %eq3A_1865, %get3A_1862, %select_n3A_1857 : vector<16xi1>, vector<16xf32>
      %swap3A_1867 = arith.constant 21 : i32
      %swap3A_1868 = arith.index_cast %swap3A_1867 : i32 to index
      %swap3A_1869 = arith.constant 0 : index
      %swap3A_1870 = tpu.vector_load %arg9[%swap3A_1868, %swap3A_1869] {strides = array<i32>} : memref<26x16xf32, #tpu.memory_space<vmem>>, vector<1x16xf32>,
      %swap3A_1871 = vector.shape_cast %swap3A_1870 : vector<1x16xf32> to vector<16xf32>
      %swap3A_1872 = vector.shape_cast %select_n3A_1866 : vector<16xf32> to vector<1x16xf32>
      tpu.vector_store %arg9[%swap3A_1868, %swap3A_1869], %swap3A_1872 {strides = array<i32>} : memref<26x16xf32, #tpu.memory_space<vmem>>, vector<1x16xf32>,
      %get3A_1873 = arith.constant 22 : i32
      %get3A_1874 = arith.index_cast %get3A_1873 : i32 to index
      %get3A_1875 = arith.constant 0 : index
      %get3A_1876 = tpu.vector_load %arg7[%get3A_1874, %get3A_1875] {strides = array<i32>} : memref<26x16xi32, #tpu.memory_space<vmem>>, vector<1x16xi32>,
      %get3A_1877 = vector.shape_cast %get3A_1876 : vector<1x16xi32> to vector<16xi32>
      %broadcast_in_dim3A_1878 = arith.constant 0.000000e+00 : f32
      %broadcast_in_dim3A_1879 = vector.broadcast %broadcast_in_dim3A_1878 : f32 to vector<16xf32>
      %get3A_1880 = arith.constant 22 : i32
      %get3A_1881 = arith.index_cast %get3A_1880 : i32 to index
      %get3A_1882 = arith.constant 0 : index
      %get3A_1883 = tpu.vector_load %arg8[%get3A_1881, %get3A_1882] {strides = array<i32>} : memref<26x128xf32, #tpu.memory_space<vmem>>, vector<1x16xf32>,
      %get3A_1884 = vector.shape_cast %get3A_1883 : vector<1x16xf32> to vector<16xf32>
      %eq3A_1885 = arith.constant 0 : i32
      %eq3A_1886 = vector.broadcast %eq3A_1885 : i32 to vector<16xi32>
      %eq3A_1887 = arith.cmpi eq, %get3A_1877, %eq3A_1886 : vector<16xi32>
      %select_n3A_1888 = arith.select %eq3A_1887, %get3A_1884, %broadcast_in_dim3A_1879 : vector<16xi1>, vector<16xf32>
      %get3A_1889 = arith.constant 22 : i32
      %get3A_1890 = arith.index_cast %get3A_1889 : i32 to index
      %get3A_1891 = arith.constant 16 : index
      %get3A_1892 = tpu.vector_load %arg8[%get3A_1890, %get3A_1891] {strides = array<i32>} : memref<26x128xf32, #tpu.memory_space<vmem>>, vector<1x16xf32>,
      %get3A_1893 = vector.shape_cast %get3A_1892 : vector<1x16xf32> to vector<16xf32>
      %eq3A_1894 = arith.constant 1 : i32
      %eq3A_1895 = vector.broadcast %eq3A_1894 : i32 to vector<16xi32>
      %eq3A_1896 = arith.cmpi eq, %get3A_1877, %eq3A_1895 : vector<16xi32>
      %select_n3A_1897 = arith.select %eq3A_1896, %get3A_1893, %select_n3A_1888 : vector<16xi1>, vector<16xf32>
      %get3A_1898 = arith.constant 22 : i32
      %get3A_1899 = arith.index_cast %get3A_1898 : i32 to index
      %get3A_1900 = arith.constant 32 : index
      %get3A_1901 = tpu.vector_load %arg8[%get3A_1899, %get3A_1900] {strides = array<i32>} : memref<26x128xf32, #tpu.memory_space<vmem>>, vector<1x16xf32>,
      %get3A_1902 = vector.shape_cast %get3A_1901 : vector<1x16xf32> to vector<16xf32>
      %eq3A_1903 = arith.constant 2 : i32
      %eq3A_1904 = vector.broadcast %eq3A_1903 : i32 to vector<16xi32>
      %eq3A_1905 = arith.cmpi eq, %get3A_1877, %eq3A_1904 : vector<16xi32>
      %select_n3A_1906 = arith.select %eq3A_1905, %get3A_1902, %select_n3A_1897 : vector<16xi1>, vector<16xf32>
      %get3A_1907 = arith.constant 22 : i32
      %get3A_1908 = arith.index_cast %get3A_1907 : i32 to index
      %get3A_1909 = arith.constant 48 : index
      %get3A_1910 = tpu.vector_load %arg8[%get3A_1908, %get3A_1909] {strides = array<i32>} : memref<26x128xf32, #tpu.memory_space<vmem>>, vector<1x16xf32>,
      %get3A_1911 = vector.shape_cast %get3A_1910 : vector<1x16xf32> to vector<16xf32>
      %eq3A_1912 = arith.constant 3 : i32
      %eq3A_1913 = vector.broadcast %eq3A_1912 : i32 to vector<16xi32>
      %eq3A_1914 = arith.cmpi eq, %get3A_1877, %eq3A_1913 : vector<16xi32>
      %select_n3A_1915 = arith.select %eq3A_1914, %get3A_1911, %select_n3A_1906 : vector<16xi1>, vector<16xf32>
      %get3A_1916 = arith.constant 22 : i32
      %get3A_1917 = arith.index_cast %get3A_1916 : i32 to index
      %get3A_1918 = arith.constant 64 : index
      %get3A_1919 = tpu.vector_load %arg8[%get3A_1917, %get3A_1918] {strides = array<i32>} : memref<26x128xf32, #tpu.memory_space<vmem>>, vector<1x16xf32>,
      %get3A_1920 = vector.shape_cast %get3A_1919 : vector<1x16xf32> to vector<16xf32>
      %eq3A_1921 = arith.constant 4 : i32
      %eq3A_1922 = vector.broadcast %eq3A_1921 : i32 to vector<16xi32>
      %eq3A_1923 = arith.cmpi eq, %get3A_1877, %eq3A_1922 : vector<16xi32>
      %select_n3A_1924 = arith.select %eq3A_1923, %get3A_1920, %select_n3A_1915 : vector<16xi1>, vector<16xf32>
      %get3A_1925 = arith.constant 22 : i32
      %get3A_1926 = arith.index_cast %get3A_1925 : i32 to index
      %get3A_1927 = arith.constant 80 : index
      %get3A_1928 = tpu.vector_load %arg8[%get3A_1926, %get3A_1927] {strides = array<i32>} : memref<26x128xf32, #tpu.memory_space<vmem>>, vector<1x16xf32>,
      %get3A_1929 = vector.shape_cast %get3A_1928 : vector<1x16xf32> to vector<16xf32>
      %eq3A_1930 = arith.constant 5 : i32
      %eq3A_1931 = vector.broadcast %eq3A_1930 : i32 to vector<16xi32>
      %eq3A_1932 = arith.cmpi eq, %get3A_1877, %eq3A_1931 : vector<16xi32>
      %select_n3A_1933 = arith.select %eq3A_1932, %get3A_1929, %select_n3A_1924 : vector<16xi1>, vector<16xf32>
      %get3A_1934 = arith.constant 22 : i32
      %get3A_1935 = arith.index_cast %get3A_1934 : i32 to index
      %get3A_1936 = arith.constant 96 : index
      %get3A_1937 = tpu.vector_load %arg8[%get3A_1935, %get3A_1936] {strides = array<i32>} : memref<26x128xf32, #tpu.memory_space<vmem>>, vector<1x16xf32>,
      %get3A_1938 = vector.shape_cast %get3A_1937 : vector<1x16xf32> to vector<16xf32>
      %eq3A_1939 = arith.constant 6 : i32
      %eq3A_1940 = vector.broadcast %eq3A_1939 : i32 to vector<16xi32>
      %eq3A_1941 = arith.cmpi eq, %get3A_1877, %eq3A_1940 : vector<16xi32>
      %select_n3A_1942 = arith.select %eq3A_1941, %get3A_1938, %select_n3A_1933 : vector<16xi1>, vector<16xf32>
      %get3A_1943 = arith.constant 22 : i32
      %get3A_1944 = arith.index_cast %get3A_1943 : i32 to index
      %get3A_1945 = arith.constant 112 : index
      %get3A_1946 = tpu.vector_load %arg8[%get3A_1944, %get3A_1945] {strides = array<i32>} : memref<26x128xf32, #tpu.memory_space<vmem>>, vector<1x16xf32>,
      %get3A_1947 = vector.shape_cast %get3A_1946 : vector<1x16xf32> to vector<16xf32>
      %eq3A_1948 = arith.constant 7 : i32
      %eq3A_1949 = vector.broadcast %eq3A_1948 : i32 to vector<16xi32>
      %eq3A_1950 = arith.cmpi eq, %get3A_1877, %eq3A_1949 : vector<16xi32>
      %select_n3A_1951 = arith.select %eq3A_1950, %get3A_1947, %select_n3A_1942 : vector<16xi1>, vector<16xf32>
      %swap3A_1952 = arith.constant 22 : i32
      %swap3A_1953 = arith.index_cast %swap3A_1952 : i32 to index
      %swap3A_1954 = arith.constant 0 : index
      %swap3A_1955 = tpu.vector_load %arg9[%swap3A_1953, %swap3A_1954] {strides = array<i32>} : memref<26x16xf32, #tpu.memory_space<vmem>>, vector<1x16xf32>,
      %swap3A_1956 = vector.shape_cast %swap3A_1955 : vector<1x16xf32> to vector<16xf32>
      %swap3A_1957 = vector.shape_cast %select_n3A_1951 : vector<16xf32> to vector<1x16xf32>
      tpu.vector_store %arg9[%swap3A_1953, %swap3A_1954], %swap3A_1957 {strides = array<i32>} : memref<26x16xf32, #tpu.memory_space<vmem>>, vector<1x16xf32>,
      %get3A_1958 = arith.constant 23 : i32
      %get3A_1959 = arith.index_cast %get3A_1958 : i32 to index
      %get3A_1960 = arith.constant 0 : index
      %get3A_1961 = tpu.vector_load %arg7[%get3A_1959, %get3A_1960] {strides = array<i32>} : memref<26x16xi32, #tpu.memory_space<vmem>>, vector<1x16xi32>,
      %get3A_1962 = vector.shape_cast %get3A_1961 : vector<1x16xi32> to vector<16xi32>
      %broadcast_in_dim3A_1963 = arith.constant 0.000000e+00 : f32
      %broadcast_in_dim3A_1964 = vector.broadcast %broadcast_in_dim3A_1963 : f32 to vector<16xf32>
      %get3A_1965 = arith.constant 23 : i32
      %get3A_1966 = arith.index_cast %get3A_1965 : i32 to index
      %get3A_1967 = arith.constant 0 : index
      %get3A_1968 = tpu.vector_load %arg8[%get3A_1966, %get3A_1967] {strides = array<i32>} : memref<26x128xf32, #tpu.memory_space<vmem>>, vector<1x16xf32>,
      %get3A_1969 = vector.shape_cast %get3A_1968 : vector<1x16xf32> to vector<16xf32>
      %eq3A_1970 = arith.constant 0 : i32
      %eq3A_1971 = vector.broadcast %eq3A_1970 : i32 to vector<16xi32>
      %eq3A_1972 = arith.cmpi eq, %get3A_1962, %eq3A_1971 : vector<16xi32>
      %select_n3A_1973 = arith.select %eq3A_1972, %get3A_1969, %broadcast_in_dim3A_1964 : vector<16xi1>, vector<16xf32>
      %get3A_1974 = arith.constant 23 : i32
      %get3A_1975 = arith.index_cast %get3A_1974 : i32 to index
      %get3A_1976 = arith.constant 16 : index
      %get3A_1977 = tpu.vector_load %arg8[%get3A_1975, %get3A_1976] {strides = array<i32>} : memref<26x128xf32, #tpu.memory_space<vmem>>, vector<1x16xf32>,
      %get3A_1978 = vector.shape_cast %get3A_1977 : vector<1x16xf32> to vector<16xf32>
      %eq3A_1979 = arith.constant 1 : i32
      %eq3A_1980 = vector.broadcast %eq3A_1979 : i32 to vector<16xi32>
      %eq3A_1981 = arith.cmpi eq, %get3A_1962, %eq3A_1980 : vector<16xi32>
      %select_n3A_1982 = arith.select %eq3A_1981, %get3A_1978, %select_n3A_1973 : vector<16xi1>, vector<16xf32>
      %get3A_1983 = arith.constant 23 : i32
      %get3A_1984 = arith.index_cast %get3A_1983 : i32 to index
      %get3A_1985 = arith.constant 32 : index
      %get3A_1986 = tpu.vector_load %arg8[%get3A_1984, %get3A_1985] {strides = array<i32>} : memref<26x128xf32, #tpu.memory_space<vmem>>, vector<1x16xf32>,
      %get3A_1987 = vector.shape_cast %get3A_1986 : vector<1x16xf32> to vector<16xf32>
      %eq3A_1988 = arith.constant 2 : i32
      %eq3A_1989 = vector.broadcast %eq3A_1988 : i32 to vector<16xi32>
      %eq3A_1990 = arith.cmpi eq, %get3A_1962, %eq3A_1989 : vector<16xi32>
      %select_n3A_1991 = arith.select %eq3A_1990, %get3A_1987, %select_n3A_1982 : vector<16xi1>, vector<16xf32>
      %get3A_1992 = arith.constant 23 : i32
      %get3A_1993 = arith.index_cast %get3A_1992 : i32 to index
      %get3A_1994 = arith.constant 48 : index
      %get3A_1995 = tpu.vector_load %arg8[%get3A_1993, %get3A_1994] {strides = array<i32>} : memref<26x128xf32, #tpu.memory_space<vmem>>, vector<1x16xf32>,
      %get3A_1996 = vector.shape_cast %get3A_1995 : vector<1x16xf32> to vector<16xf32>
      %eq3A_1997 = arith.constant 3 : i32
      %eq3A_1998 = vector.broadcast %eq3A_1997 : i32 to vector<16xi32>
      %eq3A_1999 = arith.cmpi eq, %get3A_1962, %eq3A_1998 : vector<16xi32>
      %select_n3A_2000 = arith.select %eq3A_1999, %get3A_1996, %select_n3A_1991 : vector<16xi1>, vector<16xf32>
      %get3A_2001 = arith.constant 23 : i32
      %get3A_2002 = arith.index_cast %get3A_2001 : i32 to index
      %get3A_2003 = arith.constant 64 : index
      %get3A_2004 = tpu.vector_load %arg8[%get3A_2002, %get3A_2003] {strides = array<i32>} : memref<26x128xf32, #tpu.memory_space<vmem>>, vector<1x16xf32>,
      %get3A_2005 = vector.shape_cast %get3A_2004 : vector<1x16xf32> to vector<16xf32>
      %eq3A_2006 = arith.constant 4 : i32
      %eq3A_2007 = vector.broadcast %eq3A_2006 : i32 to vector<16xi32>
      %eq3A_2008 = arith.cmpi eq, %get3A_1962, %eq3A_2007 : vector<16xi32>
      %select_n3A_2009 = arith.select %eq3A_2008, %get3A_2005, %select_n3A_2000 : vector<16xi1>, vector<16xf32>
      %get3A_2010 = arith.constant 23 : i32
      %get3A_2011 = arith.index_cast %get3A_2010 : i32 to index
      %get3A_2012 = arith.constant 80 : index
      %get3A_2013 = tpu.vector_load %arg8[%get3A_2011, %get3A_2012] {strides = array<i32>} : memref<26x128xf32, #tpu.memory_space<vmem>>, vector<1x16xf32>,
      %get3A_2014 = vector.shape_cast %get3A_2013 : vector<1x16xf32> to vector<16xf32>
      %eq3A_2015 = arith.constant 5 : i32
      %eq3A_2016 = vector.broadcast %eq3A_2015 : i32 to vector<16xi32>
      %eq3A_2017 = arith.cmpi eq, %get3A_1962, %eq3A_2016 : vector<16xi32>
      %select_n3A_2018 = arith.select %eq3A_2017, %get3A_2014, %select_n3A_2009 : vector<16xi1>, vector<16xf32>
      %get3A_2019 = arith.constant 23 : i32
      %get3A_2020 = arith.index_cast %get3A_2019 : i32 to index
      %get3A_2021 = arith.constant 96 : index
      %get3A_2022 = tpu.vector_load %arg8[%get3A_2020, %get3A_2021] {strides = array<i32>} : memref<26x128xf32, #tpu.memory_space<vmem>>, vector<1x16xf32>,
      %get3A_2023 = vector.shape_cast %get3A_2022 : vector<1x16xf32> to vector<16xf32>
      %eq3A_2024 = arith.constant 6 : i32
      %eq3A_2025 = vector.broadcast %eq3A_2024 : i32 to vector<16xi32>
      %eq3A_2026 = arith.cmpi eq, %get3A_1962, %eq3A_2025 : vector<16xi32>
      %select_n3A_2027 = arith.select %eq3A_2026, %get3A_2023, %select_n3A_2018 : vector<16xi1>, vector<16xf32>
      %get3A_2028 = arith.constant 23 : i32
      %get3A_2029 = arith.index_cast %get3A_2028 : i32 to index
      %get3A_2030 = arith.constant 112 : index
      %get3A_2031 = tpu.vector_load %arg8[%get3A_2029, %get3A_2030] {strides = array<i32>} : memref<26x128xf32, #tpu.memory_space<vmem>>, vector<1x16xf32>,
      %get3A_2032 = vector.shape_cast %get3A_2031 : vector<1x16xf32> to vector<16xf32>
      %eq3A_2033 = arith.constant 7 : i32
      %eq3A_2034 = vector.broadcast %eq3A_2033 : i32 to vector<16xi32>
      %eq3A_2035 = arith.cmpi eq, %get3A_1962, %eq3A_2034 : vector<16xi32>
      %select_n3A_2036 = arith.select %eq3A_2035, %get3A_2032, %select_n3A_2027 : vector<16xi1>, vector<16xf32>
      %swap3A_2037 = arith.constant 23 : i32
      %swap3A_2038 = arith.index_cast %swap3A_2037 : i32 to index
      %swap3A_2039 = arith.constant 0 : index
      %swap3A_2040 = tpu.vector_load %arg9[%swap3A_2038, %swap3A_2039] {strides = array<i32>} : memref<26x16xf32, #tpu.memory_space<vmem>>, vector<1x16xf32>,
      %swap3A_2041 = vector.shape_cast %swap3A_2040 : vector<1x16xf32> to vector<16xf32>
      %swap3A_2042 = vector.shape_cast %select_n3A_2036 : vector<16xf32> to vector<1x16xf32>
      tpu.vector_store %arg9[%swap3A_2038, %swap3A_2039], %swap3A_2042 {strides = array<i32>} : memref<26x16xf32, #tpu.memory_space<vmem>>, vector<1x16xf32>,
      %get3A_2043 = arith.constant 24 : i32
      %get3A_2044 = arith.index_cast %get3A_2043 : i32 to index
      %get3A_2045 = arith.constant 0 : index
      %get3A_2046 = tpu.vector_load %arg7[%get3A_2044, %get3A_2045] {strides = array<i32>} : memref<26x16xi32, #tpu.memory_space<vmem>>, vector<1x16xi32>,
      %get3A_2047 = vector.shape_cast %get3A_2046 : vector<1x16xi32> to vector<16xi32>
      %broadcast_in_dim3A_2048 = arith.constant 0.000000e+00 : f32
      %broadcast_in_dim3A_2049 = vector.broadcast %broadcast_in_dim3A_2048 : f32 to vector<16xf32>
      %get3A_2050 = arith.constant 24 : i32
      %get3A_2051 = arith.index_cast %get3A_2050 : i32 to index
      %get3A_2052 = arith.constant 0 : index
      %get3A_2053 = tpu.vector_load %arg8[%get3A_2051, %get3A_2052] {strides = array<i32>} : memref<26x128xf32, #tpu.memory_space<vmem>>, vector<1x16xf32>,
      %get3A_2054 = vector.shape_cast %get3A_2053 : vector<1x16xf32> to vector<16xf32>
      %eq3A_2055 = arith.constant 0 : i32
      %eq3A_2056 = vector.broadcast %eq3A_2055 : i32 to vector<16xi32>
      %eq3A_2057 = arith.cmpi eq, %get3A_2047, %eq3A_2056 : vector<16xi32>
      %select_n3A_2058 = arith.select %eq3A_2057, %get3A_2054, %broadcast_in_dim3A_2049 : vector<16xi1>, vector<16xf32>
      %get3A_2059 = arith.constant 24 : i32
      %get3A_2060 = arith.index_cast %get3A_2059 : i32 to index
      %get3A_2061 = arith.constant 16 : index
      %get3A_2062 = tpu.vector_load %arg8[%get3A_2060, %get3A_2061] {strides = array<i32>} : memref<26x128xf32, #tpu.memory_space<vmem>>, vector<1x16xf32>,
      %get3A_2063 = vector.shape_cast %get3A_2062 : vector<1x16xf32> to vector<16xf32>
      %eq3A_2064 = arith.constant 1 : i32
      %eq3A_2065 = vector.broadcast %eq3A_2064 : i32 to vector<16xi32>
      %eq3A_2066 = arith.cmpi eq, %get3A_2047, %eq3A_2065 : vector<16xi32>
      %select_n3A_2067 = arith.select %eq3A_2066, %get3A_2063, %select_n3A_2058 : vector<16xi1>, vector<16xf32>
      %get3A_2068 = arith.constant 24 : i32
      %get3A_2069 = arith.index_cast %get3A_2068 : i32 to index
      %get3A_2070 = arith.constant 32 : index
      %get3A_2071 = tpu.vector_load %arg8[%get3A_2069, %get3A_2070] {strides = array<i32>} : memref<26x128xf32, #tpu.memory_space<vmem>>, vector<1x16xf32>,
      %get3A_2072 = vector.shape_cast %get3A_2071 : vector<1x16xf32> to vector<16xf32>
      %eq3A_2073 = arith.constant 2 : i32
      %eq3A_2074 = vector.broadcast %eq3A_2073 : i32 to vector<16xi32>
      %eq3A_2075 = arith.cmpi eq, %get3A_2047, %eq3A_2074 : vector<16xi32>
      %select_n3A_2076 = arith.select %eq3A_2075, %get3A_2072, %select_n3A_2067 : vector<16xi1>, vector<16xf32>
      %get3A_2077 = arith.constant 24 : i32
      %get3A_2078 = arith.index_cast %get3A_2077 : i32 to index
      %get3A_2079 = arith.constant 48 : index
      %get3A_2080 = tpu.vector_load %arg8[%get3A_2078, %get3A_2079] {strides = array<i32>} : memref<26x128xf32, #tpu.memory_space<vmem>>, vector<1x16xf32>,
      %get3A_2081 = vector.shape_cast %get3A_2080 : vector<1x16xf32> to vector<16xf32>
      %eq3A_2082 = arith.constant 3 : i32
      %eq3A_2083 = vector.broadcast %eq3A_2082 : i32 to vector<16xi32>
      %eq3A_2084 = arith.cmpi eq, %get3A_2047, %eq3A_2083 : vector<16xi32>
      %select_n3A_2085 = arith.select %eq3A_2084, %get3A_2081, %select_n3A_2076 : vector<16xi1>, vector<16xf32>
      %get3A_2086 = arith.constant 24 : i32
      %get3A_2087 = arith.index_cast %get3A_2086 : i32 to index
      %get3A_2088 = arith.constant 64 : index
      %get3A_2089 = tpu.vector_load %arg8[%get3A_2087, %get3A_2088] {strides = array<i32>} : memref<26x128xf32, #tpu.memory_space<vmem>>, vector<1x16xf32>,
      %get3A_2090 = vector.shape_cast %get3A_2089 : vector<1x16xf32> to vector<16xf32>
      %eq3A_2091 = arith.constant 4 : i32
      %eq3A_2092 = vector.broadcast %eq3A_2091 : i32 to vector<16xi32>
      %eq3A_2093 = arith.cmpi eq, %get3A_2047, %eq3A_2092 : vector<16xi32>
      %select_n3A_2094 = arith.select %eq3A_2093, %get3A_2090, %select_n3A_2085 : vector<16xi1>, vector<16xf32>
      %get3A_2095 = arith.constant 24 : i32
      %get3A_2096 = arith.index_cast %get3A_2095 : i32 to index
      %get3A_2097 = arith.constant 80 : index
      %get3A_2098 = tpu.vector_load %arg8[%get3A_2096, %get3A_2097] {strides = array<i32>} : memref<26x128xf32, #tpu.memory_space<vmem>>, vector<1x16xf32>,
      %get3A_2099 = vector.shape_cast %get3A_2098 : vector<1x16xf32> to vector<16xf32>
      %eq3A_2100 = arith.constant 5 : i32
      %eq3A_2101 = vector.broadcast %eq3A_2100 : i32 to vector<16xi32>
      %eq3A_2102 = arith.cmpi eq, %get3A_2047, %eq3A_2101 : vector<16xi32>
      %select_n3A_2103 = arith.select %eq3A_2102, %get3A_2099, %select_n3A_2094 : vector<16xi1>, vector<16xf32>
      %get3A_2104 = arith.constant 24 : i32
      %get3A_2105 = arith.index_cast %get3A_2104 : i32 to index
      %get3A_2106 = arith.constant 96 : index
      %get3A_2107 = tpu.vector_load %arg8[%get3A_2105, %get3A_2106] {strides = array<i32>} : memref<26x128xf32, #tpu.memory_space<vmem>>, vector<1x16xf32>,
      %get3A_2108 = vector.shape_cast %get3A_2107 : vector<1x16xf32> to vector<16xf32>
      %eq3A_2109 = arith.constant 6 : i32
      %eq3A_2110 = vector.broadcast %eq3A_2109 : i32 to vector<16xi32>
      %eq3A_2111 = arith.cmpi eq, %get3A_2047, %eq3A_2110 : vector<16xi32>
      %select_n3A_2112 = arith.select %eq3A_2111, %get3A_2108, %select_n3A_2103 : vector<16xi1>, vector<16xf32>
      %get3A_2113 = arith.constant 24 : i32
      %get3A_2114 = arith.index_cast %get3A_2113 : i32 to index
      %get3A_2115 = arith.constant 112 : index
      %get3A_2116 = tpu.vector_load %arg8[%get3A_2114, %get3A_2115] {strides = array<i32>} : memref<26x128xf32, #tpu.memory_space<vmem>>, vector<1x16xf32>,
      %get3A_2117 = vector.shape_cast %get3A_2116 : vector<1x16xf32> to vector<16xf32>
      %eq3A_2118 = arith.constant 7 : i32
      %eq3A_2119 = vector.broadcast %eq3A_2118 : i32 to vector<16xi32>
      %eq3A_2120 = arith.cmpi eq, %get3A_2047, %eq3A_2119 : vector<16xi32>
      %select_n3A_2121 = arith.select %eq3A_2120, %get3A_2117, %select_n3A_2112 : vector<16xi1>, vector<16xf32>
      %swap3A_2122 = arith.constant 24 : i32
      %swap3A_2123 = arith.index_cast %swap3A_2122 : i32 to index
      %swap3A_2124 = arith.constant 0 : index
      %swap3A_2125 = tpu.vector_load %arg9[%swap3A_2123, %swap3A_2124] {strides = array<i32>} : memref<26x16xf32, #tpu.memory_space<vmem>>, vector<1x16xf32>,
      %swap3A_2126 = vector.shape_cast %swap3A_2125 : vector<1x16xf32> to vector<16xf32>
      %swap3A_2127 = vector.shape_cast %select_n3A_2121 : vector<16xf32> to vector<1x16xf32>
      tpu.vector_store %arg9[%swap3A_2123, %swap3A_2124], %swap3A_2127 {strides = array<i32>} : memref<26x16xf32, #tpu.memory_space<vmem>>, vector<1x16xf32>,
      %get3A_2128 = arith.constant 25 : i32
      %get3A_2129 = arith.index_cast %get3A_2128 : i32 to index
      %get3A_2130 = arith.constant 0 : index
      %get3A_2131 = tpu.vector_load %arg7[%get3A_2129, %get3A_2130] {strides = array<i32>} : memref<26x16xi32, #tpu.memory_space<vmem>>, vector<1x16xi32>,
      %get3A_2132 = vector.shape_cast %get3A_2131 : vector<1x16xi32> to vector<16xi32>
      %broadcast_in_dim3A_2133 = arith.constant 0.000000e+00 : f32
      %broadcast_in_dim3A_2134 = vector.broadcast %broadcast_in_dim3A_2133 : f32 to vector<16xf32>
      %get3A_2135 = arith.constant 25 : i32
      %get3A_2136 = arith.index_cast %get3A_2135 : i32 to index
      %get3A_2137 = arith.constant 0 : index
      %get3A_2138 = tpu.vector_load %arg8[%get3A_2136, %get3A_2137] {strides = array<i32>} : memref<26x128xf32, #tpu.memory_space<vmem>>, vector<1x16xf32>,
      %get3A_2139 = vector.shape_cast %get3A_2138 : vector<1x16xf32> to vector<16xf32>
      %eq3A_2140 = arith.constant 0 : i32
      %eq3A_2141 = vector.broadcast %eq3A_2140 : i32 to vector<16xi32>
      %eq3A_2142 = arith.cmpi eq, %get3A_2132, %eq3A_2141 : vector<16xi32>
      %select_n3A_2143 = arith.select %eq3A_2142, %get3A_2139, %broadcast_in_dim3A_2134 : vector<16xi1>, vector<16xf32>
      %get3A_2144 = arith.constant 25 : i32
      %get3A_2145 = arith.index_cast %get3A_2144 : i32 to index
      %get3A_2146 = arith.constant 16 : index
      %get3A_2147 = tpu.vector_load %arg8[%get3A_2145, %get3A_2146] {strides = array<i32>} : memref<26x128xf32, #tpu.memory_space<vmem>>, vector<1x16xf32>,
      %get3A_2148 = vector.shape_cast %get3A_2147 : vector<1x16xf32> to vector<16xf32>
      %eq3A_2149 = arith.constant 1 : i32
      %eq3A_2150 = vector.broadcast %eq3A_2149 : i32 to vector<16xi32>
      %eq3A_2151 = arith.cmpi eq, %get3A_2132, %eq3A_2150 : vector<16xi32>
      %select_n3A_2152 = arith.select %eq3A_2151, %get3A_2148, %select_n3A_2143 : vector<16xi1>, vector<16xf32>
      %get3A_2153 = arith.constant 25 : i32
      %get3A_2154 = arith.index_cast %get3A_2153 : i32 to index
      %get3A_2155 = arith.constant 32 : index
      %get3A_2156 = tpu.vector_load %arg8[%get3A_2154, %get3A_2155] {strides = array<i32>} : memref<26x128xf32, #tpu.memory_space<vmem>>, vector<1x16xf32>,
      %get3A_2157 = vector.shape_cast %get3A_2156 : vector<1x16xf32> to vector<16xf32>
      %eq3A_2158 = arith.constant 2 : i32
      %eq3A_2159 = vector.broadcast %eq3A_2158 : i32 to vector<16xi32>
      %eq3A_2160 = arith.cmpi eq, %get3A_2132, %eq3A_2159 : vector<16xi32>
      %select_n3A_2161 = arith.select %eq3A_2160, %get3A_2157, %select_n3A_2152 : vector<16xi1>, vector<16xf32>
      %get3A_2162 = arith.constant 25 : i32
      %get3A_2163 = arith.index_cast %get3A_2162 : i32 to index
      %get3A_2164 = arith.constant 48 : index
      %get3A_2165 = tpu.vector_load %arg8[%get3A_2163, %get3A_2164] {strides = array<i32>} : memref<26x128xf32, #tpu.memory_space<vmem>>, vector<1x16xf32>,
      %get3A_2166 = vector.shape_cast %get3A_2165 : vector<1x16xf32> to vector<16xf32>
      %eq3A_2167 = arith.constant 3 : i32
      %eq3A_2168 = vector.broadcast %eq3A_2167 : i32 to vector<16xi32>
      %eq3A_2169 = arith.cmpi eq, %get3A_2132, %eq3A_2168 : vector<16xi32>
      %select_n3A_2170 = arith.select %eq3A_2169, %get3A_2166, %select_n3A_2161 : vector<16xi1>, vector<16xf32>
      %get3A_2171 = arith.constant 25 : i32
      %get3A_2172 = arith.index_cast %get3A_2171 : i32 to index
      %get3A_2173 = arith.constant 64 : index
      %get3A_2174 = tpu.vector_load %arg8[%get3A_2172, %get3A_2173] {strides = array<i32>} : memref<26x128xf32, #tpu.memory_space<vmem>>, vector<1x16xf32>,
      %get3A_2175 = vector.shape_cast %get3A_2174 : vector<1x16xf32> to vector<16xf32>
      %eq3A_2176 = arith.constant 4 : i32
      %eq3A_2177 = vector.broadcast %eq3A_2176 : i32 to vector<16xi32>
      %eq3A_2178 = arith.cmpi eq, %get3A_2132, %eq3A_2177 : vector<16xi32>
      %select_n3A_2179 = arith.select %eq3A_2178, %get3A_2175, %select_n3A_2170 : vector<16xi1>, vector<16xf32>
      %get3A_2180 = arith.constant 25 : i32
      %get3A_2181 = arith.index_cast %get3A_2180 : i32 to index
      %get3A_2182 = arith.constant 80 : index
      %get3A_2183 = tpu.vector_load %arg8[%get3A_2181, %get3A_2182] {strides = array<i32>} : memref<26x128xf32, #tpu.memory_space<vmem>>, vector<1x16xf32>,
      %get3A_2184 = vector.shape_cast %get3A_2183 : vector<1x16xf32> to vector<16xf32>
      %eq3A_2185 = arith.constant 5 : i32
      %eq3A_2186 = vector.broadcast %eq3A_2185 : i32 to vector<16xi32>
      %eq3A_2187 = arith.cmpi eq, %get3A_2132, %eq3A_2186 : vector<16xi32>
      %select_n3A_2188 = arith.select %eq3A_2187, %get3A_2184, %select_n3A_2179 : vector<16xi1>, vector<16xf32>
      %get3A_2189 = arith.constant 25 : i32
      %get3A_2190 = arith.index_cast %get3A_2189 : i32 to index
      %get3A_2191 = arith.constant 96 : index
      %get3A_2192 = tpu.vector_load %arg8[%get3A_2190, %get3A_2191] {strides = array<i32>} : memref<26x128xf32, #tpu.memory_space<vmem>>, vector<1x16xf32>,
      %get3A_2193 = vector.shape_cast %get3A_2192 : vector<1x16xf32> to vector<16xf32>
      %eq3A_2194 = arith.constant 6 : i32
      %eq3A_2195 = vector.broadcast %eq3A_2194 : i32 to vector<16xi32>
      %eq3A_2196 = arith.cmpi eq, %get3A_2132, %eq3A_2195 : vector<16xi32>
      %select_n3A_2197 = arith.select %eq3A_2196, %get3A_2193, %select_n3A_2188 : vector<16xi1>, vector<16xf32>
      %get3A_2198 = arith.constant 25 : i32
      %get3A_2199 = arith.index_cast %get3A_2198 : i32 to index
      %get3A_2200 = arith.constant 112 : index
      %get3A_2201 = tpu.vector_load %arg8[%get3A_2199, %get3A_2200] {strides = array<i32>} : memref<26x128xf32, #tpu.memory_space<vmem>>, vector<1x16xf32>,
      %get3A_2202 = vector.shape_cast %get3A_2201 : vector<1x16xf32> to vector<16xf32>
      %eq3A_2203 = arith.constant 7 : i32
      %eq3A_2204 = vector.broadcast %eq3A_2203 : i32 to vector<16xi32>
      %eq3A_2205 = arith.cmpi eq, %get3A_2132, %eq3A_2204 : vector<16xi32>
      %select_n3A_2206 = arith.select %eq3A_2205, %get3A_2202, %select_n3A_2197 : vector<16xi1>, vector<16xf32>
      %swap3A_2207 = arith.constant 25 : i32
      %swap3A_2208 = arith.index_cast %swap3A_2207 : i32 to index
      %swap3A_2209 = arith.constant 0 : index
      %swap3A_2210 = tpu.vector_load %arg9[%swap3A_2208, %swap3A_2209] {strides = array<i32>} : memref<26x16xf32, #tpu.memory_space<vmem>>, vector<1x16xf32>,
      %swap3A_2211 = vector.shape_cast %swap3A_2210 : vector<1x16xf32> to vector<16xf32>
      %swap3A_2212 = vector.shape_cast %select_n3A_2206 : vector<16xf32> to vector<1x16xf32>
      tpu.vector_store %arg9[%swap3A_2208, %swap3A_2209], %swap3A_2212 {strides = array<i32>} : memref<26x16xf32, #tpu.memory_space<vmem>>, vector<1x16xf32>,
      "tpu.region"() ({
        %run_scoped3A = tpu.sem_alloc : memref<!tpu.dma_semaphore, #tpu.memory_space<semaphore_mem>>
        tpu.enqueue_dma source(%arg9 : memref<26x16xf32, #tpu.memory_space<vmem>>) target(%arg5 : memref<26x16xf32, #tpu.memory_space<hbm>>) target_semaphore(%run_scoped3A : memref<!tpu.dma_semaphore, #tpu.memory_space<semaphore_mem>>)
        tpu.wait_dma2 semaphore(%run_scoped3A : memref<!tpu.dma_semaphore, #tpu.memory_space<semaphore_mem>>) src(%arg9 : memref<26x16xf32, #tpu.memory_space<vmem>>) dst(%arg5 : memref<26x16xf32, #tpu.memory_space<hbm>>)
        tpu.yield
      }) : () -> ()
    } else {
    }
    return
  }
}

module attributes {stable_mosaic.version = 14 : i64} {
  func.func @_z_body(%arg0: i32, %arg1: memref<26xi32, #tpu.memory_space<smem>>, %arg2: memref<26xi32, #tpu.memory_space<smem>>, %arg3: memref<1x12500x128xf32, #tpu.memory_space<vmem>>, %arg4: memref<1x12500x128xf32, #tpu.memory_space<vmem>>) attributes {dimension_semantics = [#tpu.dimension_semantics<arbitrary>], iteration_bounds = array<i64: 26>, scalar_prefetch = 2 : i64, scratch_operands = 0 : i64, tpu.core_type = #tpu.core_type<tc>, window_params = [{transform_indices = @transform_0, window_bounds = array<i64: 1, 12500, 128>}, {transform_indices = @transform_1, window_bounds = array<i64: 1, 12500, 128>}]} {
    %get3A = arith.constant 0 : index
    %get3A_0 = arith.constant 0 : index
    %get3A_1 = arith.constant 0 : index
    %get3A_2 = vector.load %arg3[%get3A, %get3A_0, %get3A_1] : memref<1x12500x128xf32, #tpu.memory_space<vmem>>, vector<1x12500x128xf32>
    %get3A_3 = vector.shape_cast %get3A_2 : vector<1x12500x128xf32> to vector<12500x128xf32>
    %swap3A = arith.constant 0 : index
    %swap3A_4 = arith.constant 0 : index
    %swap3A_5 = arith.constant 0 : index
    %swap3A_6 = vector.load %arg4[%swap3A, %swap3A_4, %swap3A_5] : memref<1x12500x128xf32, #tpu.memory_space<vmem>>, vector<1x12500x128xf32>
    %swap3A_7 = vector.shape_cast %swap3A_6 : vector<1x12500x128xf32> to vector<12500x128xf32>
    %swap3A_8 = vector.shape_cast %get3A_3 : vector<12500x128xf32> to vector<1x12500x128xf32>
    tpu.vector_store %arg4[%swap3A, %swap3A_4, %swap3A_5], %swap3A_8 {strides = array<i32>} : memref<1x12500x128xf32, #tpu.memory_space<vmem>>, vector<1x12500x128xf32>,
    return
  }
  func.func @transform_0(%arg0: i32, %arg1: memref<26xi32, #tpu.memory_space<smem>>, %arg2: memref<26xi32, #tpu.memory_space<smem>>) -> (i32, i32, i32) {
    %get3A = arith.index_cast %arg0 : i32 to index
    %get3A_0 = memref.load %arg1[%get3A] : memref<26xi32, #tpu.memory_space<smem>>
    %c0_i32 = arith.constant 0 : i32
    %c0_i32_1 = arith.constant 0 : i32
    %c0_i32_2 = arith.constant 0 : i32
    return %get3A_0, %c0_i32, %c0_i32_1 : i32, i32, i32
  }
  func.func @transform_1(%arg0: i32, %arg1: memref<26xi32, #tpu.memory_space<smem>>, %arg2: memref<26xi32, #tpu.memory_space<smem>>) -> (i32, i32, i32) {
    %get3A = arith.index_cast %arg0 : i32 to index
    %get3A_0 = memref.load %arg2[%get3A] : memref<26xi32, #tpu.memory_space<smem>>
    %c0_i32 = arith.constant 0 : i32
    %c0_i32_1 = arith.constant 0 : i32
    %c0_i32_2 = arith.constant 0 : i32
    return %get3A_0, %c0_i32, %c0_i32_1 : i32, i32, i32
  }
}

</mosaic_0001>

<sc_bundles>
// kernel: kernel.4.cloned.1.call-start
scs
__scs_entry_jumppad:
0x0: {  	(pc) =	sbr.rel $0x88, $3  }
0x1: {  	(tag) =	ssettag $0x0;
	lr =	simm.s32 $0x1  }
0x2: {  	[smem:$0x3F9E] =	sst lr;
	_ =	strace $0xD0000000  }
0x3: {  	_ = 	snop  }
0x4: {  	_ = 	snop  }
0x5: {  	_ = 	snop  }
0x6: {  	_ = 	snop  }
0x7: {  	_ = 	snop  }
__scs_overlays_trampoline_lowered:
0x8: {  	[smem:$0x3FAD] =	sst s0  }
0x9: {  	[smem:$0x3FAE] =	sst s1  }
0xa: {  	[smem:$0x3FAF] =	sst s2  }
0xb: {  	[smem:$0x3FB0] =	sst s3  }
0xc: {  	[smem:$0x3FB1] =	sst s4  }
0xd: {  	[smem:$0x3FB2] =	sst s5  }
0xe: {  	[smem:$0x3FB3] =	sst s6  }
0xf: {  	[smem:$0x3FB4] =	sst s7  }
0x10: {  	[smem:$0x3FB5] =	sst s8  }
0x11: {  	[smem:$0x3FB6] =	sst s9;
	s0 =	simm.s32 @!p0 $0x0  }
0x12: {  	s1 =	sld [smem:$0x3F9C];
	s0 =	simm.s32 @p0 $0x1  }
0x13: {  	[smem:$0x3FB7] =	sst s0;
	s0 =	simm.s32 @!p1 $0x0  }
0x14: {  	s2 =	sld [smem:$0x3F9B];
	s0 =	simm.s32 @p1 $0x1  }
0x15: {  	[smem:$0x3FB8] =	sst s0;
	s0 =	simm.s32 @!p2 $0x0  }
0x16: {  	s3 =	sld [smem:$0x3FDB];
	s0 =	simm.s32 @p2 $0x1  }
0x17: {  	s4 =	simm.s32 $0x1BF5;
	[smem:$0x3FBA] =	sst s0  }
0x18: {  	s0 =	sld [smem:$0x3F9D];
	_ =	swait.ge [sflag:s4], $0x0  }
0x19: {  	s7 =	sld [smem:$0x3F9E]  }
0x1a: {  	s8 =	sadd.s32 $0xFFFFE003, lr  }
0x1b: {  	s9 =	sadd.s32 $0xFFFFFEF7, lr;
	s5 =	simm.s32 $0xFFFFFFFF;
	p2 =	slt.u32 s8, $0xFFFFF086  }
0x1c: {  	p1 =	slt.u32 s9, $0xF7A;
	s5 =	simm.s32 @!p2 $0x0  }
0x1d: {  	s5 =	simm.s32 @p1 $0x1;
	p0 =	seq.s32 s7, s2  }
0x1e: {  	s7 =	smul.u32 @!p0 $0xF7A, s2;
	p2 =	seq.s32 @!p0 s5, $0x0  }
0x1f: {  	s9 =	smul.u32 $0xF7A, s1;
	s8 =	simm.s32 @!p0 $0x1BF5;
	p2 =	por !p2, p0  }
0x20: {  	[sflag:s8] =	ssyncset.s32 @!p0 $0xFFFFF086;
	s6 =	sadd.s32 @!p0 s3, s7;
	s7 =	simm.s32 @!p0 $0x108  }
0x21: {  	s3 =	sadd.s32 s3, s9;
	s6 =	sadd.s32 @!p0 $0x88, s6;
	s7 =	simm.s32 @p2 $0x1082  }
0x22: {  	[simem:s7], [sflag:s8] =	dma.local @!p0 [hbm:s6], $0xF7A  }
0x23: {  	s9 =	sor.u32 $0xD0000000, s2;
	s6 =	simm.s32 $0x108;
	_ =	swait.ge @!p0 [sflag:s8], $0x0  }
0x24: {  	s3 =	sadd.s32 $0x88, s3;
	s6 =	simm.s32 @!p1 $0x1082;
	[sflag:s4] =	ssyncset.s32 $0xFFFFF086  }
0x25: {  	[simem:s6], [sflag:s4] =	dma.local [hbm:s3], $0xF7A  }
0x26: {  	[smem:$0x3F9E] =	sst s1;
	(tag) =	ssettag s2;
	_ =	strace s9  }
0x27: {  	s1 =	sld [smem:$0x3FAE]  }
0x28: {  	s2 =	sld [smem:$0x3FAF]  }
0x29: {  	s4 =	sld [smem:$0x3FB1]  }
0x2a: {  	p0 =	seq.s32 s5, $0x0;
	s5 =	sld [smem:$0x3FB2]  }
0x2b: {  	s6 =	sld [smem:$0x3FB3]  }
0x2c: {  	s7 =	sld [smem:$0x3FB4]  }
0x2d: {  	s3 =	simm.s32 $0x108;
	s8 =	sld [smem:$0x3FB5]  }
0x2e: {  	s3 =	simm.s32 @!p0 $0x1082;
	s9 =	sld [smem:$0x3FB6]  }
0x2f: {  	lr =	sadd.s32 s0, s3;
	s0 =	sld [smem:$0x3FAD]  }
0x30: {  	s3 =	sld [smem:$0x3FB0]  }
0x31: {  	[smem:$0x3FB9] =	sst s10  }
0x32: {  	s10 =	sld [smem:$0x3FB7];
	_ =	sdelay $0x3  }
0x33: {  	p0 =	seq.s32 s10, $0x1;
	s10 =	sld [smem:$0x3FB9];
	_ =	sdelay $0x3  }
0x34: {  	[smem:$0x3FB9] =	sst s10  }
0x35: {  	s10 =	sld [smem:$0x3FB8];
	_ =	sdelay $0x3  }
0x36: {  	p1 =	seq.s32 s10, $0x1;
	s10 =	sld [smem:$0x3FB9];
	_ =	sdelay $0x3  }
0x37: {  	[smem:$0x3FB9] =	sst s10  }
0x38: {  	s10 =	sld [smem:$0x3FBA]  }
0x39: {  	_ = 	snop;
	(pc) =	sbr.ind lr, $3  }
0x3a: {  	_ = 	snop  }
0x3b: {  	_ = 	snop  }
0x3c: {  	p2 =	seq.s32 s10, $0x1;
	s10 =	sld [smem:$0x3FB9]  }
0x3d: {  	_ =	shalt  }
0x3e: {  	_ =	shalt  }
0x3f: {  	_ =	shalt  }
0x40: {  	_ =	shalt  }
0x41: {  	_ =	shalt  }
0x42: {  	_ =	shalt  }
0x43: {  	_ =	shalt  }
0x44: {  	_ =	shalt  }
0x45: {  	_ =	shalt  }
0x46: {  	_ =	shalt  }
0x47: {  	_ =	shalt  }
0x48: {  	_ =	shalt  }
0x49: {  	_ =	shalt  }
0x4a: {  	_ =	shalt  }
0x4b: {  	_ =	shalt  }
0x4c: {  	_ =	shalt  }
0x4d: {  	_ =	shalt  }
0x4e: {  	_ =	shalt  }
0x4f: {  	_ =	shalt  }
0x50: {  	_ =	shalt  }
0x51: {  	_ =	shalt  }
0x52: {  	_ =	shalt  }
0x53: {  	_ =	shalt  }
0x54: {  	_ =	shalt  }
0x55: {  	_ =	shalt  }
0x56: {  	_ =	shalt  }
0x57: {  	_ =	shalt  }
0x58: {  	_ =	shalt  }
0x59: {  	_ =	shalt  }
0x5a: {  	_ =	shalt  }
0x5b: {  	_ =	shalt  }
0x5c: {  	_ =	shalt  }
0x5d: {  	_ =	shalt  }
0x5e: {  	_ =	shalt  }
0x5f: {  	_ =	shalt  }
0x60: {  	_ =	shalt  }
0x61: {  	_ =	shalt  }
0x62: {  	_ =	shalt  }
0x63: {  	_ =	shalt  }
0x64: {  	_ =	shalt  }
0x65: {  	_ =	shalt  }
0x66: {  	_ =	shalt  }
0x67: {  	_ =	shalt  }
0x68: {  	_ =	shalt  }
0x69: {  	_ =	shalt  }
0x6a: {  	_ =	shalt  }
0x6b: {  	_ =	shalt  }
0x6c: {  	_ =	shalt  }
0x6d: {  	_ =	shalt  }
0x6e: {  	_ =	shalt  }
0x6f: {  	_ =	shalt  }
0x70: {  	_ =	shalt  }
0x71: {  	_ =	shalt  }
0x72: {  	_ =	shalt  }
0x73: {  	_ =	shalt  }
0x74: {  	_ =	shalt  }
0x75: {  	_ =	shalt  }
0x76: {  	_ =	shalt  }
0x77: {  	_ =	shalt  }
0x78: {  	_ =	shalt  }
0x79: {  	_ =	shalt  }
0x7a: {  	_ =	shalt  }
0x7b: {  	_ =	shalt  }
0x7c: {  	_ =	shalt  }
0x7d: {  	_ =	shalt  }
0x7e: {  	_ =	shalt  }
0x7f: {  	_ =	shalt  }
0x80: {  	_ =	shalt  }
0x81: {  	_ =	shalt  }
0x82: {  	_ =	shalt  }
0x83: {  	_ =	shalt  }
0x84: {  	_ =	shalt  }
0x85: {  	_ =	shalt  }
0x86: {  	_ =	shalt  }
0x87: {  	_ =	shalt  }
.Lfunc_end0:
.L_simem_size_0:
called_computation.1_lowered:
.L_overlay_start_0:
0x88: {  	s2 =	sld [smem:$0x3FD9]  }
0x89: {  	s3 =	sld [smem:$0x3FFE];
	_ =	sdelay $0x1  }
0x8a: {  	s1 =	srdreg.scid  }
0x8b: {  	s0 =	sand.u32 $0x1, s1  }
0x8c: {  	s16 =	sshll.u32 s0, $0xA;
	s2 =	sadd.s32 s3, s2  }
0x8d: {  	s2 =	sadd.s32 s2, s16  }
0x8e: {  	[smem:$0x3FC5] =	sst s2  }
0x8f: {  	_ = 	snop  }
0x90: {  	(tm) =	ssettm $0x1  }
0x91: {  	s17 =	sld [smem:$0x3FFB];
	_ =	sdelay $0x3  }
0x92: {  	_ =	strace s17  }
0x93: {  	s2 =	sld [smem:$0x3FFC];
	_ =	sdelay $0x3  }
0x94: {  	_ =	strace s2  }
0x95: {  	s2 =	sld [smem:$0x3FFD];
	_ =	sdelay $0x3  }
0x96: {  	_ =	strace s2  }
0x97: {  	_ =	strace $0x8FFFFFFF  }
0x98: {  	s18 =	sld [smem:$0x3FDB];
	_ =	sdelay $0x1  }
0x99: {  	s19 =	simm.s32 $_scs_section_size  }
0x9a: {  	s4 =	simm.s32 $_size__tile_overlayer_lowered;
	s5 =	simm.s32 $_tile_overlayer_lowered  }
0x9b: {  	s22 =	simm.s32 $0x1BFF;
	s21 =	sshll.u32 s5, $0x1;
	s2 =	sadd.s32 s19, s18  }
0x9c: {  	s6 =	simm.s32 $0x0;
	s20 =	sshll.u32 s4, $0x1;
	s4 =	sadd.s32 s21, s2  }
0x9d: {  	[timem:s6], [sflag:s22] =	dma.local [hbm:s4], s20  }
0x9e: {  	_ =	swait.ge [sflag:s22], s20  }
0x9f: {  	s3 =	ssub.s32 $0x0, s20;
	[sflag:s22] =	ssyncset.done $0x0  }
0xa0: {  	[sflag:s22] =	ssyncadd.s32 s3;
	_ =	sdelay $0x1  }
0xa1: {  	s23 =	simm.s32 $0x1B8B  }
0xa2: {  	_ =	swait.ge [sflag:s23], $0x1  }
0xa3: {  	[sflag:s23] =	ssyncset.done $0x0  }
0xa4: {  	s25 =	simm.s32 $0x1B8E;
	s24 =	sld [smem:$0x3FFE];
	[sflag:s23] =	ssyncadd.s32 $0xFFFFFFFF  }
0xa5: {  	s26 =	simm.s32 $execute0_lowered;
	[smem:$0x3FD2] =	sst s25  }
0xa6: {  	s4 =	sshll.u32 s26, $0x1;
	_ =	strace $0x80000046;
	[dreg:$0x1] =	wrdreg $0xFFFFFFFF  }
0xa7: {  	s28 =	simm.s32 $_size_execute0_lowered;
	s2 =	sadd.s32 s2, s4;
	[dreg:$0x0] =	wrdreg $0x0  }
0xa8: {  	s4 =	sshll.u32 s28, $0x1;
	[dreg:$0x2] =	wrdreg s2  }
0xa9: {  	[dreg:$0x3] =	wrdreg s4  }
0xaa: {  	[dreg:$0x4] =	wrdreg $0xC0  }
0xab: {  	_ =	task [dreg:s6], $0x5FFFF  }
0xac: {  	[dreg:$0x1] =	wrdreg $0xFFFFFFFF  }
0xad: {  	[dreg:$0x0] =	wrdreg $0x60  }
0xae: {  	[dreg:$0x2] =	wrdreg s24  }
0xaf: {  	[dreg:$0x3] =	wrdreg $0xA  }
0xb0: {  	_ =	task.clear_ibuf [dreg:s6], $0x4FFFF;
	_ =	strace $0x90000046  }
0xb1: {  	s29 =	simm.s32 $0xA;
	_ =	strace $0x80000048  }
0xb2: {  	_ =	swait.ge [sflag:s29], $0x1  }
0xb3: {  	[sflag:s29] =	ssyncadd.s32 $0xFFFFFFFF  }
0xb4: {  	_ =	strace $0x90000048  }
0xb5: {  	_ =	sfence  }
0xb6: {  	s30 =	sld [smem:$0x0];
	_ =	sdelay $0x2  }
0xb7: {  	s31 =	sshll.u32 s1, $0xD;
	s1 =	sshrl.u32 s1, $0x2  }
0xb8: {  	s3 =	sand.u32 $0x4000, s31;
	s1 =	sadd.s32 s1, s30  }
0xb9: {  	s0 =	sor.u32 s3, s0;
	s1 =	sshll.u32 s1, $0x11  }
0xba: {  	s0 =	sor.u32 s1, s0  }
0xbb: {  	s0 =	sadd.s32 $0x8F2B, s0  }
0xbc: {  	[sflag:s0] =	ssyncadd.remote.s32 $0x1  }
0xbd: {  	_ =	sfence.sel $0xFFFF  }
0xbe: {  	[dreg:$0x0] =	wrdreg $0xFFFFFFFF;
	(pc) =	sbr.abs _section_cstart, $3  }
0xbf: {  	[dreg:$0x1] =	wrdreg $0xFFFFFFFF  }
0xc0: {  	_ =	task.clear_ibuf [dreg:s6], $0x2FFFF;
	_ =	strace $0x9FFFFFFF  }
0xc1: {  	(tm) =	ssettm $0x7FFFFFFF  }
tec
execute0_lowered:
.L_overlay_start_1:
0x0: {  	(tag) =	ssettag $0x1  }
0x1: {  	s0 =	srdreg.scid  }
0x2: {  	s3 =	sand.u32 $0x1, s0;
	s0 =	stileid.u32  }
0x3: {  	s4 =	sshll.u32 s0, $0x1;
	s5 =	ssub.s32 $0x0, s3  }
0x4: {  	p0 =	sne.s32 s4, s5  }
.Ltmp0:
0x5: {  	_ = 	snop;
	(pc) =	sbr.rel @p0 .LBB2_3-.Ltmp0, $3  }
0x6: {  	_ =	sdelay $0x1  }
0x7: {  	s2 =	rddreg [dreg:$0x0]  }
0x8: {  	s1 =	rddreg [dreg:$0x1];
	_ =	strace $0x80000047  }
0x9: {  	s5 =	ssub.s32 $0x2, s3;
	s3 =	sadd.s32 $0xC35200, s2  }
0xa: {  	s4 =	sadd.s32 $0xDBBC00, s2;
	s7 =	simm.s32 $0x0;
	s8 =	simm.s32 $0x2  }
0xb: {  	s9 =	simm.s32 $0x80;
	s10 =	simm.s32 $0x1A;
	s6 =	sshrl.u32 s5, $0x1  }
0xc: {  	s11 =	simm.s32 $0x1080;
	s12 =	simm.s32 $0x1;
	s6 =	ssub.s32 s5, s6  }
0xd: {  	s13 =	simm.s32 $0x2080;
	s5 =	sadd.s32 $0xDBBE00, s2;
	s6 =	smax.u32 s6, $0x1  }
.LBB2_2:
0xe: {  	[tilespmem:s7], [sflag:$0x2] =	stream.linear.gather [hbm4b:s2+s7], $0x80, $0x38;
	[tilespmem:$0x3080] =	vst v63  }
0xf: {  	_ =	swait.ge [sflag:s8], $0x80  }
0x10: {  	[sflag:s8] =	ssyncset.done $0x0  }
0x11: {  	[sflag:s8] =	ssyncadd.s32 $0xFFFFFF80  }
0x12: {  	[tilespmem:s9], [sflag:$0x2] =	stream.linear.gather [hbm4b:s4+s7], $0xD00, $0x38;
	[tilespmem:$0x3080] =	vst v63  }
0x13: {  	_ =	swait.ge [sflag:s8], $0xD00  }
0x14: {  	[sflag:s8] =	ssyncset.done $0x0  }
0x15: {  	[sflag:s8] =	ssyncadd.s32 $0xFFFFF300  }
0x16: {  	[tilespmem:s11], [sflag:$0x1] =	stream.indirect.gather [hbm4b:s3+s10], $0x80, s7, s10, $0xb8;
	[tilespmem:$0x3080] =	vst v63  }
0x17: {  	_ =	swait.ge [sflag:s12], $0xD00  }
0x18: {  	[sflag:s12] =	ssyncset.done $0x0  }
0x19: {  	[sflag:s12] =	ssyncadd.s32 $0xFFFFF300  }
0x1a: {  	v12 =	vld [tilespmem:$0x80]  }
0x1b: {  	v11 =	vld [tilespmem:$0x1080]  }
0x1c: {  	v0 =	vld [tilespmem:$0x1090]  }
0x1d: {  	v1 =	vld [tilespmem:$0x10A0]  }
0x1e: {  	v4 =	vld [tilespmem:$0x10B0]  }
0x1f: {  	v5 =	vld [tilespmem:$0x10C0]  }
0x20: {  	v14 =	vld [tilespmem:$0x10D0]  }
0x21: {  	v16 =	vld [tilespmem:$0x10E0]  }
0x22: {  	v21 =	vld [tilespmem:$0x10F0]  }
0x23: {  	v44 =	vld [tilespmem:$0x100]  }
0x24: {  	v13 =	vld [tilespmem:$0x1100]  }
0x25: {  	v15 =	vld [tilespmem:$0x1110]  }
0x26: {  	v17 =	vld [tilespmem:$0x1120]  }
0x27: {  	v18 =	vld [tilespmem:$0x1130]  }
0x28: {  	v19 =	vld [tilespmem:$0x1140]  }
0x29: {  	v23 =	vld [tilespmem:$0x1150]  }
0x2a: {  	v48 =	vld [tilespmem:$0x1160]  }
0x2b: {  	v45 =	vld [tilespmem:$0x1170]  }
0x2c: {  	v58 =	vld [tilespmem:$0x180]  }
0x2d: {  	v20 =	vld [tilespmem:$0x1180]  }
0x2e: {  	v22 =	vld [tilespmem:$0x1190]  }
0x2f: {  	v24 =	vld [tilespmem:$0x11A0]  }
0x30: {  	v25 =	vld [tilespmem:$0x11B0]  }
0x31: {  	v46 =	vld [tilespmem:$0x11C0]  }
0x32: {  	v29 =	vld [tilespmem:$0x11D0]  }
0x33: {  	v33 =	vld [tilespmem:$0x11E0]  }
0x34: {  	v59 =	vld [tilespmem:$0x11F0]  }
0x35: {  	v32 =	vld [tilespmem:$0x200]  }
0x36: {  	v26 =	vld [tilespmem:$0x1200]  }
0x37: {  	v27 =	vld [tilespmem:$0x1210]  }
0x38: {  	v28 =	vld [tilespmem:$0x1220]  }
0x39: {  	v30 =	vld [tilespmem:$0x1230]  }
0x3a: {  	v57 =	vld [tilespmem:$0x1410]  }
0x3b: {  	v31 =	vld [tilespmem:$0x1240]  }
0x3c: {  	v60 =	vld [tilespmem:$0x1250]  }
0x3d: {  	v61 =	vld [tilespmem:$0x1260]  }
0x3e: {  	v55 =	vld [tilespmem:$0x1270]  }
0x3f: {  	[tilespmem:$0x1FCF0] =	vst v57;
	v57 =	vld [tilespmem:$0x1420]  }
0x40: {  	v3 =	vld [tilespmem:$0x280]  }
0x41: {  	v34 =	vld [tilespmem:$0x1280]  }
0x42: {  	v35 =	vld [tilespmem:$0x1290]  }
0x43: {  	v62 =	vld [tilespmem:$0x12A0]  }
0x44: {  	[tilespmem:$0x1FD00] =	vst v57;
	v57 =	vld [tilespmem:$0x1430]  }
0x45: {  	v63 =	vld [tilespmem:$0x12B0]  }
0x46: {  	v37 =	vld [tilespmem:$0x12C0]  }
0x47: {  	v51 =	vld [tilespmem:$0x12D0]  }
0x48: {  	v41 =	vld [tilespmem:$0x12E0]  }
0x49: {  	[tilespmem:$0x1FD20] =	vst v57;
	v57 =	vld [tilespmem:$0x1440]  }
0x4a: {  	v50 =	vld [tilespmem:$0x12F0]  }
0x4b: {  	v2 =	vld [tilespmem:$0x300]  }
0x4c: {  	v36 =	vld [tilespmem:$0x1300]  }
0x4d: {  	v38 =	vld [tilespmem:$0x1310]  }
0x4e: {  	[tilespmem:$0x1FD30] =	vst v57;
	v57 =	vld [tilespmem:$0x1450]  }
0x4f: {  	v39 =	vld [tilespmem:$0x1320]  }
0x50: {  	v40 =	vld [tilespmem:$0x1330]  }
0x51: {  	v43 =	vld [tilespmem:$0x1340]  }
0x52: {  	v52 =	vld [tilespmem:$0x1350]  }
0x53: {  	[tilespmem:$0x1FD40] =	vst v57;
	v57 =	vld [tilespmem:$0x1460]  }
0x54: {  	v56 =	vld [tilespmem:$0x1360]  }
0x55: {  	v6 =	vld [tilespmem:$0x1370]  }
0x56: {  	v42 =	vld [tilespmem:$0x1380]  }
0x57: {  	v47 =	vld [tilespmem:$0x1390]  }
0x58: {  	[tilespmem:$0x1FD70] =	vst v57;
	v57 =	vld [tilespmem:$0x1470]  }
0x59: {  	v49 =	vld [tilespmem:$0x13A0]  }
0x5a: {  	v53 =	vld [tilespmem:$0x13B0]  }
0x5b: {  	v54 =	vld [tilespmem:$0x13C0]  }
0x5c: {  	v7 =	vld [tilespmem:$0x13D0]  }
0x5d: {  	[tilespmem:$0x1FDA0] =	vst v57;
	v57 =	vld [tilespmem:$0x1490]  }
0x5e: {  	v9 =	vld [tilespmem:$0x13E0]  }
0x5f: {  	v8 =	vld [tilespmem:$0x1400]  }
0x60: {  	v10 =	vld [tilespmem:$0x13F0]  }
0x61: {  	[tilespmem:$0x1FCB0] =	vst v6;
	v6 =	vld [tilespmem:$0x380]  }
0x62: {  	[tilespmem:$0x1FD60] =	vst v57;
	v57 =	vld [tilespmem:$0x14A0]  }
0x63: {  	[tilespmem:$0x1FCC0] =	vst v7;
	v7 =	vld [tilespmem:$0x400]  }
0x64: {  	[tilespmem:$0x1FCD0] =	vst v8;
	v8 =	vld [tilespmem:$0x480]  }
0x65: {  	[tilespmem:$0x1FCE0] =	vst v9;
	v9 =	vld [tilespmem:$0x1480];
	vm0 =	veq.s32 v12, $0x0  }
0x66: {  	[tilespmem:$0x1FD10] =	vst v10;
	v10 =	vld [tilespmem:$0x1500];
	vm14 =	veq.s32 v12, $0x1;
	vm15 =	veq.s32 v12, $0x2;
	vm4 =	veq.s32 v12, $0x3  }
0x67: {  	vm5 =	veq.s32 v12, $0x4;
	vm6 =	veq.s32 v12, $0x5;
	vm7 =	veq.s32 v44, $0x0;
	[tilespmem:$0x1FD80] =	vst v57;
	v57 =	vld [tilespmem:$0x14B0]  }
0x68: {  	vm8 =	veq.s32 v12, $0x6;
	vm10 =	veq.s32 v12, $0x7;
	v12 =	vld [tilespmem:$0x680];
	v11 =	vnsel vm0, $0x0, v11  }
0x69: {  	vm1 =	veq.s32 v44, $0x1;
	v13 =	vnsel vm7, $0x0, v13;
	v0 =	vsel vm14, v0, v11;
	v11 =	vld [tilespmem:$0x600]  }
0x6a: {  	v0 =	vsel vm15, v1, v0;
	v1 =	vsel vm1, v15, v13;
	v15 =	vld [tilespmem:$0x17A0]  }
0x6b: {  	v0 =	vsel vm4, v4, v0;
	v4 =	vld [tilespmem:$0x1620]  }
0x6c: {  	vm9 =	veq.s32 v44, $0x2;
	[tilespmem:$0x1FD90] =	vst v57;
	v57 =	vld [tilespmem:$0x14C0]  }
0x6d: {  	vm11 =	veq.s32 v44, $0x3;
	vm12 =	veq.s32 v44, $0x4;
	v1 =	vsel vm9, v17, v1;
	v17 =	vld [tilespmem:$0x1660]  }
0x6e: {  	vm13 =	veq.s32 v44, $0x5;
	vm7 =	veq.s32 v44, $0x7;
	vm4 =	veq.s32 v44, $0x6;
	v44 =	vld [tilespmem:$0x16B0]  }
0x6f: {  	[tilespmem:$0x1FD50] =	vst v9;
	v9 =	vld [tilespmem:$0x500]  }
0x70: {  	[tilespmem:$0x1FDC0] =	vst v10;
	v10 =	vld [tilespmem:$0x580]  }
0x71: {  	vm14 =	veq.s32 v58, $0x0;
	[tilespmem:$0x1FDB0] =	vst v57;
	v57 =	vld [tilespmem:$0x14D0]  }
0x72: {  	v20 =	vnsel vm14, $0x0, v20;
	vm15 =	veq.s32 v58, $0x1;
	v0 =	vsel vm5, v5, v0;
	v5 =	vld [tilespmem:$0x1630]  }
0x73: {  	v18 =	vsel vm11, v18, v1;
	v1 =	vsel vm15, v22, v20;
	v20 =	vld [tilespmem:$0x17D0]  }
0x74: {  	v22 =	vld [tilespmem:$0x1FCE0]  }
0x75: {  	v0 =	vsel vm6, v14, v0;
	v14 =	vld [tilespmem:$0x1640]  }
0x76: {  	vm5 =	veq.s32 v58, $0x2;
	[tilespmem:$0x1FDD0] =	vst v57;
	v57 =	vld [tilespmem:$0x14E0]  }
0x77: {  	v1 =	vsel vm5, v24, v1;
	v24 =	vld [tilespmem:$0x1FD00]  }
0x78: {  	vm6 =	veq.s32 v58, $0x3;
	v0 =	vsel vm8, v16, v0;
	v16 =	vld [tilespmem:$0x1650]  }
0x79: {  	v1 =	vsel vm6, v25, v1;
	vm8 =	veq.s32 v58, $0x4;
	v0 =	vsel vm10, v21, v0;
	v21 =	vld [tilespmem:$0x1680]  }
0x7a: {  	vm9 =	veq.s32 v32, $0x0;
	v25 =	vsel vm8, v46, v1;
	v46 =	vld [tilespmem:$0x16D0]  }
0x7b: {  	v26 =	vnsel vm9, $0x0, v26;
	vm11 =	veq.s32 v32, $0x1;
	[tilespmem:$0x1FE00] =	vst v57;
	v57 =	vld [tilespmem:$0x14F0]  }
0x7c: {  	v1 =	vsel vm11, v27, v26;
	v27 =	vld [tilespmem:$0x16E0]  }
0x7d: {  	v26 =	vld [tilespmem:$0x17E0]  }
0x7e: {  	[tilespmem:$0x1FFA0] =	vst v0;
	v0 =	vsel vm12, v19, v18;
	v18 =	vld [tilespmem:$0x700]  }
0x7f: {  	[tilespmem:$0x1FF70] =	vst v17;
	v17 =	vld [tilespmem:$0x17B0]  }
0x80: {  	[tilespmem:$0x1FE30] =	vst v57;
	v57 =	vld [tilespmem:$0x1510]  }
0x81: {  	v19 =	vld [tilespmem:$0x1FCD0]  }
0x82: {  	v0 =	vsel vm13, v23, v0;
	v23 =	vld [tilespmem:$0x1690]  }
0x83: {  	v0 =	vsel vm4, v48, v0;
	v48 =	vld [tilespmem:$0x16A0]  }
0x84: {  	vm10 =	veq.s32 v58, $0x5;
	vm13 =	veq.s32 v58, $0x6;
	vm4 =	veq.s32 v58, $0x7;
	v58 =	vld [tilespmem:$0x1700]  }
0x85: {  	vm12 =	veq.s32 v32, $0x2;
	[tilespmem:$0x1FDE0] =	vst v57;
	v57 =	vld [tilespmem:$0x1520]  }
0x86: {  	vm14 =	veq.s32 v32, $0x3;
	v1 =	vsel vm12, v28, v1;
	[tilespmem:$0x1FF30] =	vst v14;
	v14 =	vld [tilespmem:$0x1FCB0]  }
0x87: {  	v1 =	vsel vm14, v30, v1;
	v30 =	vld [tilespmem:$0x1FD50]  }
0x88: {  	v0 =	vsel vm7, v45, v0;
	v45 =	vld [tilespmem:$0x16C0]  }
0x89: {  	[tilespmem:$0x1FF50] =	vst v16;
	v16 =	vld [tilespmem:$0x1FCC0]  }
0x8a: {  	[tilespmem:$0x1FDF0] =	vst v57;
	v57 =	vld [tilespmem:$0x1530]  }
0x8b: {  	vm15 =	veq.s32 v32, $0x4;
	[tilespmem:$0x1FFB0] =	vst v0;
	v0 =	vsel vm10, v29, v25;
	v29 =	vld [tilespmem:$0x16F0]  }
0x8c: {  	vm5 =	veq.s32 v32, $0x5;
	vm7 =	veq.s32 v32, $0x6;
	vm10 =	veq.s32 v32, $0x7;
	v32 =	vld [tilespmem:$0x780]  }
0x8d: {  	v25 =	vld [tilespmem:$0x1FD10]  }
0x8e: {  	vm6 =	veq.s32 v3, $0x0;
	[tilespmem:$0x1FF80] =	vst v27;
	v27 =	vld [tilespmem:$0x1FD20]  }
0x8f: {  	v34 =	vnsel vm6, $0x0, v34;
	v1 =	vsel vm15, v31, v1;
	[tilespmem:$0x1FE10] =	vst v57;
	v57 =	vld [tilespmem:$0x1540]  }
0x90: {  	vm8 =	veq.s32 v3, $0x1;
	v0 =	vsel vm13, v33, v0;
	v33 =	vsel vm5, v60, v1;
	v60 =	vld [tilespmem:$0x1720]  }
0x91: {  	vm9 =	veq.s32 v3, $0x2;
	v1 =	vsel vm8, v35, v34;
	v0 =	vsel vm4, v59, v0;
	v59 =	vld [tilespmem:$0x1710]  }
0x92: {  	v1 =	vsel vm9, v62, v1;
	v62 =	vld [tilespmem:$0x1740]  }
0x93: {  	[tilespmem:$0x1FF60] =	vst v23;
	v23 =	vld [tilespmem:$0x1FCF0]  }
0x94: {  	[tilespmem:$0x1FE20] =	vst v57;
	v57 =	vld [tilespmem:$0x1550]  }
0x95: {  	vm11 =	veq.s32 v3, $0x3;
	vm12 =	veq.s32 v3, $0x4;
	[tilespmem:$0x1FFC0] =	vst v0;
	v0 =	vsel vm7, v61, v33;
	v61 =	vld [tilespmem:$0x1730]  }
0x96: {  	vm13 =	veq.s32 v3, $0x5;
	vm4 =	veq.s32 v3, $0x6;
	vm7 =	veq.s32 v3, $0x7;
	v3 =	vld [tilespmem:$0x1790]  }
0x97: {  	v28 =	vld [tilespmem:$0x1FD30]  }
0x98: {  	[tilespmem:$0x1FF00] =	vst v4;
	vm14 =	veq.s32 v2, $0x0;
	v0 =	vsel vm10, v55, v0;
	v55 =	vsel vm11, v63, v1;
	v63 =	vld [tilespmem:$0x1750]  }
0x99: {  	v4 =	vnsel vm14, $0x0, v36;
	vm15 =	veq.s32 v2, $0x1;
	[tilespmem:$0x1FE40] =	vst v57;
	v57 =	vld [tilespmem:$0x1560]  }
0x9a: {  	v1 =	vsel vm15, v38, v4;
	v4 =	vld [tilespmem:$0x1780]  }
0x9b: {  	vm5 =	veq.s32 v2, $0x2;
	[tilespmem:$0x1FFD0] =	vst v0;
	v0 =	vsel vm12, v37, v55;
	v55 =	vld [tilespmem:$0x1760]  }
0x9c: {  	vm6 =	veq.s32 v2, $0x3;
	vm9 =	veq.s32 v6, $0x0;
	v1 =	vsel vm5, v39, v1;
	v39 =	vld [tilespmem:$0x1FDC0]  }
0x9d: {  	vm8 =	veq.s32 v2, $0x4;
	v13 =	vnsel vm9, $0x0, v42;
	v0 =	vsel vm13, v51, v0;
	v51 =	vld [tilespmem:$0x1770]  }
0x9e: {  	vm10 =	veq.s32 v2, $0x5;
	vm11 =	veq.s32 v6, $0x1;
	v1 =	vsel vm6, v40, v1;
	[tilespmem:$0x1FE60] =	vst v57;
	v57 =	vld [tilespmem:$0x1570]  }
0x9f: {  	[tilespmem:$0x1FF10] =	vst v5;
	vm13 =	veq.s32 v2, $0x6;
	v5 =	vsel vm8, v43, v1;
	v1 =	vsel vm11, v47, v13;
	v13 =	vld [tilespmem:$0x17C0]  }
0xa0: {  	[tilespmem:$0x1FF40] =	vst v21;
	vm6 =	veq.s32 v7, $0x0;
	v0 =	vsel vm4, v41, v0;
	vm4 =	veq.s32 v2, $0x7;
	v2 =	vld [tilespmem:$0x17F0]  }
0xa1: {  	[tilespmem:$0x1FF90] =	vst v29;
	v21 =	vnsel vm6, $0x0, v19;
	vm8 =	veq.s32 v7, $0x1;
	v0 =	vsel vm7, v50, v0;
	v29 =	vld [tilespmem:$0x1FD40]  }
0xa2: {  	[tilespmem:$0x1FFE0] =	vst v0;
	v0 =	vsel vm10, v52, v5;
	v5 =	vsel vm8, v23, v21;
	v21 =	vld [tilespmem:$0x1810]  }
0xa3: {  	vm12 =	veq.s32 v6, $0x2;
	[tilespmem:$0x1FE90] =	vst v57;
	v57 =	vld [tilespmem:$0x1580]  }
0xa4: {  	vm14 =	veq.s32 v6, $0x3;
	vm9 =	veq.s32 v7, $0x2;
	v1 =	vsel vm12, v49, v1;
	v23 =	vld [tilespmem:$0x1830]  }
0xa5: {  	vm15 =	veq.s32 v6, $0x4;
	v1 =	vsel vm14, v53, v1;
	v0 =	vsel vm13, v56, v0;
	v56 =	vld [tilespmem:$0x800]  }
0xa6: {  	vm5 =	veq.s32 v6, $0x5;
	v1 =	vsel vm15, v54, v1;
	v5 =	vsel vm9, v24, v5;
	v24 =	vld [tilespmem:$0x1840]  }
0xa7: {  	v1 =	vsel vm5, v16, v1;
	v16 =	vld [tilespmem:$0x1870]  }
0xa8: {  	vm9 =	veq.s32 v9, $0x0;
	[tilespmem:$0x1FE50] =	vst v57;
	v57 =	vld [tilespmem:$0x1590]  }
0xa9: {  	v0 =	vsel vm4, v14, v0;
	v19 =	vnsel vm9, $0x0, v39;
	v39 =	vld [tilespmem:$0x1950]  }
0xaa: {  	vm7 =	veq.s32 v6, $0x6;
	[tilespmem:$0x1FFF0] =	vst v0;
	v0 =	vld [tilespmem:$0x1800]  }
0xab: {  	vm10 =	veq.s32 v6, $0x7;
	v1 =	vsel vm7, v22, v1;
	v22 =	vld [tilespmem:$0x1820]  }
0xac: {  	v6 =	vsel vm10, v25, v1;
	v25 =	vld [tilespmem:$0x1850]  }
0xad: {  	[tilespmem:$0x1FE70] =	vst v57;
	v57 =	vld [tilespmem:$0x15A0]  }
0xae: {  	vm11 =	veq.s32 v7, $0x3;
	vm14 =	veq.s32 v8, $0x0;
	v33 =	vld [tilespmem:$0x1FD70]  }
0xaf: {  	v1 =	vsel vm11, v27, v5;
	v5 =	vnsel vm14, $0x0, v30;
	v30 =	vld [tilespmem:$0x1890]  }
0xb0: {  	v27 =	vld [tilespmem:$0x18F0]  }
0xb1: {  	vm12 =	veq.s32 v7, $0x4;
	v37 =	vld [tilespmem:$0x1FDA0]  }
0xb2: {  	vm13 =	veq.s32 v7, $0x5;
	v1 =	vsel vm12, v28, v1;
	[tilespmem:$0x1FE80] =	vst v57;
	v57 =	vld [tilespmem:$0x15B0]  }
0xb3: {  	v1 =	vsel vm13, v29, v1;
	v29 =	vld [tilespmem:$0x1880]  }
0xb4: {  	vm4 =	veq.s32 v7, $0x6;
	v31 =	vld [tilespmem:$0x1FD60]  }
0xb5: {  	vm7 =	veq.s32 v7, $0x7;
	v34 =	vsel vm4, v33, v1;
	v33 =	vld [tilespmem:$0x18B0]  }
0xb6: {  	v7 =	vsel vm7, v37, v34;
	v34 =	vld [tilespmem:$0x18C0]  }
0xb7: {  	[tilespmem:$0x1FEA0] =	vst v57;
	v57 =	vld [tilespmem:$0x15C0]  }
0xb8: {  	vm15 =	veq.s32 v8, $0x1;
	v37 =	vld [tilespmem:$0x1960]  }
0xb9: {  	v14 =	vsel vm15, v31, v5;
	v5 =	vld [tilespmem:$0x1860]  }
0xba: {  	v35 =	vld [tilespmem:$0x1FD80]  }
0xbb: {  	v36 =	vld [tilespmem:$0x1FD90]  }
0xbc: {  	[tilespmem:$0x1FEB0] =	vst v57;
	v57 =	vld [tilespmem:$0x15D0]  }
0xbd: {  	v38 =	vld [tilespmem:$0x1FDB0]  }
0xbe: {  	v40 =	vld [tilespmem:$0x1FDD0]  }
0xbf: {  	v43 =	vld [tilespmem:$0x1FE00]  }
0xc0: {  	v50 =	vld [tilespmem:$0x1FE30]  }
0xc1: {  	[tilespmem:$0x1FEC0] =	vst v57;
	v57 =	vld [tilespmem:$0x15E0]  }
0xc2: {  	v41 =	vld [tilespmem:$0x1FDE0]  }
0xc3: {  	v42 =	vld [tilespmem:$0x1FDF0]  }
0xc4: {  	v47 =	vld [tilespmem:$0x1FE10]  }
0xc5: {  	vm6 =	veq.s32 v8, $0x3;
	vm8 =	veq.s32 v8, $0x4;
	v49 =	vld [tilespmem:$0x1FE20]  }
0xc6: {  	vm5 =	veq.s32 v8, $0x2;
	vm10 =	veq.s32 v8, $0x5;
	vm11 =	veq.s32 v9, $0x1;
	[tilespmem:$0x1FEF0] =	vst v57;
	v57 =	vld [tilespmem:$0x15F0]  }
0xc7: {  	vm14 =	veq.s32 v9, $0x3;
	vm12 =	veq.s32 v9, $0x2;
	v1 =	vsel vm5, v35, v14;
	v52 =	vld [tilespmem:$0x1FE40]  }
0xc8: {  	vm13 =	veq.s32 v8, $0x6;
	v31 =	vld [tilespmem:$0x18A0];
	v14 =	vsel vm6, v36, v1;
	v19 =	vsel vm11, v41, v19  }
0xc9: {  	vm4 =	veq.s32 v8, $0x7;
	v35 =	vld [tilespmem:$0x18D0];
	v14 =	vsel vm8, v38, v14;
	v19 =	vsel vm12, v42, v19  }
0xca: {  	vm15 =	veq.s32 v9, $0x4;
	v1 =	vld [tilespmem:$0x880];
	v14 =	vsel vm10, v40, v14;
	v19 =	vsel vm14, v47, v19  }
0xcb: {  	vm5 =	veq.s32 v9, $0x5;
	v14 =	vsel vm13, v43, v14;
	v19 =	vsel vm15, v49, v19;
	[tilespmem:$0x1FF20] =	vst v57;
	v57 =	vld [tilespmem:$0x1600]  }
0xcc: {  	v8 =	vsel vm4, v50, v14;
	v14 =	vsel vm5, v52, v19;
	v19 =	vld [tilespmem:$0x18E0]  }
0xcd: {  	v40 =	vld [tilespmem:$0x1FE60]  }
0xce: {  	v43 =	vld [tilespmem:$0x1FE90]  }
0xcf: {  	v53 =	vld [tilespmem:$0x1FE50]  }
0xd0: {  	[tilespmem:$0x1FED0] =	vst v57;
	v57 =	vld [tilespmem:$0x1610]  }
0xd1: {  	vm7 =	veq.s32 v9, $0x6;
	v41 =	vld [tilespmem:$0x1FE70]  }
0xd2: {  	vm10 =	veq.s32 v9, $0x7;
	v36 =	vsel vm7, v40, v14;
	v42 =	vld [tilespmem:$0x1FE80]  }
0xd3: {  	v9 =	vsel vm10, v43, v36;
	v43 =	vld [tilespmem:$0x1FF10]  }
0xd4: {  	vm6 =	veq.s32 v10, $0x0;
	v47 =	vld [tilespmem:$0x1FEA0]  }
0xd5: {  	vm8 =	veq.s32 v10, $0x1;
	v54 =	vnsel vm6, $0x0, v53;
	v52 =	vld [tilespmem:$0x1FED0];
	[tilespmem:$0x1FEE0] =	vst v57  }
0xd6: {  	vm9 =	veq.s32 v10, $0x2;
	v28 =	vsel vm8, v41, v54;
	v53 =	vld [tilespmem:$0x1FEE0]  }
0xd7: {  	v28 =	vsel vm9, v42, v28;
	v42 =	vld [tilespmem:$0x1FF00]  }
0xd8: {  	v49 =	vld [tilespmem:$0x1FEB0]  }
0xd9: {  	vm14 =	veq.s32 v11, $0x0;
	v50 =	vld [tilespmem:$0x1FEC0]  }
0xda: {  	vm15 =	veq.s32 v11, $0x1;
	v54 =	vld [tilespmem:$0x1FEF0];
	v36 =	vnsel vm14, $0x0, v52  }
0xdb: {  	v36 =	vsel vm15, v53, v36;
	v53 =	vld [tilespmem:$0x1FF30]  }
0xdc: {  	vm13 =	veq.s32 v10, $0x5;
	vm4 =	veq.s32 v10, $0x6;
	vm11 =	veq.s32 v10, $0x3;
	v14 =	vld [tilespmem:$0x900]  }
0xdd: {  	vm12 =	veq.s32 v10, $0x4;
	vm5 =	veq.s32 v11, $0x2;
	v40 =	vld [tilespmem:$0x1900];
	v28 =	vsel vm11, v47, v28  }
0xde: {  	vm6 =	veq.s32 v11, $0x3;
	v41 =	vld [tilespmem:$0x1910];
	v28 =	vsel vm12, v49, v28;
	v36 =	vsel vm5, v42, v36  }
0xdf: {  	vm8 =	veq.s32 v11, $0x4;
	v47 =	vld [tilespmem:$0x1920];
	v28 =	vsel vm13, v50, v28;
	v36 =	vsel vm6, v43, v36  }
0xe0: {  	v28 =	vsel vm4, v54, v28;
	v54 =	vsel vm8, v53, v36;
	v53 =	vld [tilespmem:$0x1FF50]  }
0xe1: {  	v49 =	vld [tilespmem:$0x1930]  }
0xe2: {  	v52 =	vld [tilespmem:$0x1FF20]  }
0xe3: {  	v50 =	vld [tilespmem:$0x1940]  }
0xe4: {  	vm10 =	veq.s32 v11, $0x5;
	v43 =	vld [tilespmem:$0x1FF40]  }
0xe5: {  	v38 =	vsel vm10, v53, v54;
	v54 =	vld [tilespmem:$0x1FF60]  }
0xe6: {  	vm7 =	veq.s32 v10, $0x7;
	v57 =	vld [tilespmem:$0x1670]  }
0xe7: {  	v10 =	vsel vm7, v52, v28;
	v28 =	vld [tilespmem:$0x980]  }
0xe8: {  	vm9 =	veq.s32 v12, $0x0;
	v36 =	vld [tilespmem:$0x1970]  }
0xe9: {  	vm11 =	veq.s32 v12, $0x1;
	v52 =	vnsel vm9, $0x0, v43;
	v43 =	vld [tilespmem:$0x1980]  }
0xea: {  	v42 =	vsel vm11, v54, v52;
	v52 =	vld [tilespmem:$0x1FF70]  }
0xeb: {  	vm12 =	veq.s32 v12, $0x2;
	v53 =	vld [tilespmem:$0x19E0]  }
0xec: {  	vm14 =	veq.s32 v12, $0x3;
	v42 =	vsel vm12, v48, v42;
	v48 =	vld [tilespmem:$0x1990]  }
0xed: {  	vm15 =	veq.s32 v12, $0x4;
	v42 =	vsel vm14, v44, v42;
	v44 =	vld [tilespmem:$0x19A0]  }
0xee: {  	vm13 =	veq.s32 v11, $0x6;
	vm4 =	veq.s32 v11, $0x7;
	v42 =	vsel vm15, v45, v42;
	v45 =	vld [tilespmem:$0x19B0]  }
0xef: {  	vm5 =	veq.s32 v12, $0x5;
	vm6 =	veq.s32 v18, $0x0;
	v38 =	vsel vm13, v52, v38;
	v52 =	vld [tilespmem:$0x19D0]  }
0xf0: {  	v58 =	vnsel vm6, $0x0, v58;
	v11 =	vsel vm4, v57, v38;
	v38 =	vsel vm5, v46, v42;
	v46 =	vld [tilespmem:$0x19C0]  }
0xf1: {  	vm8 =	veq.s32 v18, $0x1;
	vm9 =	veq.s32 v18, $0x2;
	vm14 =	veq.s32 v32, $0x0;
	v57 =	vld [tilespmem:$0x1FF80]  }
0xf2: {  	v4 =	vnsel vm14, $0x0, v4;
	vm15 =	veq.s32 v32, $0x1;
	v42 =	vsel vm8, v59, v58;
	v59 =	vld [tilespmem:$0x1FF90]  }
0xf3: {  	v3 =	vsel vm15, v3, v4;
	vm5 =	veq.s32 v32, $0x2;
	v58 =	vsel vm9, v60, v42;
	v42 =	vld [tilespmem:$0x19F0]  }
0xf4: {  	vm6 =	veq.s32 v32, $0x3;
	vm11 =	veq.s32 v18, $0x3;
	v3 =	vsel vm5, v15, v3;
	v15 =	vld [tilespmem:$0x1A30]  }
0xf5: {  	vm8 =	veq.s32 v32, $0x4;
	v54 =	vsel vm11, v61, v58;
	v58 =	vld [tilespmem:$0x1A10];
	v17 =	vsel vm6, v17, v3  }
0xf6: {  	vm9 =	veq.s32 v56, $0x0;
	v61 =	vsel vm8, v13, v17;
	v17 =	vld [tilespmem:$0x1A50]  }
0xf7: {  	vm12 =	veq.s32 v18, $0x4;
	v0 =	vnsel vm9, $0x0, v0;
	vm11 =	veq.s32 v56, $0x1;
	v13 =	vld [tilespmem:$0xA80]  }
0xf8: {  	v54 =	vsel vm12, v62, v54;
	v0 =	vsel vm11, v21, v0;
	vm12 =	veq.s32 v56, $0x2;
	v21 =	vld [tilespmem:$0x1A80]  }
0xf9: {  	vm7 =	veq.s32 v12, $0x6;
	v0 =	vsel vm12, v22, v0;
	v22 =	vld [tilespmem:$0x1AA0]  }
0xfa: {  	vm14 =	veq.s32 v56, $0x3;
	v38 =	vsel vm7, v57, v38;
	v57 =	vld [tilespmem:$0x1A00]  }
0xfb: {  	vm13 =	veq.s32 v18, $0x5;
	vm4 =	veq.s32 v18, $0x6;
	vm7 =	veq.s32 v18, $0x7;
	v18 =	vld [tilespmem:$0x1A40]  }
0xfc: {  	v54 =	vsel vm13, v63, v54;
	v0 =	vsel vm14, v23, v0;
	v23 =	vld [tilespmem:$0x1A90]  }
0xfd: {  	vm10 =	veq.s32 v12, $0x7;
	v60 =	vsel vm4, v55, v54;
	v55 =	vld [tilespmem:$0x1B30]  }
0xfe: {  	v12 =	vsel vm10, v59, v38;
	v38 =	vld [tilespmem:$0xA00]  }
0xff: {  	v59 =	vld [tilespmem:$0x1A20]  }
0x100: {  	vm15 =	veq.s32 v56, $0x4;
	v3 =	vsel vm7, v51, v60;
	v51 =	vld [tilespmem:$0x1A60]  }
0x101: {  	vm6 =	veq.s32 v1, $0x0;
	vm13 =	veq.s32 v32, $0x6;
	v62 =	vsel vm15, v24, v0;
	v24 =	vld [tilespmem:$0x1AB0]  }
0x102: {  	vm4 =	veq.s32 v32, $0x7;
	vm10 =	veq.s32 v32, $0x5;
	v32 =	vnsel vm6, $0x0, v29;
	v29 =	vld [tilespmem:$0x1AF0]  }
0x103: {  	v60 =	vld [tilespmem:$0x1B40]  }
0x104: {  	vm5 =	veq.s32 v56, $0x5;
	v4 =	vsel vm10, v20, v61;
	v20 =	vld [tilespmem:$0x1A70]  }
0x105: {  	v63 =	vsel vm5, v25, v62;
	v25 =	vld [tilespmem:$0x1AC0]  }
0x106: {  	vm9 =	veq.s32 v1, $0x2;
	v61 =	vld [tilespmem:$0x1B50]  }
0x107: {  	vm8 =	veq.s32 v1, $0x1;
	vm11 =	veq.s32 v1, $0x3;
	vm12 =	veq.s32 v1, $0x4;
	v62 =	vld [tilespmem:$0x1B80]  }
0x108: {  	vm14 =	veq.s32 v14, $0x0;
	vm7 =	veq.s32 v56, $0x6;
	v4 =	vsel vm13, v26, v4;
	v26 =	vld [tilespmem:$0x1AD0]  }
0x109: {  	v40 =	vnsel vm14, $0x0, v40;
	v0 =	vsel vm4, v2, v4;
	v4 =	vsel vm8, v30, v32;
	v30 =	vld [tilespmem:$0xB00]  }
0x10a: {  	vm15 =	veq.s32 v14, $0x1;
	vm6 =	veq.s32 v14, $0x3;
	vm14 =	veq.s32 v28, $0x3;
	v32 =	vld [tilespmem:$0x1B20]  }
0x10b: {  	vm10 =	veq.s32 v56, $0x7;
	v2 =	vsel vm7, v5, v63;
	v5 =	vsel vm15, v41, v40;
	v40 =	vld [tilespmem:$0x1B90]  }
0x10c: {  	vm5 =	veq.s32 v14, $0x2;
	vm13 =	veq.s32 v1, $0x5;
	vm4 =	veq.s32 v1, $0x6;
	v41 =	vld [tilespmem:$0x1BA0]  }
0x10d: {  	vm8 =	veq.s32 v14, $0x4;
	v4 =	vsel vm9, v31, v4;
	v2 =	vsel vm10, v16, v2;
	v16 =	vld [tilespmem:$0x1AE0]  }
0x10e: {  	v31 =	vld [tilespmem:$0x1B00];
	v5 =	vsel vm5, v47, v5;
	vm9 =	veq.s32 v28, $0x0;
	v4 =	vsel vm11, v33, v4  }
0x10f: {  	v5 =	vsel vm6, v49, v5;
	v56 =	vnsel vm9, $0x0, v43;
	vm11 =	veq.s32 v28, $0x1;
	v49 =	vld [tilespmem:$0x1C10]  }
0x110: {  	vm7 =	veq.s32 v1, $0x7;
	v54 =	vsel vm8, v50, v5;
	v5 =	vsel vm11, v48, v56;
	v48 =	vld [tilespmem:$0x1C00]  }
0x111: {  	vm15 =	veq.s32 v28, $0x4;
	vm10 =	veq.s32 v14, $0x5;
	v4 =	vsel vm12, v34, v4;
	v56 =	vld [tilespmem:$0x1FFA0]  }
0x112: {  	vm5 =	veq.s32 v28, $0x5;
	vm12 =	veq.s32 v28, $0x2;
	v4 =	vsel vm13, v35, v4;
	v35 =	vld [tilespmem:$0x1B60]  }
0x113: {  	vm6 =	veq.s32 v38, $0x0;
	vm9 =	veq.s32 v38, $0x2;
	v5 =	vsel vm12, v44, v5;
	v44 =	vld [tilespmem:$0x1BB0]  }
0x114: {  	v63 =	vnsel vm6, $0x0, v57;
	vm8 =	veq.s32 v38, $0x1;
	v4 =	vsel vm4, v19, v4;
	v19 =	vld [tilespmem:$0x1B10]  }
0x115: {  	vm11 =	veq.s32 v38, $0x3;
	vm13 =	veq.s32 v14, $0x6;
	vm4 =	veq.s32 v14, $0x7;
	v14 =	vld [tilespmem:$0xB80]  }
0x116: {  	vm6 =	veq.s32 v13, $0x3;
	vm12 =	veq.s32 v38, $0x4;
	v5 =	vsel vm14, v45, v5;
	v45 =	vld [tilespmem:$0x1BC0]  }
0x117: {  	vm14 =	veq.s32 v13, $0x0;
	v1 =	vsel vm7, v27, v4;
	v5 =	vsel vm15, v46, v5;
	v46 =	vld [tilespmem:$0x1BD0]  }
0x118: {  	v4 =	vsel vm10, v39, v54;
	vm7 =	veq.s32 v28, $0x6;
	v47 =	vnsel vm14, $0x0, v21;
	v21 =	vld [tilespmem:$0x1BE0]  }
0x119: {  	v39 =	vsel vm8, v58, v63;
	vm10 =	veq.s32 v28, $0x7;
	vm15 =	veq.s32 v13, $0x1;
	v58 =	vld [tilespmem:$0x1C60]  }
0x11a: {  	vm8 =	veq.s32 v13, $0x4;
	vm14 =	veq.s32 v30, $0x3;
	v63 =	vld [tilespmem:$0x1FFD0];
	v4 =	vsel vm13, v37, v4  }
0x11b: {  	v37 =	vld [tilespmem:$0x1B70];
	v5 =	vsel vm5, v52, v5;
	v43 =	vsel vm9, v59, v39;
	vm13 =	veq.s32 v38, $0x5  }
0x11c: {  	vm5 =	veq.s32 v13, $0x2;
	vm9 =	veq.s32 v30, $0x0;
	v52 =	vld [tilespmem:$0x1C30];
	v4 =	vsel vm4, v36, v4  }
0x11d: {  	v59 =	vld [tilespmem:$0x1FFB0];
	v5 =	vsel vm7, v53, v5;
	v15 =	vsel vm11, v15, v43;
	vm4 =	veq.s32 v38, $0x6  }
0x11e: {  	vm7 =	veq.s32 v38, $0x7;
	v50 =	vnsel vm9, $0x0, v31;
	vm11 =	veq.s32 v30, $0x1;
	v53 =	vld [tilespmem:$0x1C40]  }
0x11f: {  	v36 =	vld [tilespmem:$0x1C80];
	v5 =	vsel vm10, v42, v5;
	v15 =	vsel vm12, v18, v15;
	vm10 =	veq.s32 v13, $0x5  }
0x120: {  	v38 =	vld [tilespmem:$0x1FFE0];
	vm12 =	veq.s32 v30, $0x2;
	v15 =	vsel vm13, v17, v15;
	v17 =	vsel vm15, v23, v47  }
0x121: {  	v42 =	vld [tilespmem:$0x1CA0];
	v19 =	vsel vm11, v19, v50;
	vm13 =	veq.s32 v13, $0x6;
	vm15 =	veq.s32 v30, $0x4  }
0x122: {  	v23 =	vld [tilespmem:$0x1BF0];
	vm9 =	veq.s32 v14, $0x2;
	vm11 =	veq.s32 v14, $0x3;
	v15 =	vsel vm4, v51, v15  }
0x123: {  	v47 =	vld [tilespmem:$0x1CD0];
	v17 =	vsel vm5, v22, v17;
	v19 =	vsel vm12, v32, v19;
	vm4 =	veq.s32 v13, $0x7  }
0x124: {  	v50 =	vld [tilespmem:$0xD00];
	vm5 =	veq.s32 v30, $0x5;
	vm12 =	veq.s32 v14, $0x4;
	v17 =	vsel vm6, v24, v17  }
0x125: {  	[tilespmem:$0x2380] =	vst v6;
	v22 =	vld [tilespmem:$0xC00];
	v15 =	vsel vm7, v20, v15;
	v54 =	vsel vm14, v55, v19;
	vm6 =	veq.s32 v14, $0x0  }
0x126: {  	[tilespmem:$0x2400] =	vst v7;
	v51 =	vld [tilespmem:$0x1C20];
	vm7 =	veq.s32 v30, $0x6;
	v17 =	vsel vm8, v25, v17;
	v57 =	vsel vm15, v60, v54  }
0x127: {  	[tilespmem:$0x2480] =	vst v8;
	v32 =	vld [tilespmem:$0xC80];
	v62 =	vnsel vm6, $0x0, v62;
	vm8 =	veq.s32 v14, $0x1;
	v17 =	vsel vm10, v26, v17  }
0x128: {  	[tilespmem:$0x2500] =	vst v9;
	v55 =	vld [tilespmem:$0x1C50];
	v13 =	vsel vm5, v61, v57;
	vm10 =	veq.s32 v30, $0x7;
	v16 =	vsel vm13, v16, v17  }
0x129: {  	[tilespmem:$0x2580] =	vst v10;
	v60 =	vld [tilespmem:$0x1C70];
	v13 =	vsel vm7, v35, v13;
	vm13 =	veq.s32 v14, $0x5;
	vm7 =	veq.s32 v14, $0x7  }
0x12a: {  	[tilespmem:$0x2600] =	vst v11;
	v61 =	vld [tilespmem:$0x1FFC0];
	v16 =	vsel vm4, v29, v16;
	v29 =	vsel vm8, v40, v62;
	v13 =	vsel vm10, v37, v13  }
0x12b: {  	[tilespmem:$0x2680] =	vst v12;
	v57 =	vld [tilespmem:$0x1D30];
	vm14 =	veq.s32 v22, $0x0;
	vm15 =	veq.s32 v22, $0x1;
	vm4 =	veq.s32 v14, $0x6  }
0x12c: {  	[tilespmem:$0x2700] =	vst v3;
	v40 =	vld [tilespmem:$0x1C90];
	vm5 =	veq.s32 v22, $0x2;
	vm6 =	veq.s32 v22, $0x3;
	v29 =	vsel vm9, v41, v29  }
0x12d: {  	[tilespmem:$0x2780] =	vst v0;
	vm8 =	veq.s32 v22, $0x4;
	vm10 =	veq.s32 v22, $0x6;
	v41 =	vld [tilespmem:$0x1FFF0];
	v29 =	vsel vm11, v44, v29  }
0x12e: {  	[tilespmem:$0x2800] =	vst v2;
	vm9 =	veq.s32 v22, $0x5;
	v44 =	vld [tilespmem:$0x1CB0];
	v43 =	vsel vm12, v45, v29;
	v45 =	vnsel vm14, $0x0, v48  }
0x12f: {  	[tilespmem:$0x2880] =	vst v1;
	vm11 =	veq.s32 v32, $0x0;
	v48 =	vld [tilespmem:$0x1CE0];
	vm12 =	veq.s32 v32, $0x1;
	v7 =	vsel vm15, v49, v45  }
0x130: {  	[tilespmem:$0x2180] =	vst v61;
	vm14 =	veq.s32 v32, $0x2;
	v61 =	vld [tilespmem:$0x1D60];
	v6 =	vsel vm13, v46, v43;
	v7 =	vsel vm5, v51, v7  }
0x131: {  	[tilespmem:$0x2080] =	vst v56;
	vm13 =	veq.s32 v22, $0x7;
	vm15 =	veq.s32 v32, $0x3;
	v51 =	vld [tilespmem:$0x1D00];
	v7 =	vsel vm6, v52, v7  }
0x132: {  	[tilespmem:$0x2900] =	vst v4;
	v6 =	vsel vm4, v21, v6;
	vm4 =	veq.s32 v32, $0x4;
	v7 =	vsel vm8, v53, v7;
	v53 =	vld [tilespmem:$0x1D10]  }
0x133: {  	[tilespmem:$0x2980] =	vst v5;
	vm5 =	veq.s32 v50, $0x0;
	v6 =	vsel vm7, v23, v6;
	v7 =	vsel vm9, v55, v7;
	v55 =	vld [tilespmem:$0x1D20]  }
0x134: {  	[tilespmem:$0x2200] =	vst v63;
	v46 =	vld [tilespmem:$0x1CC0];
	v52 =	vnsel vm11, $0x0, v36;
	vm6 =	veq.s32 v50, $0x1;
	vm7 =	veq.s32 v32, $0x5  }
0x135: {  	[tilespmem:$0x2100] =	vst v59;
	vm11 =	veq.s32 v50, $0x4;
	v54 =	vsel vm12, v40, v52;
	v7 =	vsel vm10, v58, v7;
	v58 =	vld [tilespmem:$0x1D40]  }
0x136: {  	[tilespmem:$0x2280] =	vst v38;
	vm8 =	veq.s32 v50, $0x2;
	v56 =	vsel vm13, v60, v7;
	v59 =	vnsel vm5, $0x0, v51;
	v60 =	vld [tilespmem:$0x1D50]  }
0x137: {  	[tilespmem:$0x2A00] =	vst v15;
	v49 =	vld [tilespmem:$0x1CF0];
	vm12 =	veq.s32 v50, $0x5;
	v0 =	vsel vm14, v42, v54;
	v4 =	vsel vm6, v53, v59  }
0x138: {  	v62 =	vld [tilespmem:$0x1D70];
	[tilespmem:$0x2A80] =	vst v16;
	vm9 =	veq.s32 v50, $0x3;
	v0 =	vsel vm15, v44, v0;
	v3 =	vsel vm8, v55, v4  }
0x139: {  	[tilespmem:$0x2B00] =	vst v13;
	vm14 =	veq.s32 v50, $0x6;
	v0 =	vsel vm4, v46, v0;
	v3 =	vsel vm9, v57, v3  }
0x13a: {  	[tilespmem:$0x2300] =	vst v41;
	vm10 =	veq.s32 v32, $0x6;
	v0 =	vsel vm7, v47, v0;
	v1 =	vsel vm11, v58, v3  }
0x13b: {  	[tilespmem:$0x2B80] =	vst v6;
	vm13 =	veq.s32 v32, $0x7;
	v0 =	vsel vm10, v48, v0;
	v1 =	vsel vm12, v60, v1  }
0x13c: {  	vm15 =	veq.s32 v50, $0x7;
	[tilespmem:$0x2C00] =	vst v56;
	v0 =	vsel vm13, v49, v0;
	v1 =	vsel vm14, v61, v1  }
0x13d: {  	p0 =	sne.s32 s6, $0x1;
	[tilespmem:$0x2C80] =	vst v0;
	v63 =	vsel vm15, v62, v1  }
.Ltmp1:
0x13e: {  	[tilespmem:$0x2D00] =	vst v63;
	(pc) =	sbr.rel @p0 .LBB2_2-.Ltmp1, $4  }
0x13f: {  	[hbm4b:s5+s7] =	stream.linear.scatter [tilespmem:s13], [sflag:$0x2], $0xD00, $0x38;
	[tilespmem:$0x3080] =	vst v63  }
0x140: {  	_ =	swait.ge [sflag:s8], $0xD00  }
0x141: {  	[sflag:s8] =	ssyncset.done $0x0  }
0x142: {  	s6 =	sadd.s32 $0xFFFFFFFF, s6;
	[sflag:s8] =	ssyncadd.s32 $0xFFFFF300  }
.LBB2_3:
0x143: {  	_ =	sfence.sel $0x180000  }
0x144: {  	[bflag:$0x0] =	sbarrier.arrive $0xFFFF  }
0x145: {  	p0 =	sne.s32 s0, $0x0;
	_ =	strace $0x90000047  }
0x146: {  	s0 =	sadd.s32 @!p0 $0x100000, s1;
	[bflag:$0x2] =	sbarrier.arrive $0xFFFF  }
0x147: {  	[sflag:s0] =	ssyncadd.tile.s32 @!p0 $0x1;
	_ =	shalt  }
.Lfunc_end2:
_tile_overlayer_lowered:
.L_overlay_start_2:
0x148: {  	(tag) =	ssettag $0x2  }
0x149: {  	s0 =	rddreg [dreg:$0x0];
	s2 =	stileid.u32  }
0x14a: {  	s1 =	rddreg [dreg:$0x1];
	p0 =	sne.s32 s2, $0x0  }
0x14b: {  	s3 =	rddreg [dreg:$0x2];
	[bflag:$0x3] =	sbarrier.arrive $0xFFFF;
	s2 =	simm.s32 @!p0 $0x1C02  }
0x14c: {  	[timem:s3], [sflag:s2] =	dma.local @!p0 [hbm:s0], s1  }
0x14d: {  	s0 =	simm.s32 @!p0 $0x2  }
0x14e: {  	_ =	swait.ge @!p0 [sflag:s0], s1  }
0x14f: {  	s1 =	ssub.s32 @!p0 $0x0, s1;
	[sflag:s0] =	ssyncset.done @!p0 $0x0  }
0x150: {  	[sflag:s0] =	ssyncadd.s32 @!p0 s1  }
0x151: {  	[bflag:$0x3] =	sbarrier.arrive $0xFFFF  }
0x152: {  	_ =	shalt  }

// kernel: sparse-core-data-format-call.cloned.1.call-start
scs
called_computation_lowered:
.L_overlay_start_0:
0x0: {  	s2 =	sld [smem:$0x3FD9]  }
0x1: {  	s3 =	sld [smem:$0x3FFE];
	_ =	sdelay $0x1  }
0x2: {  	s1 =	srdreg.scid  }
0x3: {  	s0 =	sand.u32 $0x1, s1  }
0x4: {  	s16 =	sshll.u32 s0, $0xA;
	s2 =	sadd.s32 s3, s2  }
0x5: {  	s2 =	sadd.s32 s2, s16  }
0x6: {  	[smem:$0x3FC5] =	sst s2  }
0x7: {  	_ = 	snop  }
0x8: {  	s2 =	sld [smem:$0x3FD0];
	_ =	sdelay $0x2  }
0x9: {  	s17 =	simm.s32 $0xB;
	s4 =	simm.s32 $0x10  }
0xa: {  	[smem:s4], [sflag:s17] =	dma.local [hbm:s2], $0x1  }
0xb: {  	_ =	swait.eq [sflag:s17], $0x1  }
0xc: {  	[sflag:s17] =	ssyncset.done $0x0  }
0xd: {  	[sflag:s17] =	ssyncadd.s32 $0xFFFFFFFF  }
0xe: {  	s18 =	sld [smem:$0x11];
	(tm) =	ssettm $0x1  }
0xf: {  	s19 =	sld [smem:$0x3FFB];
	_ =	sdelay $0x3  }
0x10: {  	_ =	strace s19  }
0x11: {  	s2 =	sld [smem:$0x3FFC];
	_ =	sdelay $0x3  }
0x12: {  	_ =	strace s2  }
0x13: {  	s2 =	sld [smem:$0x3FFD];
	_ =	sdelay $0x3  }
0x14: {  	_ =	strace s2  }
0x15: {  	_ =	strace $0x8FFFFFFF  }
0x16: {  	s20 =	sld [smem:$0x3FDB];
	_ =	sdelay $0x1  }
0x17: {  	s21 =	simm.s32 $_scs_section_size  }
0x18: {  	s5 =	simm.s32 $_size__tile_overlayer_lowered;
	s6 =	simm.s32 $_tile_overlayer_lowered  }
0x19: {  	s7 =	simm.s32 $0x1BFF;
	s22 =	sshll.u32 s6, $0x1;
	s4 =	sadd.s32 s21, s20  }
0x1a: {  	s23 =	simm.s32 $0x0;
	s5 =	sshll.u32 s5, $0x1;
	s6 =	sadd.s32 s22, s4  }
0x1b: {  	[timem:s23], [sflag:s7] =	dma.local [hbm:s6], s5  }
0x1c: {  	_ =	swait.ge [sflag:s7], s5  }
0x1d: {  	s5 =	ssub.s32 $0x0, s5;
	[sflag:s7] =	ssyncset.done $0x0  }
0x1e: {  	[sflag:s7] =	ssyncadd.s32 s5;
	_ =	sdelay $0x1  }
0x1f: {  	s24 =	simm.s32 $0x1B8B  }
0x20: {  	_ =	swait.ge [sflag:s24], $0x1  }
0x21: {  	[sflag:s24] =	ssyncset.done $0x0  }
0x22: {  	[sflag:s24] =	ssyncadd.s32 $0xFFFFFFFF  }
0x23: {  	s5 =	sld [smem:$0x0]  }
0x24: {  	s6 =	sand.u32 $0xFFFFFFFE, s1  }
0x25: {  	p0 =	sne.s32 s1, s6  }
0x26: {  	s6 =	sshll.u32 @p0 s6, $0xE  }
0x27: {  	s6 =	sadd.s32 @p0 $0x11B8D, s6;
	s7 =	sshll.u32 @p0 s5, $0x11  }
0x28: {  	s6 =	sor.u32 @p0 s7, s6  }
0x29: {  	[sflag:s6] =	ssyncadd.remote.s32 @p0 $0x1;
	_ =	sdelay $0x1  }
0x2a: {  	s6 =	simm.s32 @p0 $0x1B8D  }
0x2b: {  	_ =	swait.eq @p0 [sflag:s6], $0x1  }
0x2c: {  	[sflag:s6] =	ssyncadd.s32 @p0 $0xFFFFFFFF  }
0x2d: {  	s7 =	sshll.u32 @!p0 s1, $0xE  }
0x2e: {  	s7 =	sor.u32 @!p0 $0x4000, s7;
	s6 =	simm.s32 @!p0 $0x1B8D  }
0x2f: {  	s5 =	sshll.u32 @!p0 s5, $0x11;
	s7 =	sadd.s32 @!p0 $0x11B8D, s7;
	_ =	swait.eq @!p0 [sflag:s6], $0x1  }
0x30: {  	s5 =	sor.u32 @!p0 s5, s7;
	[sflag:s6] =	ssyncadd.s32 @!p0 $0xFFFFFFFF  }
0x31: {  	s26 =	simm.s32 $0x1B8E;
	s25 =	sld [smem:$0x3FFE];
	[sflag:s5] =	ssyncadd.remote.s32 @!p0 $0x1  }
0x32: {  	s27 =	simm.s32 $execute0_lowered;
	[smem:$0x3FD2] =	sst s26  }
0x33: {  	s6 =	sshll.u32 s27, $0x1;
	_ =	strace $0x80000049;
	[dreg:$0x1] =	wrdreg $0xFFFFFFFF  }
0x34: {  	s28 =	simm.s32 $_size_execute0_lowered;
	s4 =	sadd.s32 s4, s6;
	[dreg:$0x0] =	wrdreg $0x0  }
0x35: {  	s6 =	sshll.u32 s28, $0x1;
	[dreg:$0x2] =	wrdreg s4  }
0x36: {  	[dreg:$0x3] =	wrdreg s6  }
0x37: {  	[dreg:$0x4] =	wrdreg $0xC0  }
0x38: {  	_ =	task [dreg:s23], $0x5FFFF  }
0x39: {  	[dreg:$0x1] =	wrdreg $0xFFFFFFFF  }
0x3a: {  	[dreg:$0x0] =	wrdreg $0x60  }
0x3b: {  	[dreg:$0x2] =	wrdreg s25  }
0x3c: {  	[dreg:$0x3] =	wrdreg s18  }
0x3d: {  	[dreg:$0x4] =	wrdreg $0x9  }
0x3e: {  	_ =	task.clear_ibuf [dreg:s23], $0x5FFFF;
	_ =	strace $0x90000049  }
0x3f: {  	s29 =	simm.s32 $0x9;
	_ =	strace $0x8000004B  }
0x40: {  	_ =	swait.ge [sflag:s29], $0x1  }
0x41: {  	[sflag:s29] =	ssyncadd.s32 $0xFFFFFFFF  }
0x42: {  	_ =	strace $0x9000004B  }
0x43: {  	_ =	sfence  }
0x44: {  	s30 =	sld [smem:$0x0];
	_ =	sdelay $0x2  }
0x45: {  	s31 =	sshll.u32 s1, $0xD;
	s1 =	sshrl.u32 s1, $0x2  }
0x46: {  	s4 =	sand.u32 $0x4000, s31;
	s1 =	sadd.s32 s1, s30  }
0x47: {  	s0 =	sor.u32 s4, s0;
	s1 =	sshll.u32 s1, $0x11  }
0x48: {  	s0 =	sor.u32 s1, s0  }
0x49: {  	s0 =	sadd.s32 $0x8F2B, s0  }
0x4a: {  	[sflag:s0] =	ssyncadd.remote.s32 $0x1  }
0x4b: {  	_ =	sfence.sel $0xFFFF  }
0x4c: {  	[dreg:$0x0] =	wrdreg $0xFFFFFFFF;
	(pc) =	sbr.abs _section_cstart, $3  }
0x4d: {  	[dreg:$0x1] =	wrdreg $0xFFFFFFFF  }
0x4e: {  	_ =	task.clear_ibuf [dreg:s23], $0x2FFFF;
	_ =	strace $0x9FFFFFFF  }
0x4f: {  	(tm) =	ssettm $0x7FFFFFFF  }
tec
execute0_lowered:
.L_overlay_start_1:
0x0: {  	(tag) =	ssettag $0x1  }
0x1: {  	s0 =	srdreg.scid;
	s5 =	rddreg [dreg:$0x0]  }
0x2: {  	s3 =	rddreg [dreg:$0x1];
	s1 =	sshll.u32 s0, $0x4  }
0x3: {  	s31 =	simm.s32 $0x2;
	s0 =	stileid.u32;
	s1 =	sand.u32 $0x10, s1  }
0x4: {  	s13 =	simm.s32 $0x0;
	p0 =	por $0x0, $0x0;
	s1 =	sor.u32 s0, s1  }
0x5: {  	s8 =	simm.s32 $0xC3800;
	s12 =	simm.s32 $0x0;
	s2 =	sshll.u32 s1, $0x7  }
.Ltmp0:
0x6: {  	s10 =	simm.s32 $0x0;
	s4 =	ssub.s32 $0x18680, s2;
	(pc) =	sbr.rel .LBB1_1-.Ltmp0, $4  }
0x7: {  	s11 =	simm.s32 $0x0;
	s1 =	rddreg [dreg:$0x2];
	s6 =	sshrl.u32 s4, $0xC  }
0x8: {  	_ =	strace $0x8000004A;
	s4 =	simm.s32 $0x1;
	s7 =	smul.u32 $0x1A, s6  }
0x9: {  	s5 =	sadd.s32 $0xDBC000, s5;
	s9 =	smov.u32 s2;
	[sflag:s4] =	ssyncpa.u1 $0x0  }
0xa: {  	[sflag:s31] =	ssyncpa.u1 $0x0;
	s6 =	sadd.s32 $0x1A, s7;
	s7 =	sadd.s32 $0x1B, s7  }
.LBB1_5:
0xb: {  	s14 =	sadd.s32 $0x1000, s9  }
0xc: {  	s12 =	simm.s32 $0x1;
	p2 =	sgt.s32 s14, $0x1869F  }
0xd: {  	s12 =	simm.s32 @!p2 $0x0  }
0xe: {  	s16 =	sadd.s32 s12, s10  }
0xf: {  	s14 =	smov.u32 @p2 s2;
	p2 =	sgt.s32 s16, $0x19  }
0x10: {  	s16 =	simm.s32 @p2 $0x0;
	p2 =	sne.s32 s11, s7  }
.Ltmp1:
0x11: {  	p1 =	slt.u32 s11, $0x2;
	(pc) =	sbr.rel @!p2 .LBB1_6-.Ltmp1, $4  }
0x12: {  	s15 =	simm.s32 @!p1 $0x2  }
0x13: {  	s13 =	smov.u32 s9;
	p0 =	por !p0, !p0;
	_ =	swait.ge @!p1 [sflag:s15], $0x800  }
0x14: {  	[sflag:s15] =	ssyncset.done @!p1 $0x0;
	s12 =	smov.u32 s10;
	s9 =	smov.u32 s14  }
0x15: {  	[sflag:s15] =	ssyncadd.s32 @!p1 $0xFFFFF800;
	s11 =	sadd.s32 $0x1, s11;
	s10 =	smov.u32 s16  }
.LBB1_1:
0x16: {  	p1 =	sge.u32 s11, s6  }
0x17: {  	s16 =	smov.u32 s10;
	s18 =	smov.u32 s9;
	p2 =	sgt.s32 @!p1 s10, $0x19  }
0x18: {  	s14 =	sand.u32 @!p1 $0x1FFFFFF, s9;
	s17 =	sshra.s32 @!p1 s10, $0x1F;
	p2 =	por !p2, p1  }
0x19: {  	s19 =	sshra.s32 @!p1 s9, $0x1F;
	s16 =	simm.s32 @p2 $0x19;
	p2 =	sgt.s32 @!p1 s9, $0x18620  }
0x1a: {  	s15 =	smulhi.u32 @!p1 $0x14F8B59, s14;
	s17 =	sand.u32 @!p1 s17, s10;
	p2 =	por !p2, p1  }
0x1b: {  	s16 =	ssub.s32 @!p1 s16, s17;
	s17 =	sand.u32 @!p1 s19, s9;
	s18 =	simm.s32 @p2 $0x18620  }
0x1c: {  	s16 =	sadd.s32 @!p1 $0xFFFFFFE7, s16;
	s17 =	ssub.s32 @!p1 s18, s17  }
0x1d: {  	s15 =	sshrl.u32 @!p1 s15, $0x9;
	p2 =	sgt.s32 @!p1 s16, $0x0;
	s18 =	sadd.s32 @!p1 $0xFFFE79E0, s17  }
0x1e: {  	s16 =	sshll.u32 @!p1 s16, $0x4;
	s17 =	ssub.s32 @!p1 $0x186A0, s17;
	p3 =	sgt.s32 @!p1 s18, $0x7F  }
0x1f: {  	s16 =	ssub.s32 @!p1 $0x10, s16;
	p2 =	por !p2, p1;
	p3 =	por !p3, p1  }
0x20: {  	s15 =	smul.u32 @!p1 $0x186A0, s15;
	s16 =	simm.s32 @!p2 $0x0;
	s17 =	simm.s32 @!p3 $0x0  }
0x21: {  	s18 =	sxor.u32 @!p1 $0xFFFFFFFF, s11;
	s16 =	smul.u32 @!p1 s17, s16  }
0x22: {  	s14 =	ssub.s32 @!p1 s14, s15;
	s17 =	sshll.u32 @!p1 s18, $0xB;
	s18 =	smul.u32 @!p1 $0x186A00, s10  }
0x23: {  	s14 =	sshll.u32 @!p1 s14, $0x4  }
0x24: {  	s17 =	sand.u32 @!p1 $0x800, s17;
	s15 =	sand.u32 @!p1 $0x3FFFFFF0, s16;
	s16 =	sadd.s32 @!p1 s5, s18  }
0x25: {  	s18 =	simm.s32 @!p1 $0x80;
	s14 =	sadd.s32 @!p1 s14, s16;
	s16 =	simm.s32 @!p1 $0x10  }
0x26: {  	[tilespmem:s17], [sflag:$0x1] =	stream.strided.gather @!p1 [hbm4b:s14+s16], s15, s18, s16, $0x38;
	[tilespmem:$0x2020] =	vst v63  }
0x27: {  	p1 =	seq.s32 s11, $0x0  }
0x28: {  	p2 =	sge.u32 @!p1 s11, s7  }
0x29: {  	p1 =	por p1, p2  }
.Ltmp2:
0x2a: {  	_ = 	snop;
	(pc) =	sbr.rel @p1 .LBB1_5-.Ltmp2, $1  }
0x2b: {  	_ =	sdelay $0x3  }
0x2c: {  	p1 =	sgt.s32 s12, $0x19;
	s14 =	smov.u32 s12  }
0x2d: {  	s15 =	sshra.s32 s12, $0x1F;
	s16 =	smov.u32 s13;
	s17 =	sshra.s32 s13, $0x1F  }
0x2e: {  	s14 =	simm.s32 @!p1 $0x19;
	s15 =	sand.u32 s15, s12;
	p1 =	sgt.s32 s13, $0x18620  }
0x2f: {  	s27 =	sand.u32 s17, s13;
	s14 =	ssub.s32 s14, s15;
	s16 =	simm.s32 @!p1 $0x18620  }
0x30: {  	s14 =	sadd.s32 $0xFFFFFFE7, s14;
	s15 =	ssub.s32 s16, s27  }
0x31: {  	p1 =	sgt.s32 s14, $0x0;
	s16 =	sadd.s32 $0xFFFE79E0, s15;
	s14 =	sshll.u32 s14, $0x4  }
0x32: {  	s15 =	ssub.s32 $0x186A0, s15;
	p2 =	sgt.s32 s16, $0x7F;
	s14 =	ssub.s32 $0x10, s14  }
0x33: {  	s15 =	simm.s32 @p2 $0x0;
	s14 =	simm.s32 @p1 $0x0  }
0x34: {  	s14 =	smul.u32 s15, s14;
	_ =	sdelay $0x1  }
0x35: {  	s15 =	simm.s32 $0x1;
	s14 =	sand.u32 $0x3FFFFFF0, s14  }
0x36: {  	s15 =	simm.s32 @!p0 $0x0;
	_ =	swait.ge [sflag:s4], s14  }
0x37: {  	s28 =	sshll.u32 s15, $0xB;
	s14 =	ssub.s32 $0x0, s14;
	[sflag:s4] =	ssyncset.done $0x0  }
0x38: {  	s29 =	sor.u32 $0x40, s28;
	[sflag:s4] =	ssyncadd.s32 s14  }
0x39: {  	v1 =	vld [tilespmem:s29+$0x30]  }
0x3a: {  	s30 =	smul.u32 $0x2040, s15;
	v3 =	vld [tilespmem:s29+$0xFFFFFFD0]  }
0x3b: {  	v5 =	vld [tilespmem:s29+$0xFFFFFFE0]  }
0x3c: {  	s31 =	sand.u32 $0x1, s11;
	s14 =	sshrl.u32 s30, $0x2;
	v4 =	vld [tilespmem:s29+$0xFFFFFFF0]  }
0x3d: {  	s15 =	smul.u32 $0x2040, s31;
	s14 =	sor.u32 $0x1007, s14;
	v2 =	vld [tilespmem:s29+$0x0]  }
0x3e: {  	v0 =	vld [tilespmem:s29+$0x10];
	[tilespmem:s14+$0x0 ss:$0x81] =	vst.msk $0xffff, v1  }
0x3f: {  	s15 =	sshrl.u32 s15, $0x2;
	[tilespmem:s14+$0xFFFFFFFA ss:$0x81] =	vst.msk $0xffff, v3;
	v3 =	vld [tilespmem:s29+$0x20]  }
0x40: {  	s16 =	simm.s32 $0x0;
	s17 =	sadd.s32 $0x80, s29;
	s15 =	sor.u32 $0x1000, s15;
	v1 =	vld [tilespmem:s29+$0xFFFFFFC0];
	[tilespmem:s14+$0xFFFFFFFB ss:$0x81] =	vst.msk $0xffff, v5  }
.LBB1_3:
0x41: {  	v5 =	vld [tilespmem:s17+$0x30];
	s16 =	sadd.s32 $0x8, s16;
	[tilespmem:s14+$0xFFFFFFFC ss:$0x81] =	vst.msk $0xffff, v4  }
0x42: {  	v6 =	vld [tilespmem:s17+$0xFFFFFFD0];
	p1 =	slt.u32 s16, $0x78;
	[tilespmem:s14+$0xFFFFFFFD ss:$0x81] =	vst.msk $0xffff, v2  }
0x43: {  	v7 =	vld [tilespmem:s17+$0xFFFFFFE0];
	[tilespmem:s14+$0xFFFFFFFE ss:$0x81] =	vst.msk $0xffff, v0  }
.Ltmp3:
0x44: {  	v4 =	vld [tilespmem:s17+$0xFFFFFFF0];
	[tilespmem:s14+$0xFFFFFFFF ss:$0x81] =	vst.msk $0xffff, v3;
	(pc) =	sbr.rel @p1 .LBB1_3-.Ltmp3, $4  }
0x45: {  	v2 =	vld [tilespmem:s17+$0x0];
	[tilespmem:s14+$0xFFFFFFF9 ss:$0x81] =	vst.msk $0xffff, v1;
	s14 =	sadd.s32 $0x8, s14  }
0x46: {  	v0 =	vld [tilespmem:s17+$0x10];
	[tilespmem:s14+$0x0 ss:$0x81] =	vst.msk $0xffff, v5  }
0x47: {  	[tilespmem:s14+$0xFFFFFFFA ss:$0x81] =	vst.msk $0xffff, v6;
	v3 =	vld [tilespmem:s17+$0x20]  }
0x48: {  	v1 =	vld [tilespmem:s17+$0xFFFFFFC0];
	[tilespmem:s14+$0xFFFFFFFB ss:$0x81] =	vst.msk $0xffff, v7;
	s17 =	sadd.s32 $0x80, s17  }
0x49: {  	s16 =	sshll.u32 s13, $0x3  }
0x4a: {  	s29 =	sand.u32 $0x7F, s13;
	s16 =	sand.u32 $0xFFFFFC00, s16  }
0x4b: {  	s13 =	sor.u32 s29, s16;
	s16 =	smulhi.u32 $0xA79C7B17, s16  }
0x4c: {  	s17 =	smulhi.u32 $0xA79C7B17, s13;
	_ =	sdelay $0x1  }
0x4d: {  	s12 =	smul.u32 $0x30E00, s12;
	s16 =	sshrl.u32 s16, $0x10;
	s17 =	sshrl.u32 s17, $0x10  }
0x4e: {  	s16 =	sand.u32 $0xF, s16;
	s17 =	smul.u32 $0x18700, s17  }
0x4f: {  	[tilespmem:s14+$0xFFFFFFFC ss:$0x81] =	vst.msk $0xffff, v4;
	s16 =	smul.u32 $0x30E0, s16  }
.Ltmp4:
0x50: {  	[tilespmem:s14+$0xFFFFFFFD ss:$0x81] =	vst.msk $0xffff, v2;
	s13 =	ssub.s32 s13, s17;
	(pc) =	sbr.rel .LBB1_5-.Ltmp4, $4  }
0x51: {  	[tilespmem:s14+$0xFFFFFFFE ss:$0x81] =	vst.msk $0xffff, v0;
	s12 =	sadd.s32 s3, s12;
	s17 =	sand.u32 $0x7, s13  }
0x52: {  	[tilespmem:s14+$0xFFFFFFFF ss:$0x81] =	vst.msk $0xffff, v3;
	s12 =	sadd.s32 s16, s12;
	s13 =	sshrl.u32 s13, $0x3;
	s30 =	sshll.u32 s17, $0x12  }
0x53: {  	[tilespmem:s14+$0xFFFFFFF9 ss:$0x81] =	vst.msk $0xffff, v1;
	s12 =	sadd.s32 s13, s12;
	s31 =	sor.u32 $0x400, s30  }
0x54: {  	[hbm4b:s12+s31] =	stream.strided.scatter [tilespmem:s15], [sflag:$0x2], $0x800, s8, s31, $0x20;
	[tilespmem:$0x2020] =	vst v63  }
.LBB1_6:
0x55: {  	_ =	sfence.sel $0x180000  }
0x56: {  	s2 =	simm.s32 $0x1;
	[bflag:$0x0] =	sbarrier.arrive $0xFFFF  }
0x57: {  	s31 =	simm.s32 $0x2;
	[sflag:s2] =	ssyncpa.u1 $0x1  }
0x58: {  	[sflag:s31] =	ssyncpa.u1 $0x1  }
0x59: {  	p0 =	sne.s32 s0, $0x0;
	_ =	strace $0x9000004A  }
0x5a: {  	s0 =	sadd.s32 @!p0 $0x100000, s1;
	[bflag:$0x2] =	sbarrier.arrive $0xFFFF  }
0x5b: {  	[sflag:s0] =	ssyncadd.tile.s32 @!p0 $0x1;
	_ =	shalt  }
.Lfunc_end1:
_tile_overlayer_lowered:
.L_overlay_start_2:
0x5c: {  	(tag) =	ssettag $0x2  }
0x5d: {  	s0 =	rddreg [dreg:$0x0];
	s2 =	stileid.u32  }
0x5e: {  	s1 =	rddreg [dreg:$0x1];
	p0 =	sne.s32 s2, $0x0  }
0x5f: {  	s3 =	rddreg [dreg:$0x2];
	[bflag:$0x3] =	sbarrier.arrive $0xFFFF;
	s2 =	simm.s32 @!p0 $0x1C01  }
0x60: {  	[timem:s3], [sflag:s2] =	dma.local @!p0 [hbm:s0], s1  }
0x61: {  	s0 =	simm.s32 @!p0 $0x1  }
0x62: {  	_ =	swait.ge @!p0 [sflag:s0], s1  }
0x63: {  	s1 =	ssub.s32 @!p0 $0x0, s1;
	[sflag:s0] =	ssyncset.done @!p0 $0x0  }
0x64: {  	[sflag:s0] =	ssyncadd.s32 @!p0 s1  }
0x65: {  	[bflag:$0x3] =	sbarrier.arrive $0xFFFF  }
0x66: {  	_ =	shalt  }

</sc_bundles>
